<compile_context>
chip_gen: v7x
topology: tpu7x:2x2x1
jax: 0.10.2.dev20260603
libtpu: 0.0.44.dev20260713+nightly
codegen_flags: <defaults>
</compile_context>

<pallas_src>
import functools

import jax
import jax.numpy as jnp
from jax import lax
from jax.experimental import pallas as pl
from jax.experimental.pallas import tpu as pltpu
from jax.experimental.pallas import tpu_sc as plsc

NC = 2
NS = 16
L = 16


def _pack_bf16_pair(a, b):
    au = lax.bitcast_convert_type(a, jnp.uint32)
    bu = lax.bitcast_convert_type(b, jnp.uint32)
    au = (au + jnp.uint32(0x7FFF) + ((au >> 16) & jnp.uint32(1))) >> 16
    bu = (bu + jnp.uint32(0x7FFF) + ((bu >> 16) & jnp.uint32(1))) \
        & jnp.uint32(0xFFFF0000)
    return lax.bitcast_convert_type(au | bu, jnp.int32)


def _unpack_bf16_halves(p):
    pu = lax.bitcast_convert_type(p, jnp.uint32)
    lo = lax.bitcast_convert_type(pu << 16, jnp.float32)
    hi = lax.bitcast_convert_type(pu & jnp.uint32(0xFFFF0000), jnp.float32)
    return lo, hi


def _stage1_body(h_ref, w1a_ref, w1b_ref, b1_ref, p1_ref, p2_ref):
    h = h_ref[...]
    r1 = jnp.dot(h, w1a_ref[...], preferred_element_type=jnp.float32)
    r2 = (jnp.dot(h, w1b_ref[...], preferred_element_type=jnp.float32)
          + b1_ref[...])
    Hh = r1.shape[1] // 2
    p1_ref[...] = _pack_bf16_pair(r1[:, :Hh], r1[:, Hh:])
    p2_ref[...] = _pack_bf16_pair(r2[:, :Hh], r2[:, Hh:])


def _node_proj(h2, W1a, W1b, b1):
    N, D = h2.shape
    H = W1a.shape[1]
    BN = 1000
    return pl.pallas_call(
        _stage1_body,
        grid=(N // BN,),
        in_specs=[
            pl.BlockSpec((BN, D), lambda i: (i, 0)),
            pl.BlockSpec((D, H), lambda i: (0, 0)),
            pl.BlockSpec((D, H), lambda i: (0, 0)),
            pl.BlockSpec((1, H), lambda i: (0, 0)),
        ],
        out_specs=[
            pl.BlockSpec((BN, H // 2), lambda i: (i, 0)),
            pl.BlockSpec((BN, H // 2), lambda i: (i, 0)),
        ],
        out_shape=[jax.ShapeDtypeStruct((N, H // 2), jnp.int32)] * 2,
    )(h2, W1a, W1b, b1)


def _edge_gather(P1, P2, src, dst, posx, posy, posz):
    N, Hw = P1.shape
    E = src.shape[0]
    NW = NC * NS
    EPW = E // NW
    C = 80
    NCH = EPW // C

    mesh = plsc.VectorSubcoreMesh(core_axis_name="c", subcore_axis_name="s")

    @functools.partial(
        pl.kernel,
        out_type=(jax.ShapeDtypeStruct((E, Hw), jnp.int32),
                  jax.ShapeDtypeStruct((E,), jnp.float32)),
        mesh=mesh,
        scratch_types=[
            pltpu.VMEM((EPW,), jnp.int32),
            pltpu.VMEM((EPW,), jnp.int32),
            pltpu.VMEM((N,), jnp.float32),
            pltpu.VMEM((N,), jnp.float32),
            pltpu.VMEM((N,), jnp.float32),
            pltpu.VMEM((2, C, Hw), jnp.int32),
            pltpu.VMEM((2, C, Hw), jnp.int32),
            pltpu.VMEM((2, C), jnp.float32),
            [pltpu.SemaphoreType.DMA] * 2,
            [pltpu.SemaphoreType.DMA] * 2,
            [pltpu.SemaphoreType.DMA] * 2,
        ],
        compiler_params=pltpu.CompilerParams(needs_layout_passes=False),
    )
    def k(p1_hbm, p2_hbm, src_hbm, dst_hbm, px_hbm, py_hbm, pz_hbm,
          q_hbm, d2_hbm, srcv, dstv, px, py, pz, g1, g2, d2b,
          semg1, semg2, semw):
        cid = lax.axis_index("c")
        sid = lax.axis_index("s")
        wid = sid * NC + cid
        base = wid * EPW
        pltpu.sync_copy(src_hbm.at[pl.ds(base, EPW)], srcv)
        pltpu.sync_copy(dst_hbm.at[pl.ds(base, EPW)], dstv)
        pltpu.sync_copy(px_hbm, px)
        pltpu.sync_copy(py_hbm, py)
        pltpu.sync_copy(pz_hbm, pz)

        def gather_copies(c, s):
            eb = c * C
            cp1 = pltpu.make_async_copy(p1_hbm.at[srcv.at[pl.ds(eb, C)]],
                                        g1.at[s], semg1[s])
            cp2 = pltpu.make_async_copy(p2_hbm.at[dstv.at[pl.ds(eb, C)]],
                                        g2.at[s], semg2[s])
            return cp1, cp2

        def writeout_copies(c, s):
            eb = c * C
            cq = pltpu.make_async_copy(g1.at[s], q_hbm.at[pl.ds(base + eb, C)],
                                       semw[s])
            cd = pltpu.make_async_copy(d2b.at[s], d2_hbm.at[pl.ds(base + eb, C)],
                                       semw[s])
            return cq, cd

        def issue(copies):
            for cp in copies:
                cp.start()

        def wait(copies):
            for cp in copies:
                cp.wait()

        def body(c, s, tail=False):
            wait(gather_copies(c, s))
            if tail:
                wait(writeout_copies(c - 1, s ^ 1))
            else:
                @pl.when(c >= 1)
                def _():
                    wait(writeout_copies(c - 1, s ^ 1))

                issue(gather_copies(c + 1, s ^ 1))

            eb = c * C
            for j in range(C // L):
                s16 = srcv[pl.ds(eb + j * L, L)]
                d16 = dstv[pl.ds(eb + j * L, L)]
                dx = plsc.load_gather(px, [s16]) - plsc.load_gather(px, [d16])
                dy = plsc.load_gather(py, [s16]) - plsc.load_gather(py, [d16])
                dz = plsc.load_gather(pz, [s16]) - plsc.load_gather(pz, [d16])
                d2b[s, pl.ds(j * L, L)] = dx * dx + dy * dy + dz * dz

            @pl.loop(0, C)
            def _row(e):
                for j in range(Hw // L):
                    sl = pl.ds(j * L, L)
                    a = plsc.bitcast(g1[s, e, sl], jnp.bfloat16)
                    b = plsc.bitcast(g2[s, e, sl], jnp.bfloat16)
                    g1[s, e, sl] = plsc.bitcast(a + b, jnp.int32)

            issue(writeout_copies(c, s))

        issue(gather_copies(0, 0))
        npair = (NCH - 1) // 2

        @pl.loop(0, npair)
        def _pair(t):
            body(2 * t, 0)
            body(2 * t + 1, 1)

        body(NCH - 1, 0, tail=True)
        wait(writeout_copies(NCH - 1, 0))

    return k(P1, P2, src, dst, posx, posy, posz)


def _stage3_body(q_ref, d2_ref, w1c_ref, w2_ref, b2_ref, out_ref):
    qlo, qhi = _unpack_bf16_halves(q_ref[...])
    d2 = d2_ref[...]
    Hh = out_ref.shape[-1]
    w1c = w1c_ref[...]
    mlo = jnp.maximum(qlo + d2 * w1c[:, :Hh], 0.0).astype(jnp.bfloat16)
    mhi = jnp.maximum(qhi + d2 * w1c[:, Hh:], 0.0).astype(jnp.bfloat16)
    r = (jnp.dot(mlo, w2_ref[0], preferred_element_type=jnp.float32)
         + jnp.dot(mhi, w2_ref[1], preferred_element_type=jnp.float32)
         + b2_ref[...])
    r = jnp.maximum(r, 0.0)
    out_ref[0] = r[:, :Hh]
    out_ref[1] = r[:, Hh:]


def _edge_mlp(q, d2, w1c, W2s, b2):
    E, Hw = q.shape
    H = 2 * Hw
    BE = 1024
    return pl.pallas_call(
        _stage3_body,
        grid=(E // BE,),
        in_specs=[
            pl.BlockSpec((BE, Hw), lambda i: (i, 0)),
            pl.BlockSpec((BE, 1), lambda i: (i, 0)),
            pl.BlockSpec((1, H), lambda i: (0, 0)),
            pl.BlockSpec((2, Hw, H), lambda i: (0, 0, 0)),
            pl.BlockSpec((1, H), lambda i: (0, 0)),
        ],
        out_specs=pl.BlockSpec((2, BE, H // 2), lambda i: (0, i, 0)),
        out_shape=jax.ShapeDtypeStruct((2, E, H // 2), jnp.float32),
    )(q, d2, w1c, W2s, b2)


def _scatter_add(m2, dst3, N):
    _, E, Hh = m2.shape
    EPS = E // NS
    C = 80
    NCH = EPS // C
    RPT = (N // NS) // 8 * 8
    RPT_LAST = N - (NS - 1) * RPT

    mesh = plsc.VectorSubcoreMesh(core_axis_name="c", subcore_axis_name="s")

    @functools.partial(
        pl.kernel,
        out_type=jax.ShapeDtypeStruct((2, N, Hh), jnp.float32),
        mesh=mesh,
        scratch_types=[
            pltpu.VMEM((128, C), jnp.int32),
            pltpu.VMEM((2, C, Hh), jnp.float32),
            pltpu.VMEM((L, Hh), jnp.float32),
            pltpu.VMEM_SHARED((N, Hh), jnp.float32),
            [pltpu.SemaphoreType.DMA] * 2,
        ],
    )
    def k(m_hbm, dst_hbm, out_hbm, idxb, mbuf, zbuf, acc, seml):
        cid = lax.axis_index("c")
        sid = lax.axis_index("s")
        ebase = sid * EPS
        zero = jnp.zeros((L,), jnp.float32)

        @pl.loop(0, L)
        def _z(r):
            for j in range(Hh // L):
                zbuf[r, pl.ds(j * L, L)] = zero

        rbase = sid * RPT

        @pl.when(sid < NS - 1)
        def _():
            @pl.loop(0, RPT // L)
            def _zc(t):
                pltpu.sync_copy(zbuf, acc.at[pl.ds(rbase + t * L, L)])

        @pl.when(sid == NS - 1)
        def _():
            @pl.loop(0, RPT_LAST // L)
            def _zc(t):
                pltpu.sync_copy(zbuf, acc.at[pl.ds(rbase + t * L, L)])

        plsc.subcore_barrier()

        def load_copy(c, s):
            return pltpu.make_async_copy(
                m_hbm.at[cid, pl.ds(ebase + c * C, C)], mbuf.at[s], seml[s])

        def phase(cbase, nph):
            pltpu.sync_copy(dst_hbm.at[sid, pl.ds(cbase, nph)],
                            idxb.at[pl.ds(0, nph)])
            load_copy(cbase, 0).start()

            @pl.loop(0, nph // 2)
            def _chunk(t):
                for s in (0, 1):
                    k = 2 * t + s
                    c = cbase + k
                    load_copy(c, s).wait()

                    @pl.when(k + 1 < nph)
                    def _():
                        load_copy(c + 1, s ^ 1).start()

                    pltpu.sync_copy(mbuf.at[s], acc.at[idxb.at[k]], add=True)

        phase(0, 128)
        phase(128, NCH - 128)

        plsc.subcore_barrier()

        @pl.when(sid < NS - 1)
        def _():
            pltpu.sync_copy(acc.at[pl.ds(rbase, RPT)],
                            out_hbm.at[cid, pl.ds(rbase, RPT)])

        @pl.when(sid == NS - 1)
        def _():
            pltpu.sync_copy(acc.at[pl.ds(rbase, RPT_LAST)],
                            out_hbm.at[cid, pl.ds(rbase, RPT_LAST)])

    return k(m2, dst3)


def _stage5_body(magg_ref, h_ref, w3_ref, b3_ref, out_ref):
    r = (jnp.dot(magg_ref[0], w3_ref[0], preferred_element_type=jnp.float32)
         + jnp.dot(magg_ref[1], w3_ref[1], preferred_element_type=jnp.float32)
         + b3_ref[...])
    out_ref[...] = h_ref[...] + jnp.maximum(r, 0.0)


def _node_update(magg, h2, W3s, b3):
    N, D = h2.shape
    Hh = W3s.shape[1]
    BN = 1000
    return pl.pallas_call(
        _stage5_body,
        grid=(N // BN,),
        in_specs=[
            pl.BlockSpec((2, BN, Hh), lambda i: (0, i, 0)),
            pl.BlockSpec((BN, D), lambda i: (i, 0)),
            pl.BlockSpec((2, Hh, D), lambda i: (0, 0, 0)),
            pl.BlockSpec((1, D), lambda i: (0, 0)),
        ],
        out_specs=pl.BlockSpec((BN, D), lambda i: (i, 0)),
        out_shape=jax.ShapeDtypeStruct((N, D), jnp.float32),
    )(magg, h2, W3s, b3)


def kernel(h, pos, edge_index, W1, b1, W2, b2, W3, b3):
    B, N, D = h.shape
    E = edge_index.shape[1]
    H = W2.shape[0]

    h2 = h[0]
    posx, posy, posz = pos[0, :, 0], pos[0, :, 1], pos[0, :, 2]
    src = edge_index[0]
    dst = edge_index[1]
    W1a = W1[:D]
    W1b = W1[D:2 * D]
    w1c = W1[2 * D:2 * D + 1]

    P1, P2 = _node_proj(h2, W1a, W1b, b1.reshape(1, H))
    q, d2 = _edge_gather(P1, P2, src, dst, posx, posy, posz)
    m2 = _edge_mlp(q, d2.reshape(E, 1), w1c,
                   W2.astype(jnp.bfloat16).reshape(2, H // 2, H),
                   b2.reshape(1, H))
    dst3 = dst.reshape(NS, (E // NS) // 80, 80)
    magg = _scatter_add(m2, dst3, N)
    h_out = _node_update(magg, h2, W3.reshape(2, H // 2, D), b3.reshape(1, D))
    return (h_out[None], pos)

# --- scband reference (transcript-rebuilt; emitter-appended) ---
"""Pipeline reference for scband-egcl-84602265797067 (READ-ONLY COPY).

The authoritative reference and input builder live on the scoring server;
editing this copy changes nothing except your own understanding.
"""

import jax, jax.numpy as jnp
import numpy as np

B = 1
N = 10000
E = 320000
IN_DIM = 128
HID = 256

def _linear_params(key, fan_in, fan_out):
    k1, k2 = jax.random.split(key)
    bound = 1.0 / np.sqrt(fan_in)
    W = jax.random.uniform(k1, (fan_in, fan_out), jnp.float32, -bound, bound)
    b = jax.random.uniform(k2, (fan_out,), jnp.float32, -bound, bound)
    return W, b

def setup_inputs(seed: int = 0) -> dict:
    key = jax.random.key(seed)
    ks = jax.random.split(key, 6)
    h = jax.random.normal(ks[0], (B, N, IN_DIM), jnp.float32)
    pos = jax.random.normal(ks[1], (B, N, 3), jnp.float32)
    edge_index = jax.random.randint(ks[2], (2, E), 0, N, dtype=jnp.int32)
    W1, b1 = _linear_params(ks[3], 2 * IN_DIM + 1, HID)
    W2, b2 = _linear_params(ks[4], HID, HID)
    W3, b3 = _linear_params(ks[5], HID, IN_DIM)
    return {"h": h, "pos": pos, "edge_index": edge_index,
            "W1": W1, "b1": b1, "W2": W2, "b2": b2, "W3": W3, "b3": b3}

def reference(h, pos, edge_index, W1, b1, W2, b2, W3, b3):
    src = edge_index[0]
    dst = edge_index[1]
    h_src = h[:, src, :]
    h_dst = h[:, dst, :]
    diff = pos[:, src, :] - pos[:, dst, :]
    dist2 = jnp.sum(diff ** 2, axis=-1, keepdims=True)
    x = jnp.concatenate([h_src, h_dst, dist2], axis=-1)
    m = jax.nn.relu(x @ W1 + b1)
    m_ij = jax.nn.relu(m @ W2 + b2)
    Bc, Ec, Hc = m_ij.shape
    Nn = h.shape[1]
    m_agg = jnp.zeros((Bc, Nn, Hc), dtype=h.dtype).at[:, dst, :].add(m_ij)
    h_out = h + jax.nn.relu(m_agg @ W3 + b3)
    return (h_out, pos)

if __name__ == "__main__":
    import jax
    _d = setup_inputs()
    print(jax.jit(kernel)(*tuple(_d.values())))

</pallas_src>

<mosaic_0001>
#map = affine_map<(d0, d1) -> (0, 0)>
#map1 = affine_map<(d0, d1) -> (0)>
module attributes {stable_mosaic.version = 14 : i64} {
  func.func @k(%arg0: i32, %arg1: i32, %arg2: memref<10000x128xi32, #tpu.memory_space<hbm>>, %arg3: memref<10000x128xi32, #tpu.memory_space<hbm>>, %arg4: memref<320000xi32, #tpu.memory_space<hbm>>, %arg5: memref<320000xi32, #tpu.memory_space<hbm>>, %arg6: memref<10000xf32, #tpu.memory_space<hbm>>, %arg7: memref<10000xf32, #tpu.memory_space<hbm>>, %arg8: memref<10000xf32, #tpu.memory_space<hbm>>, %arg9: memref<320000x128xi32, #tpu.memory_space<hbm>>, %arg10: memref<320000xf32, #tpu.memory_space<hbm>>, %arg11: memref<10000xi32, #tpu.memory_space<vmem>>, %arg12: memref<10000xi32, #tpu.memory_space<vmem>>, %arg13: memref<10000xf32, #tpu.memory_space<vmem>>, %arg14: memref<10000xf32, #tpu.memory_space<vmem>>, %arg15: memref<10000xf32, #tpu.memory_space<vmem>>, %arg16: memref<2x80x128xi32, #tpu.memory_space<vmem>>, %arg17: memref<2x80x128xi32, #tpu.memory_space<vmem>>, %arg18: memref<2x80xf32, #tpu.memory_space<vmem>>, %arg19: memref<!tpu.dma_semaphore, #tpu.memory_space<semaphore_mem>>, %arg20: memref<!tpu.dma_semaphore, #tpu.memory_space<semaphore_mem>>, %arg21: memref<!tpu.dma_semaphore, #tpu.memory_space<semaphore_mem>>, %arg22: memref<!tpu.dma_semaphore, #tpu.memory_space<semaphore_mem>>, %arg23: memref<!tpu.dma_semaphore, #tpu.memory_space<semaphore_mem>>, %arg24: memref<!tpu.dma_semaphore, #tpu.memory_space<semaphore_mem>>) attributes {dimension_semantics = [#tpu.dimension_semantics<core_parallel>, #tpu.dimension_semantics<subcore_parallel>], iteration_bounds = array<i64: 2, 16>, scalar_prefetch = 0 : i64, scratch_operands = 14 : i64, tpu.core_type = #tpu.core_type<sc_vector_subcore>, window_params = [{transform_indices = #map}, {transform_indices = #map}, {transform_indices = #map1}, {transform_indices = #map1}, {transform_indices = #map1}, {transform_indices = #map1}, {transform_indices = #map1}, {transform_indices = #map}, {transform_indices = #map1}]} {
    %mul3A = arith.constant 2 : i32
    %mul3A_0 = arith.muli %arg1, %mul3A : i32
    %add3A = arith.addi %mul3A_0, %arg0 : i32
    %mul3A_1 = arith.constant 10000 : i32
    %mul3A_2 = arith.muli %add3A, %mul3A_1 : i32
    "tpu.region"() ({
      %run_scoped3A = tpu.sem_alloc : memref<!tpu.dma_semaphore, #tpu.memory_space<semaphore_mem>>
      %dma_start3A_234 = tpu.memref_slice %arg4[%mul3A_2] : memref<320000xi32, #tpu.memory_space<hbm>> -> memref<10000xi32, #tpu.memory_space<hbm>>
      %dma_start3A_235 = tpu.memref_slice %arg4[%mul3A_2] : memref<320000xi32, #tpu.memory_space<hbm>> -> memref<10000xi32, #tpu.memory_space<hbm>>
      tpu.enqueue_dma source(%dma_start3A_235 : memref<10000xi32, #tpu.memory_space<hbm>>) target(%arg11 : memref<10000xi32, #tpu.memory_space<vmem>>) target_semaphore(%run_scoped3A : memref<!tpu.dma_semaphore, #tpu.memory_space<semaphore_mem>>)
      %dma_wait3A_236 = tpu.memref_slice %arg4[%mul3A_2] : memref<320000xi32, #tpu.memory_space<hbm>> -> memref<10000xi32, #tpu.memory_space<hbm>>
      %dma_wait3A_237 = tpu.memref_slice %arg4[%mul3A_2] : memref<320000xi32, #tpu.memory_space<hbm>> -> memref<10000xi32, #tpu.memory_space<hbm>>
      tpu.wait_dma2 semaphore(%run_scoped3A : memref<!tpu.dma_semaphore, #tpu.memory_space<semaphore_mem>>) src(%dma_wait3A_237 : memref<10000xi32, #tpu.memory_space<hbm>>) dst(%arg11 : memref<10000xi32, #tpu.memory_space<vmem>>)
      tpu.yield
    }) : () -> ()
    "tpu.region"() ({
      %run_scoped3A = tpu.sem_alloc : memref<!tpu.dma_semaphore, #tpu.memory_space<semaphore_mem>>
      %dma_start3A_234 = tpu.memref_slice %arg5[%mul3A_2] : memref<320000xi32, #tpu.memory_space<hbm>> -> memref<10000xi32, #tpu.memory_space<hbm>>
      %dma_start3A_235 = tpu.memref_slice %arg5[%mul3A_2] : memref<320000xi32, #tpu.memory_space<hbm>> -> memref<10000xi32, #tpu.memory_space<hbm>>
      tpu.enqueue_dma source(%dma_start3A_235 : memref<10000xi32, #tpu.memory_space<hbm>>) target(%arg12 : memref<10000xi32, #tpu.memory_space<vmem>>) target_semaphore(%run_scoped3A : memref<!tpu.dma_semaphore, #tpu.memory_space<semaphore_mem>>)
      %dma_wait3A_236 = tpu.memref_slice %arg5[%mul3A_2] : memref<320000xi32, #tpu.memory_space<hbm>> -> memref<10000xi32, #tpu.memory_space<hbm>>
      %dma_wait3A_237 = tpu.memref_slice %arg5[%mul3A_2] : memref<320000xi32, #tpu.memory_space<hbm>> -> memref<10000xi32, #tpu.memory_space<hbm>>
      tpu.wait_dma2 semaphore(%run_scoped3A : memref<!tpu.dma_semaphore, #tpu.memory_space<semaphore_mem>>) src(%dma_wait3A_237 : memref<10000xi32, #tpu.memory_space<hbm>>) dst(%arg12 : memref<10000xi32, #tpu.memory_space<vmem>>)
      tpu.yield
    }) : () -> ()
    "tpu.region"() ({
      %run_scoped3A = tpu.sem_alloc : memref<!tpu.dma_semaphore, #tpu.memory_space<semaphore_mem>>
      tpu.enqueue_dma source(%arg6 : memref<10000xf32, #tpu.memory_space<hbm>>) target(%arg13 : memref<10000xf32, #tpu.memory_space<vmem>>) target_semaphore(%run_scoped3A : memref<!tpu.dma_semaphore, #tpu.memory_space<semaphore_mem>>)
      tpu.wait_dma2 semaphore(%run_scoped3A : memref<!tpu.dma_semaphore, #tpu.memory_space<semaphore_mem>>) src(%arg6 : memref<10000xf32, #tpu.memory_space<hbm>>) dst(%arg13 : memref<10000xf32, #tpu.memory_space<vmem>>)
      tpu.yield
    }) : () -> ()
    "tpu.region"() ({
      %run_scoped3A = tpu.sem_alloc : memref<!tpu.dma_semaphore, #tpu.memory_space<semaphore_mem>>
      tpu.enqueue_dma source(%arg7 : memref<10000xf32, #tpu.memory_space<hbm>>) target(%arg14 : memref<10000xf32, #tpu.memory_space<vmem>>) target_semaphore(%run_scoped3A : memref<!tpu.dma_semaphore, #tpu.memory_space<semaphore_mem>>)
      tpu.wait_dma2 semaphore(%run_scoped3A : memref<!tpu.dma_semaphore, #tpu.memory_space<semaphore_mem>>) src(%arg7 : memref<10000xf32, #tpu.memory_space<hbm>>) dst(%arg14 : memref<10000xf32, #tpu.memory_space<vmem>>)
      tpu.yield
    }) : () -> ()
    "tpu.region"() ({
      %run_scoped3A = tpu.sem_alloc : memref<!tpu.dma_semaphore, #tpu.memory_space<semaphore_mem>>
      tpu.enqueue_dma source(%arg8 : memref<10000xf32, #tpu.memory_space<hbm>>) target(%arg15 : memref<10000xf32, #tpu.memory_space<vmem>>) target_semaphore(%run_scoped3A : memref<!tpu.dma_semaphore, #tpu.memory_space<semaphore_mem>>)
      tpu.wait_dma2 semaphore(%run_scoped3A : memref<!tpu.dma_semaphore, #tpu.memory_space<semaphore_mem>>) src(%arg8 : memref<10000xf32, #tpu.memory_space<hbm>>) dst(%arg15 : memref<10000xf32, #tpu.memory_space<vmem>>)
      tpu.yield
    }) : () -> ()
    %dma_start3A = arith.constant 0 : i32
    %dma_start3A_3 = arith.constant 0 : i32
    %dma_start3A_4 = arith.constant 0 : i32
    %dma_start3A_5 = tpu.memref_slice %arg16[%dma_start3A, %dma_start3A_3, %dma_start3A_4] : memref<2x80x128xi32, #tpu.memory_space<vmem>> -> memref<1x80x128xi32, #tpu.memory_space<vmem>>
    %dma_start3A_6 = tpu.memref_squeeze %dma_start3A_5 : memref<1x80x128xi32, #tpu.memory_space<vmem>> -> memref<80x128xi32, #tpu.memory_space<vmem>>
    %dma_start3A_7 = arith.constant 0 : i32
    %dma_start3A_8 = tpu.memref_slice %arg11[%dma_start3A_7] : memref<10000xi32, #tpu.memory_space<vmem>> -> memref<80xi32, #tpu.memory_space<vmem>>
    %dma_start3A_9 = arith.constant 0 : i32
    %dma_start3A_10 = arith.constant 0 : i32
    %dma_start3A_11 = tpu.memref_slice %arg2[%dma_start3A_9, %dma_start3A_10] : memref<10000x128xi32, #tpu.memory_space<hbm>> -> memref<10000x128xi32, #tpu.memory_space<hbm>>
    tpu.enqueue_indirect_dma source(%dma_start3A_11 : memref<10000x128xi32, #tpu.memory_space<hbm>>) target(%dma_start3A_6 : memref<80x128xi32, #tpu.memory_space<vmem>>) offsets(%dma_start3A_8 : memref<80xi32, #tpu.memory_space<vmem>>) semaphore(%arg19 : memref<!tpu.dma_semaphore, #tpu.memory_space<semaphore_mem>>)
    %dma_start3A_12 = arith.constant 0 : i32
    %dma_start3A_13 = arith.constant 0 : i32
    %dma_start3A_14 = arith.constant 0 : i32
    %dma_start3A_15 = tpu.memref_slice %arg17[%dma_start3A_12, %dma_start3A_13, %dma_start3A_14] : memref<2x80x128xi32, #tpu.memory_space<vmem>> -> memref<1x80x128xi32, #tpu.memory_space<vmem>>
    %dma_start3A_16 = tpu.memref_squeeze %dma_start3A_15 : memref<1x80x128xi32, #tpu.memory_space<vmem>> -> memref<80x128xi32, #tpu.memory_space<vmem>>
    %dma_start3A_17 = arith.constant 0 : i32
    %dma_start3A_18 = tpu.memref_slice %arg12[%dma_start3A_17] : memref<10000xi32, #tpu.memory_space<vmem>> -> memref<80xi32, #tpu.memory_space<vmem>>
    %dma_start3A_19 = arith.constant 0 : i32
    %dma_start3A_20 = arith.constant 0 : i32
    %dma_start3A_21 = tpu.memref_slice %arg3[%dma_start3A_19, %dma_start3A_20] : memref<10000x128xi32, #tpu.memory_space<hbm>> -> memref<10000x128xi32, #tpu.memory_space<hbm>>
    tpu.enqueue_indirect_dma source(%dma_start3A_21 : memref<10000x128xi32, #tpu.memory_space<hbm>>) target(%dma_start3A_16 : memref<80x128xi32, #tpu.memory_space<vmem>>) offsets(%dma_start3A_18 : memref<80xi32, #tpu.memory_space<vmem>>) semaphore(%arg21 : memref<!tpu.dma_semaphore, #tpu.memory_space<semaphore_mem>>)
    %scan3A = arith.constant 0 : i32
    %scan3A_22 = arith.constant 62 : i32
    %scan3A_23 = arith.addi %scan3A, %scan3A_22 : i32
    %scan3A_24 = arith.constant 1 : i32
    scf.for %scan3A_234 = %scan3A to %scan3A_23 step %scan3A_24  : i32 {
      %mul3A_235 = arith.constant 1 : i32
      %mul3A_236 = arith.muli %scan3A_234, %mul3A_235 : i32
      %add3A_237 = arith.constant 0 : i32
      %add3A_238 = arith.addi %add3A_237, %mul3A_236 : i32
      %mul3A_239 = arith.constant 2 : i32
      %mul3A_240 = arith.muli %mul3A_239, %add3A_238 : i32
      %mul3A_241 = arith.constant 80 : i32
      %mul3A_242 = arith.muli %mul3A_240, %mul3A_241 : i32
      %dma_wait3A_243 = arith.constant 0 : i32
      %dma_wait3A_244 = arith.constant 0 : i32
      %dma_wait3A_245 = arith.constant 0 : i32
      %dma_wait3A_246 = tpu.memref_slice %arg16[%dma_wait3A_243, %dma_wait3A_244, %dma_wait3A_245] : memref<2x80x128xi32, #tpu.memory_space<vmem>> -> memref<1x80x128xi32, #tpu.memory_space<vmem>>
      %dma_wait3A_247 = tpu.memref_squeeze %dma_wait3A_246 : memref<1x80x128xi32, #tpu.memory_space<vmem>> -> memref<80x128xi32, #tpu.memory_space<vmem>>
      %dma_wait3A_248 = tpu.memref_slice %arg11[%mul3A_242] : memref<10000xi32, #tpu.memory_space<vmem>> -> memref<80xi32, #tpu.memory_space<vmem>>
      %dma_wait3A_249 = arith.constant 0 : i32
      %dma_wait3A_250 = arith.constant 0 : i32
      %dma_wait3A_251 = tpu.memref_slice %arg2[%dma_wait3A_249, %dma_wait3A_250] : memref<10000x128xi32, #tpu.memory_space<hbm>> -> memref<10000x128xi32, #tpu.memory_space<hbm>>
      tpu.wait_indirect_dma semaphore(%arg19 : memref<!tpu.dma_semaphore, #tpu.memory_space<semaphore_mem>>) src(%dma_wait3A_251 : memref<10000x128xi32, #tpu.memory_space<hbm>>) dst(%dma_wait3A_247 : memref<80x128xi32, #tpu.memory_space<vmem>>)
      %dma_wait3A_252 = arith.constant 0 : i32
      %dma_wait3A_253 = arith.constant 0 : i32
      %dma_wait3A_254 = arith.constant 0 : i32
      %dma_wait3A_255 = tpu.memref_slice %arg17[%dma_wait3A_252, %dma_wait3A_253, %dma_wait3A_254] : memref<2x80x128xi32, #tpu.memory_space<vmem>> -> memref<1x80x128xi32, #tpu.memory_space<vmem>>
      %dma_wait3A_256 = tpu.memref_squeeze %dma_wait3A_255 : memref<1x80x128xi32, #tpu.memory_space<vmem>> -> memref<80x128xi32, #tpu.memory_space<vmem>>
      %dma_wait3A_257 = tpu.memref_slice %arg12[%mul3A_242] : memref<10000xi32, #tpu.memory_space<vmem>> -> memref<80xi32, #tpu.memory_space<vmem>>
      %dma_wait3A_258 = arith.constant 0 : i32
      %dma_wait3A_259 = arith.constant 0 : i32
      %dma_wait3A_260 = tpu.memref_slice %arg3[%dma_wait3A_258, %dma_wait3A_259] : memref<10000x128xi32, #tpu.memory_space<hbm>> -> memref<10000x128xi32, #tpu.memory_space<hbm>>
      tpu.wait_indirect_dma semaphore(%arg21 : memref<!tpu.dma_semaphore, #tpu.memory_space<semaphore_mem>>) src(%dma_wait3A_260 : memref<10000x128xi32, #tpu.memory_space<hbm>>) dst(%dma_wait3A_256 : memref<80x128xi32, #tpu.memory_space<vmem>>)
      %ge3A = arith.constant 1 : i32
      %ge3A_261 = arith.cmpi sge, %mul3A_240, %ge3A : i32
      %convert_element_type3A = arith.extui %ge3A_261 : i1 to i32
      %cond3A = arith.constant 0 : i32
      %cond3A_262 = arith.cmpi ne, %convert_element_type3A, %cond3A : i32
      scf.if %cond3A_262 {
        %sub3A_662 = arith.constant 1 : i32
        %sub3A_663 = arith.subi %mul3A_240, %sub3A_662 : i32
        %mul3A_664 = arith.constant 80 : i32
        %mul3A_665 = arith.muli %sub3A_663, %mul3A_664 : i32
        %add3A_666 = arith.addi %mul3A_2, %mul3A_665 : i32
        %add3A_667 = arith.addi %mul3A_2, %mul3A_665 : i32
        %dma_wait3A_668 = arith.constant 1 : i32
        %dma_wait3A_669 = arith.constant 0 : i32
        %dma_wait3A_670 = arith.constant 0 : i32
        %dma_wait3A_671 = tpu.memref_slice %arg16[%dma_wait3A_668, %dma_wait3A_669, %dma_wait3A_670] : memref<2x80x128xi32, #tpu.memory_space<vmem>> -> memref<1x80x128xi32, #tpu.memory_space<vmem>>
        %dma_wait3A_672 = tpu.memref_squeeze %dma_wait3A_671 : memref<1x80x128xi32, #tpu.memory_space<vmem>> -> memref<80x128xi32, #tpu.memory_space<vmem>>
        %dma_wait3A_673 = arith.constant 0 : i32
        %dma_wait3A_674 = tpu.memref_slice %arg9[%add3A_666, %dma_wait3A_673] : memref<320000x128xi32, #tpu.memory_space<hbm>> -> memref<80x128xi32, #tpu.memory_space<hbm>>
        %dma_wait3A_675 = arith.constant 0 : i32
        %dma_wait3A_676 = tpu.memref_slice %arg9[%add3A_666, %dma_wait3A_675] : memref<320000x128xi32, #tpu.memory_space<hbm>> -> memref<80x128xi32, #tpu.memory_space<hbm>>
        %dma_wait3A_677 = arith.constant 0 : i32
        %dma_wait3A_678 = arith.constant 0 : i32
        %dma_wait3A_679 = tpu.memref_slice %arg16[%dma_wait3A_668, %dma_wait3A_677, %dma_wait3A_678] : memref<2x80x128xi32, #tpu.memory_space<vmem>> -> memref<1x80x128xi32, #tpu.memory_space<vmem>>
        %dma_wait3A_680 = tpu.memref_squeeze %dma_wait3A_679 : memref<1x80x128xi32, #tpu.memory_space<vmem>> -> memref<80x128xi32, #tpu.memory_space<vmem>>
        tpu.wait_dma2 semaphore(%arg24 : memref<!tpu.dma_semaphore, #tpu.memory_space<semaphore_mem>>) src(%dma_wait3A_680 : memref<80x128xi32, #tpu.memory_space<vmem>>) dst(%dma_wait3A_676 : memref<80x128xi32, #tpu.memory_space<hbm>>)
        %dma_wait3A_681 = arith.constant 1 : i32
        %dma_wait3A_682 = arith.constant 0 : i32
        %dma_wait3A_683 = tpu.memref_slice %arg18[%dma_wait3A_681, %dma_wait3A_682] : memref<2x80xf32, #tpu.memory_space<vmem>> -> memref<1x80xf32, #tpu.memory_space<vmem>>
        %dma_wait3A_684 = tpu.memref_squeeze %dma_wait3A_683 : memref<1x80xf32, #tpu.memory_space<vmem>> -> memref<80xf32, #tpu.memory_space<vmem>>
        %dma_wait3A_685 = tpu.memref_slice %arg10[%add3A_667] : memref<320000xf32, #tpu.memory_space<hbm>> -> memref<80xf32, #tpu.memory_space<hbm>>
        %dma_wait3A_686 = tpu.memref_slice %arg10[%add3A_667] : memref<320000xf32, #tpu.memory_space<hbm>> -> memref<80xf32, #tpu.memory_space<hbm>>
        %dma_wait3A_687 = arith.constant 0 : i32
        %dma_wait3A_688 = tpu.memref_slice %arg18[%dma_wait3A_681, %dma_wait3A_687] : memref<2x80xf32, #tpu.memory_space<vmem>> -> memref<1x80xf32, #tpu.memory_space<vmem>>
        %dma_wait3A_689 = tpu.memref_squeeze %dma_wait3A_688 : memref<1x80xf32, #tpu.memory_space<vmem>> -> memref<80xf32, #tpu.memory_space<vmem>>
        tpu.wait_dma2 semaphore(%arg24 : memref<!tpu.dma_semaphore, #tpu.memory_space<semaphore_mem>>) src(%dma_wait3A_689 : memref<80xf32, #tpu.memory_space<vmem>>) dst(%dma_wait3A_686 : memref<80xf32, #tpu.memory_space<hbm>>)
      } else {
      }
      %add3A_263 = arith.constant 1 : i32
      %add3A_264 = arith.addi %mul3A_240, %add3A_263 : i32
      %mul3A_265 = arith.constant 80 : i32
      %mul3A_266 = arith.muli %add3A_264, %mul3A_265 : i32
      %dma_start3A_267 = arith.constant 1 : i32
      %dma_start3A_268 = arith.constant 0 : i32
      %dma_start3A_269 = arith.constant 0 : i32
      %dma_start3A_270 = tpu.memref_slice %arg16[%dma_start3A_267, %dma_start3A_268, %dma_start3A_269] : memref<2x80x128xi32, #tpu.memory_space<vmem>> -> memref<1x80x128xi32, #tpu.memory_space<vmem>>
      %dma_start3A_271 = tpu.memref_squeeze %dma_start3A_270 : memref<1x80x128xi32, #tpu.memory_space<vmem>> -> memref<80x128xi32, #tpu.memory_space<vmem>>
      %dma_start3A_272 = tpu.memref_slice %arg11[%mul3A_266] : memref<10000xi32, #tpu.memory_space<vmem>> -> memref<80xi32, #tpu.memory_space<vmem>>
      %dma_start3A_273 = arith.constant 0 : i32
      %dma_start3A_274 = arith.constant 0 : i32
      %dma_start3A_275 = tpu.memref_slice %arg2[%dma_start3A_273, %dma_start3A_274] : memref<10000x128xi32, #tpu.memory_space<hbm>> -> memref<10000x128xi32, #tpu.memory_space<hbm>>
      tpu.enqueue_indirect_dma source(%dma_start3A_275 : memref<10000x128xi32, #tpu.memory_space<hbm>>) target(%dma_start3A_271 : memref<80x128xi32, #tpu.memory_space<vmem>>) offsets(%dma_start3A_272 : memref<80xi32, #tpu.memory_space<vmem>>) semaphore(%arg20 : memref<!tpu.dma_semaphore, #tpu.memory_space<semaphore_mem>>)
      %dma_start3A_276 = arith.constant 1 : i32
      %dma_start3A_277 = arith.constant 0 : i32
      %dma_start3A_278 = arith.constant 0 : i32
      %dma_start3A_279 = tpu.memref_slice %arg17[%dma_start3A_276, %dma_start3A_277, %dma_start3A_278] : memref<2x80x128xi32, #tpu.memory_space<vmem>> -> memref<1x80x128xi32, #tpu.memory_space<vmem>>
      %dma_start3A_280 = tpu.memref_squeeze %dma_start3A_279 : memref<1x80x128xi32, #tpu.memory_space<vmem>> -> memref<80x128xi32, #tpu.memory_space<vmem>>
      %dma_start3A_281 = tpu.memref_slice %arg12[%mul3A_266] : memref<10000xi32, #tpu.memory_space<vmem>> -> memref<80xi32, #tpu.memory_space<vmem>>
      %dma_start3A_282 = arith.constant 0 : i32
      %dma_start3A_283 = arith.constant 0 : i32
      %dma_start3A_284 = tpu.memref_slice %arg3[%dma_start3A_282, %dma_start3A_283] : memref<10000x128xi32, #tpu.memory_space<hbm>> -> memref<10000x128xi32, #tpu.memory_space<hbm>>
      tpu.enqueue_indirect_dma source(%dma_start3A_284 : memref<10000x128xi32, #tpu.memory_space<hbm>>) target(%dma_start3A_280 : memref<80x128xi32, #tpu.memory_space<vmem>>) offsets(%dma_start3A_281 : memref<80xi32, #tpu.memory_space<vmem>>) semaphore(%arg22 : memref<!tpu.dma_semaphore, #tpu.memory_space<semaphore_mem>>)
      %mul3A_285 = arith.constant 80 : i32
      %mul3A_286 = arith.muli %mul3A_240, %mul3A_285 : i32
      %add3A_287 = arith.constant 0 : i32
      %add3A_288 = arith.addi %mul3A_286, %add3A_287 : i32
      %get3A_289 = arith.index_cast %add3A_288 : i32 to index
      %get3A_290 = tpu.vector_load %arg11[%get3A_289] {strides = array<i32>} : memref<10000xi32, #tpu.memory_space<vmem>>, vector<16xi32>,
      %add3A_291 = arith.constant 0 : i32
      %add3A_292 = arith.addi %mul3A_286, %add3A_291 : i32
      %get3A_293 = arith.index_cast %add3A_292 : i32 to index
      %get3A_294 = tpu.vector_load %arg12[%get3A_293] {strides = array<i32>} : memref<10000xi32, #tpu.memory_space<vmem>>, vector<16xi32>,
      %gather3A_295 = tpu.vector_load_idx %arg13[%get3A_290] : memref<10000xf32, #tpu.memory_space<vmem>>[vector<16xi32>], vector<16xf32>,
      %gather3A_296 = tpu.vector_load_idx %arg13[%get3A_294] : memref<10000xf32, #tpu.memory_space<vmem>>[vector<16xi32>], vector<16xf32>,
      %sub3A_297 = arith.subf %gather3A_295, %gather3A_296 : vector<16xf32>
      %gather3A_298 = tpu.vector_load_idx %arg14[%get3A_290] : memref<10000xf32, #tpu.memory_space<vmem>>[vector<16xi32>], vector<16xf32>,
      %gather3A_299 = tpu.vector_load_idx %arg14[%get3A_294] : memref<10000xf32, #tpu.memory_space<vmem>>[vector<16xi32>], vector<16xf32>,
      %sub3A_300 = arith.subf %gather3A_298, %gather3A_299 : vector<16xf32>
      %gather3A_301 = tpu.vector_load_idx %arg15[%get3A_290] : memref<10000xf32, #tpu.memory_space<vmem>>[vector<16xi32>], vector<16xf32>,
      %gather3A_302 = tpu.vector_load_idx %arg15[%get3A_294] : memref<10000xf32, #tpu.memory_space<vmem>>[vector<16xi32>], vector<16xf32>,
      %sub3A_303 = arith.subf %gather3A_301, %gather3A_302 : vector<16xf32>
      %mul3A_304 = arith.mulf %sub3A_297, %sub3A_297 : vector<16xf32>
      %mul3A_305 = arith.mulf %sub3A_300, %sub3A_300 : vector<16xf32>
      %add3A_306 = arith.addf %mul3A_304, %mul3A_305 : vector<16xf32>
      %mul3A_307 = arith.mulf %sub3A_303, %sub3A_303 : vector<16xf32>
      %add3A_308 = arith.addf %add3A_306, %mul3A_307 : vector<16xf32>
      %swap3A_309 = arith.constant 0 : i32
      %swap3A_310 = arith.index_cast %swap3A_309 : i32 to index
      %swap3A_311 = arith.constant 0 : index
      %swap3A_312 = tpu.vector_load %arg18[%swap3A_310, %swap3A_311] {strides = array<i32>} : memref<2x80xf32, #tpu.memory_space<vmem>>, vector<16xf32>,
      tpu.vector_store %arg18[%swap3A_310, %swap3A_311], %add3A_308 {strides = array<i32>} : memref<2x80xf32, #tpu.memory_space<vmem>>, vector<16xf32>,
      %add3A_313 = arith.constant 16 : i32
      %add3A_314 = arith.addi %mul3A_286, %add3A_313 : i32
      %get3A_315 = arith.index_cast %add3A_314 : i32 to index
      %get3A_316 = tpu.vector_load %arg11[%get3A_315] {strides = array<i32>} : memref<10000xi32, #tpu.memory_space<vmem>>, vector<16xi32>,
      %add3A_317 = arith.constant 16 : i32
      %add3A_318 = arith.addi %mul3A_286, %add3A_317 : i32
      %get3A_319 = arith.index_cast %add3A_318 : i32 to index
      %get3A_320 = tpu.vector_load %arg12[%get3A_319] {strides = array<i32>} : memref<10000xi32, #tpu.memory_space<vmem>>, vector<16xi32>,
      %gather3A_321 = tpu.vector_load_idx %arg13[%get3A_316] : memref<10000xf32, #tpu.memory_space<vmem>>[vector<16xi32>], vector<16xf32>,
      %gather3A_322 = tpu.vector_load_idx %arg13[%get3A_320] : memref<10000xf32, #tpu.memory_space<vmem>>[vector<16xi32>], vector<16xf32>,
      %sub3A_323 = arith.subf %gather3A_321, %gather3A_322 : vector<16xf32>
      %gather3A_324 = tpu.vector_load_idx %arg14[%get3A_316] : memref<10000xf32, #tpu.memory_space<vmem>>[vector<16xi32>], vector<16xf32>,
      %gather3A_325 = tpu.vector_load_idx %arg14[%get3A_320] : memref<10000xf32, #tpu.memory_space<vmem>>[vector<16xi32>], vector<16xf32>,
      %sub3A_326 = arith.subf %gather3A_324, %gather3A_325 : vector<16xf32>
      %gather3A_327 = tpu.vector_load_idx %arg15[%get3A_316] : memref<10000xf32, #tpu.memory_space<vmem>>[vector<16xi32>], vector<16xf32>,
      %gather3A_328 = tpu.vector_load_idx %arg15[%get3A_320] : memref<10000xf32, #tpu.memory_space<vmem>>[vector<16xi32>], vector<16xf32>,
      %sub3A_329 = arith.subf %gather3A_327, %gather3A_328 : vector<16xf32>
      %mul3A_330 = arith.mulf %sub3A_323, %sub3A_323 : vector<16xf32>
      %mul3A_331 = arith.mulf %sub3A_326, %sub3A_326 : vector<16xf32>
      %add3A_332 = arith.addf %mul3A_330, %mul3A_331 : vector<16xf32>
      %mul3A_333 = arith.mulf %sub3A_329, %sub3A_329 : vector<16xf32>
      %add3A_334 = arith.addf %add3A_332, %mul3A_333 : vector<16xf32>
      %swap3A_335 = arith.constant 0 : i32
      %swap3A_336 = arith.index_cast %swap3A_335 : i32 to index
      %swap3A_337 = arith.constant 16 : index
      %swap3A_338 = tpu.vector_load %arg18[%swap3A_336, %swap3A_337] {strides = array<i32>} : memref<2x80xf32, #tpu.memory_space<vmem>>, vector<16xf32>,
      tpu.vector_store %arg18[%swap3A_336, %swap3A_337], %add3A_334 {strides = array<i32>} : memref<2x80xf32, #tpu.memory_space<vmem>>, vector<16xf32>,
      %add3A_339 = arith.constant 32 : i32
      %add3A_340 = arith.addi %mul3A_286, %add3A_339 : i32
      %get3A_341 = arith.index_cast %add3A_340 : i32 to index
      %get3A_342 = tpu.vector_load %arg11[%get3A_341] {strides = array<i32>} : memref<10000xi32, #tpu.memory_space<vmem>>, vector<16xi32>,
      %add3A_343 = arith.constant 32 : i32
      %add3A_344 = arith.addi %mul3A_286, %add3A_343 : i32
      %get3A_345 = arith.index_cast %add3A_344 : i32 to index
      %get3A_346 = tpu.vector_load %arg12[%get3A_345] {strides = array<i32>} : memref<10000xi32, #tpu.memory_space<vmem>>, vector<16xi32>,
      %gather3A_347 = tpu.vector_load_idx %arg13[%get3A_342] : memref<10000xf32, #tpu.memory_space<vmem>>[vector<16xi32>], vector<16xf32>,
      %gather3A_348 = tpu.vector_load_idx %arg13[%get3A_346] : memref<10000xf32, #tpu.memory_space<vmem>>[vector<16xi32>], vector<16xf32>,
      %sub3A_349 = arith.subf %gather3A_347, %gather3A_348 : vector<16xf32>
      %gather3A_350 = tpu.vector_load_idx %arg14[%get3A_342] : memref<10000xf32, #tpu.memory_space<vmem>>[vector<16xi32>], vector<16xf32>,
      %gather3A_351 = tpu.vector_load_idx %arg14[%get3A_346] : memref<10000xf32, #tpu.memory_space<vmem>>[vector<16xi32>], vector<16xf32>,
      %sub3A_352 = arith.subf %gather3A_350, %gather3A_351 : vector<16xf32>
      %gather3A_353 = tpu.vector_load_idx %arg15[%get3A_342] : memref<10000xf32, #tpu.memory_space<vmem>>[vector<16xi32>], vector<16xf32>,
      %gather3A_354 = tpu.vector_load_idx %arg15[%get3A_346] : memref<10000xf32, #tpu.memory_space<vmem>>[vector<16xi32>], vector<16xf32>,
      %sub3A_355 = arith.subf %gather3A_353, %gather3A_354 : vector<16xf32>
      %mul3A_356 = arith.mulf %sub3A_349, %sub3A_349 : vector<16xf32>
      %mul3A_357 = arith.mulf %sub3A_352, %sub3A_352 : vector<16xf32>
      %add3A_358 = arith.addf %mul3A_356, %mul3A_357 : vector<16xf32>
      %mul3A_359 = arith.mulf %sub3A_355, %sub3A_355 : vector<16xf32>
      %add3A_360 = arith.addf %add3A_358, %mul3A_359 : vector<16xf32>
      %swap3A_361 = arith.constant 0 : i32
      %swap3A_362 = arith.index_cast %swap3A_361 : i32 to index
      %swap3A_363 = arith.constant 32 : index
      %swap3A_364 = tpu.vector_load %arg18[%swap3A_362, %swap3A_363] {strides = array<i32>} : memref<2x80xf32, #tpu.memory_space<vmem>>, vector<16xf32>,
      tpu.vector_store %arg18[%swap3A_362, %swap3A_363], %add3A_360 {strides = array<i32>} : memref<2x80xf32, #tpu.memory_space<vmem>>, vector<16xf32>,
      %add3A_365 = arith.constant 48 : i32
      %add3A_366 = arith.addi %mul3A_286, %add3A_365 : i32
      %get3A_367 = arith.index_cast %add3A_366 : i32 to index
      %get3A_368 = tpu.vector_load %arg11[%get3A_367] {strides = array<i32>} : memref<10000xi32, #tpu.memory_space<vmem>>, vector<16xi32>,
      %add3A_369 = arith.constant 48 : i32
      %add3A_370 = arith.addi %mul3A_286, %add3A_369 : i32
      %get3A_371 = arith.index_cast %add3A_370 : i32 to index
      %get3A_372 = tpu.vector_load %arg12[%get3A_371] {strides = array<i32>} : memref<10000xi32, #tpu.memory_space<vmem>>, vector<16xi32>,
      %gather3A_373 = tpu.vector_load_idx %arg13[%get3A_368] : memref<10000xf32, #tpu.memory_space<vmem>>[vector<16xi32>], vector<16xf32>,
      %gather3A_374 = tpu.vector_load_idx %arg13[%get3A_372] : memref<10000xf32, #tpu.memory_space<vmem>>[vector<16xi32>], vector<16xf32>,
      %sub3A_375 = arith.subf %gather3A_373, %gather3A_374 : vector<16xf32>
      %gather3A_376 = tpu.vector_load_idx %arg14[%get3A_368] : memref<10000xf32, #tpu.memory_space<vmem>>[vector<16xi32>], vector<16xf32>,
      %gather3A_377 = tpu.vector_load_idx %arg14[%get3A_372] : memref<10000xf32, #tpu.memory_space<vmem>>[vector<16xi32>], vector<16xf32>,
      %sub3A_378 = arith.subf %gather3A_376, %gather3A_377 : vector<16xf32>
      %gather3A_379 = tpu.vector_load_idx %arg15[%get3A_368] : memref<10000xf32, #tpu.memory_space<vmem>>[vector<16xi32>], vector<16xf32>,
      %gather3A_380 = tpu.vector_load_idx %arg15[%get3A_372] : memref<10000xf32, #tpu.memory_space<vmem>>[vector<16xi32>], vector<16xf32>,
      %sub3A_381 = arith.subf %gather3A_379, %gather3A_380 : vector<16xf32>
      %mul3A_382 = arith.mulf %sub3A_375, %sub3A_375 : vector<16xf32>
      %mul3A_383 = arith.mulf %sub3A_378, %sub3A_378 : vector<16xf32>
      %add3A_384 = arith.addf %mul3A_382, %mul3A_383 : vector<16xf32>
      %mul3A_385 = arith.mulf %sub3A_381, %sub3A_381 : vector<16xf32>
      %add3A_386 = arith.addf %add3A_384, %mul3A_385 : vector<16xf32>
      %swap3A_387 = arith.constant 0 : i32
      %swap3A_388 = arith.index_cast %swap3A_387 : i32 to index
      %swap3A_389 = arith.constant 48 : index
      %swap3A_390 = tpu.vector_load %arg18[%swap3A_388, %swap3A_389] {strides = array<i32>} : memref<2x80xf32, #tpu.memory_space<vmem>>, vector<16xf32>,
      tpu.vector_store %arg18[%swap3A_388, %swap3A_389], %add3A_386 {strides = array<i32>} : memref<2x80xf32, #tpu.memory_space<vmem>>, vector<16xf32>,
      %add3A_391 = arith.constant 64 : i32
      %add3A_392 = arith.addi %mul3A_286, %add3A_391 : i32
      %get3A_393 = arith.index_cast %add3A_392 : i32 to index
      %get3A_394 = tpu.vector_load %arg11[%get3A_393] {strides = array<i32>} : memref<10000xi32, #tpu.memory_space<vmem>>, vector<16xi32>,
      %add3A_395 = arith.constant 64 : i32
      %add3A_396 = arith.addi %mul3A_286, %add3A_395 : i32
      %get3A_397 = arith.index_cast %add3A_396 : i32 to index
      %get3A_398 = tpu.vector_load %arg12[%get3A_397] {strides = array<i32>} : memref<10000xi32, #tpu.memory_space<vmem>>, vector<16xi32>,
      %gather3A_399 = tpu.vector_load_idx %arg13[%get3A_394] : memref<10000xf32, #tpu.memory_space<vmem>>[vector<16xi32>], vector<16xf32>,
      %gather3A_400 = tpu.vector_load_idx %arg13[%get3A_398] : memref<10000xf32, #tpu.memory_space<vmem>>[vector<16xi32>], vector<16xf32>,
      %sub3A_401 = arith.subf %gather3A_399, %gather3A_400 : vector<16xf32>
      %gather3A_402 = tpu.vector_load_idx %arg14[%get3A_394] : memref<10000xf32, #tpu.memory_space<vmem>>[vector<16xi32>], vector<16xf32>,
      %gather3A_403 = tpu.vector_load_idx %arg14[%get3A_398] : memref<10000xf32, #tpu.memory_space<vmem>>[vector<16xi32>], vector<16xf32>,
      %sub3A_404 = arith.subf %gather3A_402, %gather3A_403 : vector<16xf32>
      %gather3A_405 = tpu.vector_load_idx %arg15[%get3A_394] : memref<10000xf32, #tpu.memory_space<vmem>>[vector<16xi32>], vector<16xf32>,
      %gather3A_406 = tpu.vector_load_idx %arg15[%get3A_398] : memref<10000xf32, #tpu.memory_space<vmem>>[vector<16xi32>], vector<16xf32>,
      %sub3A_407 = arith.subf %gather3A_405, %gather3A_406 : vector<16xf32>
      %mul3A_408 = arith.mulf %sub3A_401, %sub3A_401 : vector<16xf32>
      %mul3A_409 = arith.mulf %sub3A_404, %sub3A_404 : vector<16xf32>
      %add3A_410 = arith.addf %mul3A_408, %mul3A_409 : vector<16xf32>
      %mul3A_411 = arith.mulf %sub3A_407, %sub3A_407 : vector<16xf32>
      %add3A_412 = arith.addf %add3A_410, %mul3A_411 : vector<16xf32>
      %swap3A_413 = arith.constant 0 : i32
      %swap3A_414 = arith.index_cast %swap3A_413 : i32 to index
      %swap3A_415 = arith.constant 64 : index
      %swap3A_416 = tpu.vector_load %arg18[%swap3A_414, %swap3A_415] {strides = array<i32>} : memref<2x80xf32, #tpu.memory_space<vmem>>, vector<16xf32>,
      tpu.vector_store %arg18[%swap3A_414, %swap3A_415], %add3A_412 {strides = array<i32>} : memref<2x80xf32, #tpu.memory_space<vmem>>, vector<16xf32>,
      %scan3A_417 = arith.constant 0 : i32
      %scan3A_418 = arith.constant 80 : i32
      %scan3A_419 = arith.addi %scan3A_417, %scan3A_418 : i32
      %scan3A_420 = arith.constant 1 : i32
      scf.for %scan3A_662 = %scan3A_417 to %scan3A_419 step %scan3A_420  : i32 {
        %mul3A_663 = arith.constant 1 : i32
        %mul3A_664 = arith.muli %scan3A_662, %mul3A_663 : i32
        %add3A_665 = arith.constant 0 : i32
        %add3A_666 = arith.addi %add3A_665, %mul3A_664 : i32
        %get3A_667 = arith.constant 0 : i32
        %get3A_668 = arith.index_cast %get3A_667 : i32 to index
        %get3A_669 = arith.index_cast %add3A_666 : i32 to index
        %get3A_670 = arith.constant 0 : index
        %get3A_671 = tpu.vector_load %arg16[%get3A_668, %get3A_669, %get3A_670] {strides = array<i32>} : memref<2x80x128xi32, #tpu.memory_space<vmem>>, vector<16xi32>,
        %bitcast3A = vector.bitcast %get3A_671 : vector<16xi32> to vector<32xbf16>
        %get3A_672 = arith.constant 0 : i32
        %get3A_673 = arith.index_cast %get3A_672 : i32 to index
        %get3A_674 = arith.index_cast %add3A_666 : i32 to index
        %get3A_675 = arith.constant 0 : index
        %get3A_676 = tpu.vector_load %arg17[%get3A_673, %get3A_674, %get3A_675] {strides = array<i32>} : memref<2x80x128xi32, #tpu.memory_space<vmem>>, vector<16xi32>,
        %bitcast3A_677 = vector.bitcast %get3A_676 : vector<16xi32> to vector<32xbf16>
        %add3A_678 = arith.addf %bitcast3A, %bitcast3A_677 : vector<32xbf16>
        %bitcast3A_679 = vector.bitcast %add3A_678 : vector<32xbf16> to vector<16xi32>
        %swap3A_680 = arith.constant 0 : i32
        %swap3A_681 = arith.index_cast %swap3A_680 : i32 to index
        %swap3A_682 = arith.index_cast %add3A_666 : i32 to index
        %swap3A_683 = arith.constant 0 : index
        %swap3A_684 = tpu.vector_load %arg16[%swap3A_681, %swap3A_682, %swap3A_683] {strides = array<i32>} : memref<2x80x128xi32, #tpu.memory_space<vmem>>, vector<16xi32>,
        tpu.vector_store %arg16[%swap3A_681, %swap3A_682, %swap3A_683], %bitcast3A_679 {strides = array<i32>} : memref<2x80x128xi32, #tpu.memory_space<vmem>>, vector<16xi32>,
        %get3A_685 = arith.constant 0 : i32
        %get3A_686 = arith.index_cast %get3A_685 : i32 to index
        %get3A_687 = arith.index_cast %add3A_666 : i32 to index
        %get3A_688 = arith.constant 16 : index
        %get3A_689 = tpu.vector_load %arg16[%get3A_686, %get3A_687, %get3A_688] {strides = array<i32>} : memref<2x80x128xi32, #tpu.memory_space<vmem>>, vector<16xi32>,
        %bitcast3A_690 = vector.bitcast %get3A_689 : vector<16xi32> to vector<32xbf16>
        %get3A_691 = arith.constant 0 : i32
        %get3A_692 = arith.index_cast %get3A_691 : i32 to index
        %get3A_693 = arith.index_cast %add3A_666 : i32 to index
        %get3A_694 = arith.constant 16 : index
        %get3A_695 = tpu.vector_load %arg17[%get3A_692, %get3A_693, %get3A_694] {strides = array<i32>} : memref<2x80x128xi32, #tpu.memory_space<vmem>>, vector<16xi32>,
        %bitcast3A_696 = vector.bitcast %get3A_695 : vector<16xi32> to vector<32xbf16>
        %add3A_697 = arith.addf %bitcast3A_690, %bitcast3A_696 : vector<32xbf16>
        %bitcast3A_698 = vector.bitcast %add3A_697 : vector<32xbf16> to vector<16xi32>
        %swap3A_699 = arith.constant 0 : i32
        %swap3A_700 = arith.index_cast %swap3A_699 : i32 to index
        %swap3A_701 = arith.index_cast %add3A_666 : i32 to index
        %swap3A_702 = arith.constant 16 : index
        %swap3A_703 = tpu.vector_load %arg16[%swap3A_700, %swap3A_701, %swap3A_702] {strides = array<i32>} : memref<2x80x128xi32, #tpu.memory_space<vmem>>, vector<16xi32>,
        tpu.vector_store %arg16[%swap3A_700, %swap3A_701, %swap3A_702], %bitcast3A_698 {strides = array<i32>} : memref<2x80x128xi32, #tpu.memory_space<vmem>>, vector<16xi32>,
        %get3A_704 = arith.constant 0 : i32
        %get3A_705 = arith.index_cast %get3A_704 : i32 to index
        %get3A_706 = arith.index_cast %add3A_666 : i32 to index
        %get3A_707 = arith.constant 32 : index
        %get3A_708 = tpu.vector_load %arg16[%get3A_705, %get3A_706, %get3A_707] {strides = array<i32>} : memref<2x80x128xi32, #tpu.memory_space<vmem>>, vector<16xi32>,
        %bitcast3A_709 = vector.bitcast %get3A_708 : vector<16xi32> to vector<32xbf16>
        %get3A_710 = arith.constant 0 : i32
        %get3A_711 = arith.index_cast %get3A_710 : i32 to index
        %get3A_712 = arith.index_cast %add3A_666 : i32 to index
        %get3A_713 = arith.constant 32 : index
        %get3A_714 = tpu.vector_load %arg17[%get3A_711, %get3A_712, %get3A_713] {strides = array<i32>} : memref<2x80x128xi32, #tpu.memory_space<vmem>>, vector<16xi32>,
        %bitcast3A_715 = vector.bitcast %get3A_714 : vector<16xi32> to vector<32xbf16>
        %add3A_716 = arith.addf %bitcast3A_709, %bitcast3A_715 : vector<32xbf16>
        %bitcast3A_717 = vector.bitcast %add3A_716 : vector<32xbf16> to vector<16xi32>
        %swap3A_718 = arith.constant 0 : i32
        %swap3A_719 = arith.index_cast %swap3A_718 : i32 to index
        %swap3A_720 = arith.index_cast %add3A_666 : i32 to index
        %swap3A_721 = arith.constant 32 : index
        %swap3A_722 = tpu.vector_load %arg16[%swap3A_719, %swap3A_720, %swap3A_721] {strides = array<i32>} : memref<2x80x128xi32, #tpu.memory_space<vmem>>, vector<16xi32>,
        tpu.vector_store %arg16[%swap3A_719, %swap3A_720, %swap3A_721], %bitcast3A_717 {strides = array<i32>} : memref<2x80x128xi32, #tpu.memory_space<vmem>>, vector<16xi32>,
        %get3A_723 = arith.constant 0 : i32
        %get3A_724 = arith.index_cast %get3A_723 : i32 to index
        %get3A_725 = arith.index_cast %add3A_666 : i32 to index
        %get3A_726 = arith.constant 48 : index
        %get3A_727 = tpu.vector_load %arg16[%get3A_724, %get3A_725, %get3A_726] {strides = array<i32>} : memref<2x80x128xi32, #tpu.memory_space<vmem>>, vector<16xi32>,
        %bitcast3A_728 = vector.bitcast %get3A_727 : vector<16xi32> to vector<32xbf16>
        %get3A_729 = arith.constant 0 : i32
        %get3A_730 = arith.index_cast %get3A_729 : i32 to index
        %get3A_731 = arith.index_cast %add3A_666 : i32 to index
        %get3A_732 = arith.constant 48 : index
        %get3A_733 = tpu.vector_load %arg17[%get3A_730, %get3A_731, %get3A_732] {strides = array<i32>} : memref<2x80x128xi32, #tpu.memory_space<vmem>>, vector<16xi32>,
        %bitcast3A_734 = vector.bitcast %get3A_733 : vector<16xi32> to vector<32xbf16>
        %add3A_735 = arith.addf %bitcast3A_728, %bitcast3A_734 : vector<32xbf16>
        %bitcast3A_736 = vector.bitcast %add3A_735 : vector<32xbf16> to vector<16xi32>
        %swap3A_737 = arith.constant 0 : i32
        %swap3A_738 = arith.index_cast %swap3A_737 : i32 to index
        %swap3A_739 = arith.index_cast %add3A_666 : i32 to index
        %swap3A_740 = arith.constant 48 : index
        %swap3A_741 = tpu.vector_load %arg16[%swap3A_738, %swap3A_739, %swap3A_740] {strides = array<i32>} : memref<2x80x128xi32, #tpu.memory_space<vmem>>, vector<16xi32>,
        tpu.vector_store %arg16[%swap3A_738, %swap3A_739, %swap3A_740], %bitcast3A_736 {strides = array<i32>} : memref<2x80x128xi32, #tpu.memory_space<vmem>>, vector<16xi32>,
        %get3A_742 = arith.constant 0 : i32
        %get3A_743 = arith.index_cast %get3A_742 : i32 to index
        %get3A_744 = arith.index_cast %add3A_666 : i32 to index
        %get3A_745 = arith.constant 64 : index
        %get3A_746 = tpu.vector_load %arg16[%get3A_743, %get3A_744, %get3A_745] {strides = array<i32>} : memref<2x80x128xi32, #tpu.memory_space<vmem>>, vector<16xi32>,
        %bitcast3A_747 = vector.bitcast %get3A_746 : vector<16xi32> to vector<32xbf16>
        %get3A_748 = arith.constant 0 : i32
        %get3A_749 = arith.index_cast %get3A_748 : i32 to index
        %get3A_750 = arith.index_cast %add3A_666 : i32 to index
        %get3A_751 = arith.constant 64 : index
        %get3A_752 = tpu.vector_load %arg17[%get3A_749, %get3A_750, %get3A_751] {strides = array<i32>} : memref<2x80x128xi32, #tpu.memory_space<vmem>>, vector<16xi32>,
        %bitcast3A_753 = vector.bitcast %get3A_752 : vector<16xi32> to vector<32xbf16>
        %add3A_754 = arith.addf %bitcast3A_747, %bitcast3A_753 : vector<32xbf16>
        %bitcast3A_755 = vector.bitcast %add3A_754 : vector<32xbf16> to vector<16xi32>
        %swap3A_756 = arith.constant 0 : i32
        %swap3A_757 = arith.index_cast %swap3A_756 : i32 to index
        %swap3A_758 = arith.index_cast %add3A_666 : i32 to index
        %swap3A_759 = arith.constant 64 : index
        %swap3A_760 = tpu.vector_load %arg16[%swap3A_757, %swap3A_758, %swap3A_759] {strides = array<i32>} : memref<2x80x128xi32, #tpu.memory_space<vmem>>, vector<16xi32>,
        tpu.vector_store %arg16[%swap3A_757, %swap3A_758, %swap3A_759], %bitcast3A_755 {strides = array<i32>} : memref<2x80x128xi32, #tpu.memory_space<vmem>>, vector<16xi32>,
        %get3A_761 = arith.constant 0 : i32
        %get3A_762 = arith.index_cast %get3A_761 : i32 to index
        %get3A_763 = arith.index_cast %add3A_666 : i32 to index
        %get3A_764 = arith.constant 80 : index
        %get3A_765 = tpu.vector_load %arg16[%get3A_762, %get3A_763, %get3A_764] {strides = array<i32>} : memref<2x80x128xi32, #tpu.memory_space<vmem>>, vector<16xi32>,
        %bitcast3A_766 = vector.bitcast %get3A_765 : vector<16xi32> to vector<32xbf16>
        %get3A_767 = arith.constant 0 : i32
        %get3A_768 = arith.index_cast %get3A_767 : i32 to index
        %get3A_769 = arith.index_cast %add3A_666 : i32 to index
        %get3A_770 = arith.constant 80 : index
        %get3A_771 = tpu.vector_load %arg17[%get3A_768, %get3A_769, %get3A_770] {strides = array<i32>} : memref<2x80x128xi32, #tpu.memory_space<vmem>>, vector<16xi32>,
        %bitcast3A_772 = vector.bitcast %get3A_771 : vector<16xi32> to vector<32xbf16>
        %add3A_773 = arith.addf %bitcast3A_766, %bitcast3A_772 : vector<32xbf16>
        %bitcast3A_774 = vector.bitcast %add3A_773 : vector<32xbf16> to vector<16xi32>
        %swap3A_775 = arith.constant 0 : i32
        %swap3A_776 = arith.index_cast %swap3A_775 : i32 to index
        %swap3A_777 = arith.index_cast %add3A_666 : i32 to index
        %swap3A_778 = arith.constant 80 : index
        %swap3A_779 = tpu.vector_load %arg16[%swap3A_776, %swap3A_777, %swap3A_778] {strides = array<i32>} : memref<2x80x128xi32, #tpu.memory_space<vmem>>, vector<16xi32>,
        tpu.vector_store %arg16[%swap3A_776, %swap3A_777, %swap3A_778], %bitcast3A_774 {strides = array<i32>} : memref<2x80x128xi32, #tpu.memory_space<vmem>>, vector<16xi32>,
        %get3A_780 = arith.constant 0 : i32
        %get3A_781 = arith.index_cast %get3A_780 : i32 to index
        %get3A_782 = arith.index_cast %add3A_666 : i32 to index
        %get3A_783 = arith.constant 96 : index
        %get3A_784 = tpu.vector_load %arg16[%get3A_781, %get3A_782, %get3A_783] {strides = array<i32>} : memref<2x80x128xi32, #tpu.memory_space<vmem>>, vector<16xi32>,
        %bitcast3A_785 = vector.bitcast %get3A_784 : vector<16xi32> to vector<32xbf16>
        %get3A_786 = arith.constant 0 : i32
        %get3A_787 = arith.index_cast %get3A_786 : i32 to index
        %get3A_788 = arith.index_cast %add3A_666 : i32 to index
        %get3A_789 = arith.constant 96 : index
        %get3A_790 = tpu.vector_load %arg17[%get3A_787, %get3A_788, %get3A_789] {strides = array<i32>} : memref<2x80x128xi32, #tpu.memory_space<vmem>>, vector<16xi32>,
        %bitcast3A_791 = vector.bitcast %get3A_790 : vector<16xi32> to vector<32xbf16>
        %add3A_792 = arith.addf %bitcast3A_785, %bitcast3A_791 : vector<32xbf16>
        %bitcast3A_793 = vector.bitcast %add3A_792 : vector<32xbf16> to vector<16xi32>
        %swap3A_794 = arith.constant 0 : i32
        %swap3A_795 = arith.index_cast %swap3A_794 : i32 to index
        %swap3A_796 = arith.index_cast %add3A_666 : i32 to index
        %swap3A_797 = arith.constant 96 : index
        %swap3A_798 = tpu.vector_load %arg16[%swap3A_795, %swap3A_796, %swap3A_797] {strides = array<i32>} : memref<2x80x128xi32, #tpu.memory_space<vmem>>, vector<16xi32>,
        tpu.vector_store %arg16[%swap3A_795, %swap3A_796, %swap3A_797], %bitcast3A_793 {strides = array<i32>} : memref<2x80x128xi32, #tpu.memory_space<vmem>>, vector<16xi32>,
        %get3A_799 = arith.constant 0 : i32
        %get3A_800 = arith.index_cast %get3A_799 : i32 to index
        %get3A_801 = arith.index_cast %add3A_666 : i32 to index
        %get3A_802 = arith.constant 112 : index
        %get3A_803 = tpu.vector_load %arg16[%get3A_800, %get3A_801, %get3A_802] {strides = array<i32>} : memref<2x80x128xi32, #tpu.memory_space<vmem>>, vector<16xi32>,
        %bitcast3A_804 = vector.bitcast %get3A_803 : vector<16xi32> to vector<32xbf16>
        %get3A_805 = arith.constant 0 : i32
        %get3A_806 = arith.index_cast %get3A_805 : i32 to index
        %get3A_807 = arith.index_cast %add3A_666 : i32 to index
        %get3A_808 = arith.constant 112 : index
        %get3A_809 = tpu.vector_load %arg17[%get3A_806, %get3A_807, %get3A_808] {strides = array<i32>} : memref<2x80x128xi32, #tpu.memory_space<vmem>>, vector<16xi32>,
        %bitcast3A_810 = vector.bitcast %get3A_809 : vector<16xi32> to vector<32xbf16>
        %add3A_811 = arith.addf %bitcast3A_804, %bitcast3A_810 : vector<32xbf16>
        %bitcast3A_812 = vector.bitcast %add3A_811 : vector<32xbf16> to vector<16xi32>
        %swap3A_813 = arith.constant 0 : i32
        %swap3A_814 = arith.index_cast %swap3A_813 : i32 to index
        %swap3A_815 = arith.index_cast %add3A_666 : i32 to index
        %swap3A_816 = arith.constant 112 : index
        %swap3A_817 = tpu.vector_load %arg16[%swap3A_814, %swap3A_815, %swap3A_816] {strides = array<i32>} : memref<2x80x128xi32, #tpu.memory_space<vmem>>, vector<16xi32>,
        tpu.vector_store %arg16[%swap3A_814, %swap3A_815, %swap3A_816], %bitcast3A_812 {strides = array<i32>} : memref<2x80x128xi32, #tpu.memory_space<vmem>>, vector<16xi32>,
      }
      %scan3A_421 = arith.constant 80 : i32
      %mul3A_422 = arith.constant 80 : i32
      %mul3A_423 = arith.muli %mul3A_240, %mul3A_422 : i32
      %add3A_424 = arith.addi %mul3A_2, %mul3A_423 : i32
      %add3A_425 = arith.addi %mul3A_2, %mul3A_423 : i32
      %dma_start3A_426 = arith.constant 0 : i32
      %dma_start3A_427 = arith.constant 0 : i32
      %dma_start3A_428 = arith.constant 0 : i32
      %dma_start3A_429 = tpu.memref_slice %arg16[%dma_start3A_426, %dma_start3A_427, %dma_start3A_428] : memref<2x80x128xi32, #tpu.memory_space<vmem>> -> memref<1x80x128xi32, #tpu.memory_space<vmem>>
      %dma_start3A_430 = tpu.memref_squeeze %dma_start3A_429 : memref<1x80x128xi32, #tpu.memory_space<vmem>> -> memref<80x128xi32, #tpu.memory_space<vmem>>
      %dma_start3A_431 = arith.constant 0 : i32
      %dma_start3A_432 = tpu.memref_slice %arg9[%add3A_424, %dma_start3A_431] : memref<320000x128xi32, #tpu.memory_space<hbm>> -> memref<80x128xi32, #tpu.memory_space<hbm>>
      %dma_start3A_433 = arith.constant 0 : i32
      %dma_start3A_434 = tpu.memref_slice %arg9[%add3A_424, %dma_start3A_433] : memref<320000x128xi32, #tpu.memory_space<hbm>> -> memref<80x128xi32, #tpu.memory_space<hbm>>
      %dma_start3A_435 = arith.constant 0 : i32
      %dma_start3A_436 = arith.constant 0 : i32
      %dma_start3A_437 = tpu.memref_slice %arg16[%dma_start3A_426, %dma_start3A_435, %dma_start3A_436] : memref<2x80x128xi32, #tpu.memory_space<vmem>> -> memref<1x80x128xi32, #tpu.memory_space<vmem>>
      %dma_start3A_438 = tpu.memref_squeeze %dma_start3A_437 : memref<1x80x128xi32, #tpu.memory_space<vmem>> -> memref<80x128xi32, #tpu.memory_space<vmem>>
      tpu.enqueue_dma source(%dma_start3A_438 : memref<80x128xi32, #tpu.memory_space<vmem>>) target(%dma_start3A_434 : memref<80x128xi32, #tpu.memory_space<hbm>>) target_semaphore(%arg23 : memref<!tpu.dma_semaphore, #tpu.memory_space<semaphore_mem>>)
      %dma_start3A_439 = arith.constant 0 : i32
      %dma_start3A_440 = arith.constant 0 : i32
      %dma_start3A_441 = tpu.memref_slice %arg18[%dma_start3A_439, %dma_start3A_440] : memref<2x80xf32, #tpu.memory_space<vmem>> -> memref<1x80xf32, #tpu.memory_space<vmem>>
      %dma_start3A_442 = tpu.memref_squeeze %dma_start3A_441 : memref<1x80xf32, #tpu.memory_space<vmem>> -> memref<80xf32, #tpu.memory_space<vmem>>
      %dma_start3A_443 = tpu.memref_slice %arg10[%add3A_425] : memref<320000xf32, #tpu.memory_space<hbm>> -> memref<80xf32, #tpu.memory_space<hbm>>
      %dma_start3A_444 = tpu.memref_slice %arg10[%add3A_425] : memref<320000xf32, #tpu.memory_space<hbm>> -> memref<80xf32, #tpu.memory_space<hbm>>
      %dma_start3A_445 = arith.constant 0 : i32
      %dma_start3A_446 = tpu.memref_slice %arg18[%dma_start3A_439, %dma_start3A_445] : memref<2x80xf32, #tpu.memory_space<vmem>> -> memref<1x80xf32, #tpu.memory_space<vmem>>
      %dma_start3A_447 = tpu.memref_squeeze %dma_start3A_446 : memref<1x80xf32, #tpu.memory_space<vmem>> -> memref<80xf32, #tpu.memory_space<vmem>>
      tpu.enqueue_dma source(%dma_start3A_447 : memref<80xf32, #tpu.memory_space<vmem>>) target(%dma_start3A_444 : memref<80xf32, #tpu.memory_space<hbm>>) target_semaphore(%arg23 : memref<!tpu.dma_semaphore, #tpu.memory_space<semaphore_mem>>)
      %mul3A_448 = arith.constant 2 : i32
      %mul3A_449 = arith.muli %mul3A_448, %add3A_238 : i32
      %add3A_450 = arith.constant 1 : i32
      %add3A_451 = arith.addi %mul3A_449, %add3A_450 : i32
      %mul3A_452 = arith.constant 80 : i32
      %mul3A_453 = arith.muli %add3A_451, %mul3A_452 : i32
      %dma_wait3A_454 = arith.constant 1 : i32
      %dma_wait3A_455 = arith.constant 0 : i32
      %dma_wait3A_456 = arith.constant 0 : i32
      %dma_wait3A_457 = tpu.memref_slice %arg16[%dma_wait3A_454, %dma_wait3A_455, %dma_wait3A_456] : memref<2x80x128xi32, #tpu.memory_space<vmem>> -> memref<1x80x128xi32, #tpu.memory_space<vmem>>
      %dma_wait3A_458 = tpu.memref_squeeze %dma_wait3A_457 : memref<1x80x128xi32, #tpu.memory_space<vmem>> -> memref<80x128xi32, #tpu.memory_space<vmem>>
      %dma_wait3A_459 = tpu.memref_slice %arg11[%mul3A_453] : memref<10000xi32, #tpu.memory_space<vmem>> -> memref<80xi32, #tpu.memory_space<vmem>>
      %dma_wait3A_460 = arith.constant 0 : i32
      %dma_wait3A_461 = arith.constant 0 : i32
      %dma_wait3A_462 = tpu.memref_slice %arg2[%dma_wait3A_460, %dma_wait3A_461] : memref<10000x128xi32, #tpu.memory_space<hbm>> -> memref<10000x128xi32, #tpu.memory_space<hbm>>
      tpu.wait_indirect_dma semaphore(%arg20 : memref<!tpu.dma_semaphore, #tpu.memory_space<semaphore_mem>>) src(%dma_wait3A_462 : memref<10000x128xi32, #tpu.memory_space<hbm>>) dst(%dma_wait3A_458 : memref<80x128xi32, #tpu.memory_space<vmem>>)
      %dma_wait3A_463 = arith.constant 1 : i32
      %dma_wait3A_464 = arith.constant 0 : i32
      %dma_wait3A_465 = arith.constant 0 : i32
      %dma_wait3A_466 = tpu.memref_slice %arg17[%dma_wait3A_463, %dma_wait3A_464, %dma_wait3A_465] : memref<2x80x128xi32, #tpu.memory_space<vmem>> -> memref<1x80x128xi32, #tpu.memory_space<vmem>>
      %dma_wait3A_467 = tpu.memref_squeeze %dma_wait3A_466 : memref<1x80x128xi32, #tpu.memory_space<vmem>> -> memref<80x128xi32, #tpu.memory_space<vmem>>
      %dma_wait3A_468 = tpu.memref_slice %arg12[%mul3A_453] : memref<10000xi32, #tpu.memory_space<vmem>> -> memref<80xi32, #tpu.memory_space<vmem>>
      %dma_wait3A_469 = arith.constant 0 : i32
      %dma_wait3A_470 = arith.constant 0 : i32
      %dma_wait3A_471 = tpu.memref_slice %arg3[%dma_wait3A_469, %dma_wait3A_470] : memref<10000x128xi32, #tpu.memory_space<hbm>> -> memref<10000x128xi32, #tpu.memory_space<hbm>>
      tpu.wait_indirect_dma semaphore(%arg22 : memref<!tpu.dma_semaphore, #tpu.memory_space<semaphore_mem>>) src(%dma_wait3A_471 : memref<10000x128xi32, #tpu.memory_space<hbm>>) dst(%dma_wait3A_467 : memref<80x128xi32, #tpu.memory_space<vmem>>)
      %ge3A_472 = arith.constant 1 : i32
      %ge3A_473 = arith.cmpi sge, %add3A_451, %ge3A_472 : i32
      %convert_element_type3A_474 = arith.extui %ge3A_473 : i1 to i32
      %cond3A_475 = arith.constant 0 : i32
      %cond3A_476 = arith.cmpi ne, %convert_element_type3A_474, %cond3A_475 : i32
      scf.if %cond3A_476 {
        %sub3A_662 = arith.constant 1 : i32
        %sub3A_663 = arith.subi %add3A_451, %sub3A_662 : i32
        %mul3A_664 = arith.constant 80 : i32
        %mul3A_665 = arith.muli %sub3A_663, %mul3A_664 : i32
        %add3A_666 = arith.addi %mul3A_2, %mul3A_665 : i32
        %add3A_667 = arith.addi %mul3A_2, %mul3A_665 : i32
        %dma_wait3A_668 = arith.constant 0 : i32
        %dma_wait3A_669 = arith.constant 0 : i32
        %dma_wait3A_670 = arith.constant 0 : i32
        %dma_wait3A_671 = tpu.memref_slice %arg16[%dma_wait3A_668, %dma_wait3A_669, %dma_wait3A_670] : memref<2x80x128xi32, #tpu.memory_space<vmem>> -> memref<1x80x128xi32, #tpu.memory_space<vmem>>
        %dma_wait3A_672 = tpu.memref_squeeze %dma_wait3A_671 : memref<1x80x128xi32, #tpu.memory_space<vmem>> -> memref<80x128xi32, #tpu.memory_space<vmem>>
        %dma_wait3A_673 = arith.constant 0 : i32
        %dma_wait3A_674 = tpu.memref_slice %arg9[%add3A_666, %dma_wait3A_673] : memref<320000x128xi32, #tpu.memory_space<hbm>> -> memref<80x128xi32, #tpu.memory_space<hbm>>
        %dma_wait3A_675 = arith.constant 0 : i32
        %dma_wait3A_676 = tpu.memref_slice %arg9[%add3A_666, %dma_wait3A_675] : memref<320000x128xi32, #tpu.memory_space<hbm>> -> memref<80x128xi32, #tpu.memory_space<hbm>>
        %dma_wait3A_677 = arith.constant 0 : i32
        %dma_wait3A_678 = arith.constant 0 : i32
        %dma_wait3A_679 = tpu.memref_slice %arg16[%dma_wait3A_668, %dma_wait3A_677, %dma_wait3A_678] : memref<2x80x128xi32, #tpu.memory_space<vmem>> -> memref<1x80x128xi32, #tpu.memory_space<vmem>>
        %dma_wait3A_680 = tpu.memref_squeeze %dma_wait3A_679 : memref<1x80x128xi32, #tpu.memory_space<vmem>> -> memref<80x128xi32, #tpu.memory_space<vmem>>
        tpu.wait_dma2 semaphore(%arg23 : memref<!tpu.dma_semaphore, #tpu.memory_space<semaphore_mem>>) src(%dma_wait3A_680 : memref<80x128xi32, #tpu.memory_space<vmem>>) dst(%dma_wait3A_676 : memref<80x128xi32, #tpu.memory_space<hbm>>)
        %dma_wait3A_681 = arith.constant 0 : i32
        %dma_wait3A_682 = arith.constant 0 : i32
        %dma_wait3A_683 = tpu.memref_slice %arg18[%dma_wait3A_681, %dma_wait3A_682] : memref<2x80xf32, #tpu.memory_space<vmem>> -> memref<1x80xf32, #tpu.memory_space<vmem>>
        %dma_wait3A_684 = tpu.memref_squeeze %dma_wait3A_683 : memref<1x80xf32, #tpu.memory_space<vmem>> -> memref<80xf32, #tpu.memory_space<vmem>>
        %dma_wait3A_685 = tpu.memref_slice %arg10[%add3A_667] : memref<320000xf32, #tpu.memory_space<hbm>> -> memref<80xf32, #tpu.memory_space<hbm>>
        %dma_wait3A_686 = tpu.memref_slice %arg10[%add3A_667] : memref<320000xf32, #tpu.memory_space<hbm>> -> memref<80xf32, #tpu.memory_space<hbm>>
        %dma_wait3A_687 = arith.constant 0 : i32
        %dma_wait3A_688 = tpu.memref_slice %arg18[%dma_wait3A_681, %dma_wait3A_687] : memref<2x80xf32, #tpu.memory_space<vmem>> -> memref<1x80xf32, #tpu.memory_space<vmem>>
        %dma_wait3A_689 = tpu.memref_squeeze %dma_wait3A_688 : memref<1x80xf32, #tpu.memory_space<vmem>> -> memref<80xf32, #tpu.memory_space<vmem>>
        tpu.wait_dma2 semaphore(%arg23 : memref<!tpu.dma_semaphore, #tpu.memory_space<semaphore_mem>>) src(%dma_wait3A_689 : memref<80xf32, #tpu.memory_space<vmem>>) dst(%dma_wait3A_686 : memref<80xf32, #tpu.memory_space<hbm>>)
      } else {
      }
      %add3A_477 = arith.constant 1 : i32
      %add3A_478 = arith.addi %add3A_451, %add3A_477 : i32
      %mul3A_479 = arith.constant 80 : i32
      %mul3A_480 = arith.muli %add3A_478, %mul3A_479 : i32
      %dma_start3A_481 = arith.constant 0 : i32
      %dma_start3A_482 = arith.constant 0 : i32
      %dma_start3A_483 = arith.constant 0 : i32
      %dma_start3A_484 = tpu.memref_slice %arg16[%dma_start3A_481, %dma_start3A_482, %dma_start3A_483] : memref<2x80x128xi32, #tpu.memory_space<vmem>> -> memref<1x80x128xi32, #tpu.memory_space<vmem>>
      %dma_start3A_485 = tpu.memref_squeeze %dma_start3A_484 : memref<1x80x128xi32, #tpu.memory_space<vmem>> -> memref<80x128xi32, #tpu.memory_space<vmem>>
      %dma_start3A_486 = tpu.memref_slice %arg11[%mul3A_480] : memref<10000xi32, #tpu.memory_space<vmem>> -> memref<80xi32, #tpu.memory_space<vmem>>
      %dma_start3A_487 = arith.constant 0 : i32
      %dma_start3A_488 = arith.constant 0 : i32
      %dma_start3A_489 = tpu.memref_slice %arg2[%dma_start3A_487, %dma_start3A_488] : memref<10000x128xi32, #tpu.memory_space<hbm>> -> memref<10000x128xi32, #tpu.memory_space<hbm>>
      tpu.enqueue_indirect_dma source(%dma_start3A_489 : memref<10000x128xi32, #tpu.memory_space<hbm>>) target(%dma_start3A_485 : memref<80x128xi32, #tpu.memory_space<vmem>>) offsets(%dma_start3A_486 : memref<80xi32, #tpu.memory_space<vmem>>) semaphore(%arg19 : memref<!tpu.dma_semaphore, #tpu.memory_space<semaphore_mem>>)
      %dma_start3A_490 = arith.constant 0 : i32
      %dma_start3A_491 = arith.constant 0 : i32
      %dma_start3A_492 = arith.constant 0 : i32
      %dma_start3A_493 = tpu.memref_slice %arg17[%dma_start3A_490, %dma_start3A_491, %dma_start3A_492] : memref<2x80x128xi32, #tpu.memory_space<vmem>> -> memref<1x80x128xi32, #tpu.memory_space<vmem>>
      %dma_start3A_494 = tpu.memref_squeeze %dma_start3A_493 : memref<1x80x128xi32, #tpu.memory_space<vmem>> -> memref<80x128xi32, #tpu.memory_space<vmem>>
      %dma_start3A_495 = tpu.memref_slice %arg12[%mul3A_480] : memref<10000xi32, #tpu.memory_space<vmem>> -> memref<80xi32, #tpu.memory_space<vmem>>
      %dma_start3A_496 = arith.constant 0 : i32
      %dma_start3A_497 = arith.constant 0 : i32
      %dma_start3A_498 = tpu.memref_slice %arg3[%dma_start3A_496, %dma_start3A_497] : memref<10000x128xi32, #tpu.memory_space<hbm>> -> memref<10000x128xi32, #tpu.memory_space<hbm>>
      tpu.enqueue_indirect_dma source(%dma_start3A_498 : memref<10000x128xi32, #tpu.memory_space<hbm>>) target(%dma_start3A_494 : memref<80x128xi32, #tpu.memory_space<vmem>>) offsets(%dma_start3A_495 : memref<80xi32, #tpu.memory_space<vmem>>) semaphore(%arg21 : memref<!tpu.dma_semaphore, #tpu.memory_space<semaphore_mem>>)
      %mul3A_499 = arith.constant 80 : i32
      %mul3A_500 = arith.muli %add3A_451, %mul3A_499 : i32
      %add3A_501 = arith.constant 0 : i32
      %add3A_502 = arith.addi %mul3A_500, %add3A_501 : i32
      %get3A_503 = arith.index_cast %add3A_502 : i32 to index
      %get3A_504 = tpu.vector_load %arg11[%get3A_503] {strides = array<i32>} : memref<10000xi32, #tpu.memory_space<vmem>>, vector<16xi32>,
      %add3A_505 = arith.constant 0 : i32
      %add3A_506 = arith.addi %mul3A_500, %add3A_505 : i32
      %get3A_507 = arith.index_cast %add3A_506 : i32 to index
      %get3A_508 = tpu.vector_load %arg12[%get3A_507] {strides = array<i32>} : memref<10000xi32, #tpu.memory_space<vmem>>, vector<16xi32>,
      %gather3A_509 = tpu.vector_load_idx %arg13[%get3A_504] : memref<10000xf32, #tpu.memory_space<vmem>>[vector<16xi32>], vector<16xf32>,
      %gather3A_510 = tpu.vector_load_idx %arg13[%get3A_508] : memref<10000xf32, #tpu.memory_space<vmem>>[vector<16xi32>], vector<16xf32>,
      %sub3A_511 = arith.subf %gather3A_509, %gather3A_510 : vector<16xf32>
      %gather3A_512 = tpu.vector_load_idx %arg14[%get3A_504] : memref<10000xf32, #tpu.memory_space<vmem>>[vector<16xi32>], vector<16xf32>,
      %gather3A_513 = tpu.vector_load_idx %arg14[%get3A_508] : memref<10000xf32, #tpu.memory_space<vmem>>[vector<16xi32>], vector<16xf32>,
      %sub3A_514 = arith.subf %gather3A_512, %gather3A_513 : vector<16xf32>
      %gather3A_515 = tpu.vector_load_idx %arg15[%get3A_504] : memref<10000xf32, #tpu.memory_space<vmem>>[vector<16xi32>], vector<16xf32>,
      %gather3A_516 = tpu.vector_load_idx %arg15[%get3A_508] : memref<10000xf32, #tpu.memory_space<vmem>>[vector<16xi32>], vector<16xf32>,
      %sub3A_517 = arith.subf %gather3A_515, %gather3A_516 : vector<16xf32>
      %mul3A_518 = arith.mulf %sub3A_511, %sub3A_511 : vector<16xf32>
      %mul3A_519 = arith.mulf %sub3A_514, %sub3A_514 : vector<16xf32>
      %add3A_520 = arith.addf %mul3A_518, %mul3A_519 : vector<16xf32>
      %mul3A_521 = arith.mulf %sub3A_517, %sub3A_517 : vector<16xf32>
      %add3A_522 = arith.addf %add3A_520, %mul3A_521 : vector<16xf32>
      %swap3A_523 = arith.constant 1 : i32
      %swap3A_524 = arith.index_cast %swap3A_523 : i32 to index
      %swap3A_525 = arith.constant 0 : index
      %swap3A_526 = tpu.vector_load %arg18[%swap3A_524, %swap3A_525] {strides = array<i32>} : memref<2x80xf32, #tpu.memory_space<vmem>>, vector<16xf32>,
      tpu.vector_store %arg18[%swap3A_524, %swap3A_525], %add3A_522 {strides = array<i32>} : memref<2x80xf32, #tpu.memory_space<vmem>>, vector<16xf32>,
      %add3A_527 = arith.constant 16 : i32
      %add3A_528 = arith.addi %mul3A_500, %add3A_527 : i32
      %get3A_529 = arith.index_cast %add3A_528 : i32 to index
      %get3A_530 = tpu.vector_load %arg11[%get3A_529] {strides = array<i32>} : memref<10000xi32, #tpu.memory_space<vmem>>, vector<16xi32>,
      %add3A_531 = arith.constant 16 : i32
      %add3A_532 = arith.addi %mul3A_500, %add3A_531 : i32
      %get3A_533 = arith.index_cast %add3A_532 : i32 to index
      %get3A_534 = tpu.vector_load %arg12[%get3A_533] {strides = array<i32>} : memref<10000xi32, #tpu.memory_space<vmem>>, vector<16xi32>,
      %gather3A_535 = tpu.vector_load_idx %arg13[%get3A_530] : memref<10000xf32, #tpu.memory_space<vmem>>[vector<16xi32>], vector<16xf32>,
      %gather3A_536 = tpu.vector_load_idx %arg13[%get3A_534] : memref<10000xf32, #tpu.memory_space<vmem>>[vector<16xi32>], vector<16xf32>,
      %sub3A_537 = arith.subf %gather3A_535, %gather3A_536 : vector<16xf32>
      %gather3A_538 = tpu.vector_load_idx %arg14[%get3A_530] : memref<10000xf32, #tpu.memory_space<vmem>>[vector<16xi32>], vector<16xf32>,
      %gather3A_539 = tpu.vector_load_idx %arg14[%get3A_534] : memref<10000xf32, #tpu.memory_space<vmem>>[vector<16xi32>], vector<16xf32>,
      %sub3A_540 = arith.subf %gather3A_538, %gather3A_539 : vector<16xf32>
      %gather3A_541 = tpu.vector_load_idx %arg15[%get3A_530] : memref<10000xf32, #tpu.memory_space<vmem>>[vector<16xi32>], vector<16xf32>,
      %gather3A_542 = tpu.vector_load_idx %arg15[%get3A_534] : memref<10000xf32, #tpu.memory_space<vmem>>[vector<16xi32>], vector<16xf32>,
      %sub3A_543 = arith.subf %gather3A_541, %gather3A_542 : vector<16xf32>
      %mul3A_544 = arith.mulf %sub3A_537, %sub3A_537 : vector<16xf32>
      %mul3A_545 = arith.mulf %sub3A_540, %sub3A_540 : vector<16xf32>
      %add3A_546 = arith.addf %mul3A_544, %mul3A_545 : vector<16xf32>
      %mul3A_547 = arith.mulf %sub3A_543, %sub3A_543 : vector<16xf32>
      %add3A_548 = arith.addf %add3A_546, %mul3A_547 : vector<16xf32>
      %swap3A_549 = arith.constant 1 : i32
      %swap3A_550 = arith.index_cast %swap3A_549 : i32 to index
      %swap3A_551 = arith.constant 16 : index
      %swap3A_552 = tpu.vector_load %arg18[%swap3A_550, %swap3A_551] {strides = array<i32>} : memref<2x80xf32, #tpu.memory_space<vmem>>, vector<16xf32>,
      tpu.vector_store %arg18[%swap3A_550, %swap3A_551], %add3A_548 {strides = array<i32>} : memref<2x80xf32, #tpu.memory_space<vmem>>, vector<16xf32>,
      %add3A_553 = arith.constant 32 : i32
      %add3A_554 = arith.addi %mul3A_500, %add3A_553 : i32
      %get3A_555 = arith.index_cast %add3A_554 : i32 to index
      %get3A_556 = tpu.vector_load %arg11[%get3A_555] {strides = array<i32>} : memref<10000xi32, #tpu.memory_space<vmem>>, vector<16xi32>,
      %add3A_557 = arith.constant 32 : i32
      %add3A_558 = arith.addi %mul3A_500, %add3A_557 : i32
      %get3A_559 = arith.index_cast %add3A_558 : i32 to index
      %get3A_560 = tpu.vector_load %arg12[%get3A_559] {strides = array<i32>} : memref<10000xi32, #tpu.memory_space<vmem>>, vector<16xi32>,
      %gather3A_561 = tpu.vector_load_idx %arg13[%get3A_556] : memref<10000xf32, #tpu.memory_space<vmem>>[vector<16xi32>], vector<16xf32>,
      %gather3A_562 = tpu.vector_load_idx %arg13[%get3A_560] : memref<10000xf32, #tpu.memory_space<vmem>>[vector<16xi32>], vector<16xf32>,
      %sub3A_563 = arith.subf %gather3A_561, %gather3A_562 : vector<16xf32>
      %gather3A_564 = tpu.vector_load_idx %arg14[%get3A_556] : memref<10000xf32, #tpu.memory_space<vmem>>[vector<16xi32>], vector<16xf32>,
      %gather3A_565 = tpu.vector_load_idx %arg14[%get3A_560] : memref<10000xf32, #tpu.memory_space<vmem>>[vector<16xi32>], vector<16xf32>,
      %sub3A_566 = arith.subf %gather3A_564, %gather3A_565 : vector<16xf32>
      %gather3A_567 = tpu.vector_load_idx %arg15[%get3A_556] : memref<10000xf32, #tpu.memory_space<vmem>>[vector<16xi32>], vector<16xf32>,
      %gather3A_568 = tpu.vector_load_idx %arg15[%get3A_560] : memref<10000xf32, #tpu.memory_space<vmem>>[vector<16xi32>], vector<16xf32>,
      %sub3A_569 = arith.subf %gather3A_567, %gather3A_568 : vector<16xf32>
      %mul3A_570 = arith.mulf %sub3A_563, %sub3A_563 : vector<16xf32>
      %mul3A_571 = arith.mulf %sub3A_566, %sub3A_566 : vector<16xf32>
      %add3A_572 = arith.addf %mul3A_570, %mul3A_571 : vector<16xf32>
      %mul3A_573 = arith.mulf %sub3A_569, %sub3A_569 : vector<16xf32>
      %add3A_574 = arith.addf %add3A_572, %mul3A_573 : vector<16xf32>
      %swap3A_575 = arith.constant 1 : i32
      %swap3A_576 = arith.index_cast %swap3A_575 : i32 to index
      %swap3A_577 = arith.constant 32 : index
      %swap3A_578 = tpu.vector_load %arg18[%swap3A_576, %swap3A_577] {strides = array<i32>} : memref<2x80xf32, #tpu.memory_space<vmem>>, vector<16xf32>,
      tpu.vector_store %arg18[%swap3A_576, %swap3A_577], %add3A_574 {strides = array<i32>} : memref<2x80xf32, #tpu.memory_space<vmem>>, vector<16xf32>,
      %add3A_579 = arith.constant 48 : i32
      %add3A_580 = arith.addi %mul3A_500, %add3A_579 : i32
      %get3A_581 = arith.index_cast %add3A_580 : i32 to index
      %get3A_582 = tpu.vector_load %arg11[%get3A_581] {strides = array<i32>} : memref<10000xi32, #tpu.memory_space<vmem>>, vector<16xi32>,
      %add3A_583 = arith.constant 48 : i32
      %add3A_584 = arith.addi %mul3A_500, %add3A_583 : i32
      %get3A_585 = arith.index_cast %add3A_584 : i32 to index
      %get3A_586 = tpu.vector_load %arg12[%get3A_585] {strides = array<i32>} : memref<10000xi32, #tpu.memory_space<vmem>>, vector<16xi32>,
      %gather3A_587 = tpu.vector_load_idx %arg13[%get3A_582] : memref<10000xf32, #tpu.memory_space<vmem>>[vector<16xi32>], vector<16xf32>,
      %gather3A_588 = tpu.vector_load_idx %arg13[%get3A_586] : memref<10000xf32, #tpu.memory_space<vmem>>[vector<16xi32>], vector<16xf32>,
      %sub3A_589 = arith.subf %gather3A_587, %gather3A_588 : vector<16xf32>
      %gather3A_590 = tpu.vector_load_idx %arg14[%get3A_582] : memref<10000xf32, #tpu.memory_space<vmem>>[vector<16xi32>], vector<16xf32>,
      %gather3A_591 = tpu.vector_load_idx %arg14[%get3A_586] : memref<10000xf32, #tpu.memory_space<vmem>>[vector<16xi32>], vector<16xf32>,
      %sub3A_592 = arith.subf %gather3A_590, %gather3A_591 : vector<16xf32>
      %gather3A_593 = tpu.vector_load_idx %arg15[%get3A_582] : memref<10000xf32, #tpu.memory_space<vmem>>[vector<16xi32>], vector<16xf32>,
      %gather3A_594 = tpu.vector_load_idx %arg15[%get3A_586] : memref<10000xf32, #tpu.memory_space<vmem>>[vector<16xi32>], vector<16xf32>,
      %sub3A_595 = arith.subf %gather3A_593, %gather3A_594 : vector<16xf32>
      %mul3A_596 = arith.mulf %sub3A_589, %sub3A_589 : vector<16xf32>
      %mul3A_597 = arith.mulf %sub3A_592, %sub3A_592 : vector<16xf32>
      %add3A_598 = arith.addf %mul3A_596, %mul3A_597 : vector<16xf32>
      %mul3A_599 = arith.mulf %sub3A_595, %sub3A_595 : vector<16xf32>
      %add3A_600 = arith.addf %add3A_598, %mul3A_599 : vector<16xf32>
      %swap3A_601 = arith.constant 1 : i32
      %swap3A_602 = arith.index_cast %swap3A_601 : i32 to index
      %swap3A_603 = arith.constant 48 : index
      %swap3A_604 = tpu.vector_load %arg18[%swap3A_602, %swap3A_603] {strides = array<i32>} : memref<2x80xf32, #tpu.memory_space<vmem>>, vector<16xf32>,
      tpu.vector_store %arg18[%swap3A_602, %swap3A_603], %add3A_600 {strides = array<i32>} : memref<2x80xf32, #tpu.memory_space<vmem>>, vector<16xf32>,
      %add3A_605 = arith.constant 64 : i32
      %add3A_606 = arith.addi %mul3A_500, %add3A_605 : i32
      %get3A_607 = arith.index_cast %add3A_606 : i32 to index
      %get3A_608 = tpu.vector_load %arg11[%get3A_607] {strides = array<i32>} : memref<10000xi32, #tpu.memory_space<vmem>>, vector<16xi32>,
      %add3A_609 = arith.constant 64 : i32
      %add3A_610 = arith.addi %mul3A_500, %add3A_609 : i32
      %get3A_611 = arith.index_cast %add3A_610 : i32 to index
      %get3A_612 = tpu.vector_load %arg12[%get3A_611] {strides = array<i32>} : memref<10000xi32, #tpu.memory_space<vmem>>, vector<16xi32>,
      %gather3A_613 = tpu.vector_load_idx %arg13[%get3A_608] : memref<10000xf32, #tpu.memory_space<vmem>>[vector<16xi32>], vector<16xf32>,
      %gather3A_614 = tpu.vector_load_idx %arg13[%get3A_612] : memref<10000xf32, #tpu.memory_space<vmem>>[vector<16xi32>], vector<16xf32>,
      %sub3A_615 = arith.subf %gather3A_613, %gather3A_614 : vector<16xf32>
      %gather3A_616 = tpu.vector_load_idx %arg14[%get3A_608] : memref<10000xf32, #tpu.memory_space<vmem>>[vector<16xi32>], vector<16xf32>,
      %gather3A_617 = tpu.vector_load_idx %arg14[%get3A_612] : memref<10000xf32, #tpu.memory_space<vmem>>[vector<16xi32>], vector<16xf32>,
      %sub3A_618 = arith.subf %gather3A_616, %gather3A_617 : vector<16xf32>
      %gather3A_619 = tpu.vector_load_idx %arg15[%get3A_608] : memref<10000xf32, #tpu.memory_space<vmem>>[vector<16xi32>], vector<16xf32>,
      %gather3A_620 = tpu.vector_load_idx %arg15[%get3A_612] : memref<10000xf32, #tpu.memory_space<vmem>>[vector<16xi32>], vector<16xf32>,
      %sub3A_621 = arith.subf %gather3A_619, %gather3A_620 : vector<16xf32>
      %mul3A_622 = arith.mulf %sub3A_615, %sub3A_615 : vector<16xf32>
      %mul3A_623 = arith.mulf %sub3A_618, %sub3A_618 : vector<16xf32>
      %add3A_624 = arith.addf %mul3A_622, %mul3A_623 : vector<16xf32>
      %mul3A_625 = arith.mulf %sub3A_621, %sub3A_621 : vector<16xf32>
      %add3A_626 = arith.addf %add3A_624, %mul3A_625 : vector<16xf32>
      %swap3A_627 = arith.constant 1 : i32
      %swap3A_628 = arith.index_cast %swap3A_627 : i32 to index
      %swap3A_629 = arith.constant 64 : index
      %swap3A_630 = tpu.vector_load %arg18[%swap3A_628, %swap3A_629] {strides = array<i32>} : memref<2x80xf32, #tpu.memory_space<vmem>>, vector<16xf32>,
      tpu.vector_store %arg18[%swap3A_628, %swap3A_629], %add3A_626 {strides = array<i32>} : memref<2x80xf32, #tpu.memory_space<vmem>>, vector<16xf32>,
      %scan3A_631 = arith.constant 0 : i32
      %scan3A_632 = arith.constant 80 : i32
      %scan3A_633 = arith.addi %scan3A_631, %scan3A_632 : i32
      %scan3A_634 = arith.constant 1 : i32
      scf.for %scan3A_662 = %scan3A_631 to %scan3A_633 step %scan3A_634  : i32 {
        %mul3A_663 = arith.constant 1 : i32
        %mul3A_664 = arith.muli %scan3A_662, %mul3A_663 : i32
        %add3A_665 = arith.constant 0 : i32
        %add3A_666 = arith.addi %add3A_665, %mul3A_664 : i32
        %get3A_667 = arith.constant 1 : i32
        %get3A_668 = arith.index_cast %get3A_667 : i32 to index
        %get3A_669 = arith.index_cast %add3A_666 : i32 to index
        %get3A_670 = arith.constant 0 : index
        %get3A_671 = tpu.vector_load %arg16[%get3A_668, %get3A_669, %get3A_670] {strides = array<i32>} : memref<2x80x128xi32, #tpu.memory_space<vmem>>, vector<16xi32>,
        %bitcast3A = vector.bitcast %get3A_671 : vector<16xi32> to vector<32xbf16>
        %get3A_672 = arith.constant 1 : i32
        %get3A_673 = arith.index_cast %get3A_672 : i32 to index
        %get3A_674 = arith.index_cast %add3A_666 : i32 to index
        %get3A_675 = arith.constant 0 : index
        %get3A_676 = tpu.vector_load %arg17[%get3A_673, %get3A_674, %get3A_675] {strides = array<i32>} : memref<2x80x128xi32, #tpu.memory_space<vmem>>, vector<16xi32>,
        %bitcast3A_677 = vector.bitcast %get3A_676 : vector<16xi32> to vector<32xbf16>
        %add3A_678 = arith.addf %bitcast3A, %bitcast3A_677 : vector<32xbf16>
        %bitcast3A_679 = vector.bitcast %add3A_678 : vector<32xbf16> to vector<16xi32>
        %swap3A_680 = arith.constant 1 : i32
        %swap3A_681 = arith.index_cast %swap3A_680 : i32 to index
        %swap3A_682 = arith.index_cast %add3A_666 : i32 to index
        %swap3A_683 = arith.constant 0 : index
        %swap3A_684 = tpu.vector_load %arg16[%swap3A_681, %swap3A_682, %swap3A_683] {strides = array<i32>} : memref<2x80x128xi32, #tpu.memory_space<vmem>>, vector<16xi32>,
        tpu.vector_store %arg16[%swap3A_681, %swap3A_682, %swap3A_683], %bitcast3A_679 {strides = array<i32>} : memref<2x80x128xi32, #tpu.memory_space<vmem>>, vector<16xi32>,
        %get3A_685 = arith.constant 1 : i32
        %get3A_686 = arith.index_cast %get3A_685 : i32 to index
        %get3A_687 = arith.index_cast %add3A_666 : i32 to index
        %get3A_688 = arith.constant 16 : index
        %get3A_689 = tpu.vector_load %arg16[%get3A_686, %get3A_687, %get3A_688] {strides = array<i32>} : memref<2x80x128xi32, #tpu.memory_space<vmem>>, vector<16xi32>,
        %bitcast3A_690 = vector.bitcast %get3A_689 : vector<16xi32> to vector<32xbf16>
        %get3A_691 = arith.constant 1 : i32
        %get3A_692 = arith.index_cast %get3A_691 : i32 to index
        %get3A_693 = arith.index_cast %add3A_666 : i32 to index
        %get3A_694 = arith.constant 16 : index
        %get3A_695 = tpu.vector_load %arg17[%get3A_692, %get3A_693, %get3A_694] {strides = array<i32>} : memref<2x80x128xi32, #tpu.memory_space<vmem>>, vector<16xi32>,
        %bitcast3A_696 = vector.bitcast %get3A_695 : vector<16xi32> to vector<32xbf16>
        %add3A_697 = arith.addf %bitcast3A_690, %bitcast3A_696 : vector<32xbf16>
        %bitcast3A_698 = vector.bitcast %add3A_697 : vector<32xbf16> to vector<16xi32>
        %swap3A_699 = arith.constant 1 : i32
        %swap3A_700 = arith.index_cast %swap3A_699 : i32 to index
        %swap3A_701 = arith.index_cast %add3A_666 : i32 to index
        %swap3A_702 = arith.constant 16 : index
        %swap3A_703 = tpu.vector_load %arg16[%swap3A_700, %swap3A_701, %swap3A_702] {strides = array<i32>} : memref<2x80x128xi32, #tpu.memory_space<vmem>>, vector<16xi32>,
        tpu.vector_store %arg16[%swap3A_700, %swap3A_701, %swap3A_702], %bitcast3A_698 {strides = array<i32>} : memref<2x80x128xi32, #tpu.memory_space<vmem>>, vector<16xi32>,
        %get3A_704 = arith.constant 1 : i32
        %get3A_705 = arith.index_cast %get3A_704 : i32 to index
        %get3A_706 = arith.index_cast %add3A_666 : i32 to index
        %get3A_707 = arith.constant 32 : index
        %get3A_708 = tpu.vector_load %arg16[%get3A_705, %get3A_706, %get3A_707] {strides = array<i32>} : memref<2x80x128xi32, #tpu.memory_space<vmem>>, vector<16xi32>,
        %bitcast3A_709 = vector.bitcast %get3A_708 : vector<16xi32> to vector<32xbf16>
        %get3A_710 = arith.constant 1 : i32
        %get3A_711 = arith.index_cast %get3A_710 : i32 to index
        %get3A_712 = arith.index_cast %add3A_666 : i32 to index
        %get3A_713 = arith.constant 32 : index
        %get3A_714 = tpu.vector_load %arg17[%get3A_711, %get3A_712, %get3A_713] {strides = array<i32>} : memref<2x80x128xi32, #tpu.memory_space<vmem>>, vector<16xi32>,
        %bitcast3A_715 = vector.bitcast %get3A_714 : vector<16xi32> to vector<32xbf16>
        %add3A_716 = arith.addf %bitcast3A_709, %bitcast3A_715 : vector<32xbf16>
        %bitcast3A_717 = vector.bitcast %add3A_716 : vector<32xbf16> to vector<16xi32>
        %swap3A_718 = arith.constant 1 : i32
        %swap3A_719 = arith.index_cast %swap3A_718 : i32 to index
        %swap3A_720 = arith.index_cast %add3A_666 : i32 to index
        %swap3A_721 = arith.constant 32 : index
        %swap3A_722 = tpu.vector_load %arg16[%swap3A_719, %swap3A_720, %swap3A_721] {strides = array<i32>} : memref<2x80x128xi32, #tpu.memory_space<vmem>>, vector<16xi32>,
        tpu.vector_store %arg16[%swap3A_719, %swap3A_720, %swap3A_721], %bitcast3A_717 {strides = array<i32>} : memref<2x80x128xi32, #tpu.memory_space<vmem>>, vector<16xi32>,
        %get3A_723 = arith.constant 1 : i32
        %get3A_724 = arith.index_cast %get3A_723 : i32 to index
        %get3A_725 = arith.index_cast %add3A_666 : i32 to index
        %get3A_726 = arith.constant 48 : index
        %get3A_727 = tpu.vector_load %arg16[%get3A_724, %get3A_725, %get3A_726] {strides = array<i32>} : memref<2x80x128xi32, #tpu.memory_space<vmem>>, vector<16xi32>,
        %bitcast3A_728 = vector.bitcast %get3A_727 : vector<16xi32> to vector<32xbf16>
        %get3A_729 = arith.constant 1 : i32
        %get3A_730 = arith.index_cast %get3A_729 : i32 to index
        %get3A_731 = arith.index_cast %add3A_666 : i32 to index
        %get3A_732 = arith.constant 48 : index
        %get3A_733 = tpu.vector_load %arg17[%get3A_730, %get3A_731, %get3A_732] {strides = array<i32>} : memref<2x80x128xi32, #tpu.memory_space<vmem>>, vector<16xi32>,
        %bitcast3A_734 = vector.bitcast %get3A_733 : vector<16xi32> to vector<32xbf16>
        %add3A_735 = arith.addf %bitcast3A_728, %bitcast3A_734 : vector<32xbf16>
        %bitcast3A_736 = vector.bitcast %add3A_735 : vector<32xbf16> to vector<16xi32>
        %swap3A_737 = arith.constant 1 : i32
        %swap3A_738 = arith.index_cast %swap3A_737 : i32 to index
        %swap3A_739 = arith.index_cast %add3A_666 : i32 to index
        %swap3A_740 = arith.constant 48 : index
        %swap3A_741 = tpu.vector_load %arg16[%swap3A_738, %swap3A_739, %swap3A_740] {strides = array<i32>} : memref<2x80x128xi32, #tpu.memory_space<vmem>>, vector<16xi32>,
        tpu.vector_store %arg16[%swap3A_738, %swap3A_739, %swap3A_740], %bitcast3A_736 {strides = array<i32>} : memref<2x80x128xi32, #tpu.memory_space<vmem>>, vector<16xi32>,
        %get3A_742 = arith.constant 1 : i32
        %get3A_743 = arith.index_cast %get3A_742 : i32 to index
        %get3A_744 = arith.index_cast %add3A_666 : i32 to index
        %get3A_745 = arith.constant 64 : index
        %get3A_746 = tpu.vector_load %arg16[%get3A_743, %get3A_744, %get3A_745] {strides = array<i32>} : memref<2x80x128xi32, #tpu.memory_space<vmem>>, vector<16xi32>,
        %bitcast3A_747 = vector.bitcast %get3A_746 : vector<16xi32> to vector<32xbf16>
        %get3A_748 = arith.constant 1 : i32
        %get3A_749 = arith.index_cast %get3A_748 : i32 to index
        %get3A_750 = arith.index_cast %add3A_666 : i32 to index
        %get3A_751 = arith.constant 64 : index
        %get3A_752 = tpu.vector_load %arg17[%get3A_749, %get3A_750, %get3A_751] {strides = array<i32>} : memref<2x80x128xi32, #tpu.memory_space<vmem>>, vector<16xi32>,
        %bitcast3A_753 = vector.bitcast %get3A_752 : vector<16xi32> to vector<32xbf16>
        %add3A_754 = arith.addf %bitcast3A_747, %bitcast3A_753 : vector<32xbf16>
        %bitcast3A_755 = vector.bitcast %add3A_754 : vector<32xbf16> to vector<16xi32>
        %swap3A_756 = arith.constant 1 : i32
        %swap3A_757 = arith.index_cast %swap3A_756 : i32 to index
        %swap3A_758 = arith.index_cast %add3A_666 : i32 to index
        %swap3A_759 = arith.constant 64 : index
        %swap3A_760 = tpu.vector_load %arg16[%swap3A_757, %swap3A_758, %swap3A_759] {strides = array<i32>} : memref<2x80x128xi32, #tpu.memory_space<vmem>>, vector<16xi32>,
        tpu.vector_store %arg16[%swap3A_757, %swap3A_758, %swap3A_759], %bitcast3A_755 {strides = array<i32>} : memref<2x80x128xi32, #tpu.memory_space<vmem>>, vector<16xi32>,
        %get3A_761 = arith.constant 1 : i32
        %get3A_762 = arith.index_cast %get3A_761 : i32 to index
        %get3A_763 = arith.index_cast %add3A_666 : i32 to index
        %get3A_764 = arith.constant 80 : index
        %get3A_765 = tpu.vector_load %arg16[%get3A_762, %get3A_763, %get3A_764] {strides = array<i32>} : memref<2x80x128xi32, #tpu.memory_space<vmem>>, vector<16xi32>,
        %bitcast3A_766 = vector.bitcast %get3A_765 : vector<16xi32> to vector<32xbf16>
        %get3A_767 = arith.constant 1 : i32
        %get3A_768 = arith.index_cast %get3A_767 : i32 to index
        %get3A_769 = arith.index_cast %add3A_666 : i32 to index
        %get3A_770 = arith.constant 80 : index
        %get3A_771 = tpu.vector_load %arg17[%get3A_768, %get3A_769, %get3A_770] {strides = array<i32>} : memref<2x80x128xi32, #tpu.memory_space<vmem>>, vector<16xi32>,
        %bitcast3A_772 = vector.bitcast %get3A_771 : vector<16xi32> to vector<32xbf16>
        %add3A_773 = arith.addf %bitcast3A_766, %bitcast3A_772 : vector<32xbf16>
        %bitcast3A_774 = vector.bitcast %add3A_773 : vector<32xbf16> to vector<16xi32>
        %swap3A_775 = arith.constant 1 : i32
        %swap3A_776 = arith.index_cast %swap3A_775 : i32 to index
        %swap3A_777 = arith.index_cast %add3A_666 : i32 to index
        %swap3A_778 = arith.constant 80 : index
        %swap3A_779 = tpu.vector_load %arg16[%swap3A_776, %swap3A_777, %swap3A_778] {strides = array<i32>} : memref<2x80x128xi32, #tpu.memory_space<vmem>>, vector<16xi32>,
        tpu.vector_store %arg16[%swap3A_776, %swap3A_777, %swap3A_778], %bitcast3A_774 {strides = array<i32>} : memref<2x80x128xi32, #tpu.memory_space<vmem>>, vector<16xi32>,
        %get3A_780 = arith.constant 1 : i32
        %get3A_781 = arith.index_cast %get3A_780 : i32 to index
        %get3A_782 = arith.index_cast %add3A_666 : i32 to index
        %get3A_783 = arith.constant 96 : index
        %get3A_784 = tpu.vector_load %arg16[%get3A_781, %get3A_782, %get3A_783] {strides = array<i32>} : memref<2x80x128xi32, #tpu.memory_space<vmem>>, vector<16xi32>,
        %bitcast3A_785 = vector.bitcast %get3A_784 : vector<16xi32> to vector<32xbf16>
        %get3A_786 = arith.constant 1 : i32
        %get3A_787 = arith.index_cast %get3A_786 : i32 to index
        %get3A_788 = arith.index_cast %add3A_666 : i32 to index
        %get3A_789 = arith.constant 96 : index
        %get3A_790 = tpu.vector_load %arg17[%get3A_787, %get3A_788, %get3A_789] {strides = array<i32>} : memref<2x80x128xi32, #tpu.memory_space<vmem>>, vector<16xi32>,
        %bitcast3A_791 = vector.bitcast %get3A_790 : vector<16xi32> to vector<32xbf16>
        %add3A_792 = arith.addf %bitcast3A_785, %bitcast3A_791 : vector<32xbf16>
        %bitcast3A_793 = vector.bitcast %add3A_792 : vector<32xbf16> to vector<16xi32>
        %swap3A_794 = arith.constant 1 : i32
        %swap3A_795 = arith.index_cast %swap3A_794 : i32 to index
        %swap3A_796 = arith.index_cast %add3A_666 : i32 to index
        %swap3A_797 = arith.constant 96 : index
        %swap3A_798 = tpu.vector_load %arg16[%swap3A_795, %swap3A_796, %swap3A_797] {strides = array<i32>} : memref<2x80x128xi32, #tpu.memory_space<vmem>>, vector<16xi32>,
        tpu.vector_store %arg16[%swap3A_795, %swap3A_796, %swap3A_797], %bitcast3A_793 {strides = array<i32>} : memref<2x80x128xi32, #tpu.memory_space<vmem>>, vector<16xi32>,
        %get3A_799 = arith.constant 1 : i32
        %get3A_800 = arith.index_cast %get3A_799 : i32 to index
        %get3A_801 = arith.index_cast %add3A_666 : i32 to index
        %get3A_802 = arith.constant 112 : index
        %get3A_803 = tpu.vector_load %arg16[%get3A_800, %get3A_801, %get3A_802] {strides = array<i32>} : memref<2x80x128xi32, #tpu.memory_space<vmem>>, vector<16xi32>,
        %bitcast3A_804 = vector.bitcast %get3A_803 : vector<16xi32> to vector<32xbf16>
        %get3A_805 = arith.constant 1 : i32
        %get3A_806 = arith.index_cast %get3A_805 : i32 to index
        %get3A_807 = arith.index_cast %add3A_666 : i32 to index
        %get3A_808 = arith.constant 112 : index
        %get3A_809 = tpu.vector_load %arg17[%get3A_806, %get3A_807, %get3A_808] {strides = array<i32>} : memref<2x80x128xi32, #tpu.memory_space<vmem>>, vector<16xi32>,
        %bitcast3A_810 = vector.bitcast %get3A_809 : vector<16xi32> to vector<32xbf16>
        %add3A_811 = arith.addf %bitcast3A_804, %bitcast3A_810 : vector<32xbf16>
        %bitcast3A_812 = vector.bitcast %add3A_811 : vector<32xbf16> to vector<16xi32>
        %swap3A_813 = arith.constant 1 : i32
        %swap3A_814 = arith.index_cast %swap3A_813 : i32 to index
        %swap3A_815 = arith.index_cast %add3A_666 : i32 to index
        %swap3A_816 = arith.constant 112 : index
        %swap3A_817 = tpu.vector_load %arg16[%swap3A_814, %swap3A_815, %swap3A_816] {strides = array<i32>} : memref<2x80x128xi32, #tpu.memory_space<vmem>>, vector<16xi32>,
        tpu.vector_store %arg16[%swap3A_814, %swap3A_815, %swap3A_816], %bitcast3A_812 {strides = array<i32>} : memref<2x80x128xi32, #tpu.memory_space<vmem>>, vector<16xi32>,
      }
      %scan3A_635 = arith.constant 80 : i32
      %mul3A_636 = arith.constant 80 : i32
      %mul3A_637 = arith.muli %add3A_451, %mul3A_636 : i32
      %add3A_638 = arith.addi %mul3A_2, %mul3A_637 : i32
      %add3A_639 = arith.addi %mul3A_2, %mul3A_637 : i32
      %dma_start3A_640 = arith.constant 1 : i32
      %dma_start3A_641 = arith.constant 0 : i32
      %dma_start3A_642 = arith.constant 0 : i32
      %dma_start3A_643 = tpu.memref_slice %arg16[%dma_start3A_640, %dma_start3A_641, %dma_start3A_642] : memref<2x80x128xi32, #tpu.memory_space<vmem>> -> memref<1x80x128xi32, #tpu.memory_space<vmem>>
      %dma_start3A_644 = tpu.memref_squeeze %dma_start3A_643 : memref<1x80x128xi32, #tpu.memory_space<vmem>> -> memref<80x128xi32, #tpu.memory_space<vmem>>
      %dma_start3A_645 = arith.constant 0 : i32
      %dma_start3A_646 = tpu.memref_slice %arg9[%add3A_638, %dma_start3A_645] : memref<320000x128xi32, #tpu.memory_space<hbm>> -> memref<80x128xi32, #tpu.memory_space<hbm>>
      %dma_start3A_647 = arith.constant 0 : i32
      %dma_start3A_648 = tpu.memref_slice %arg9[%add3A_638, %dma_start3A_647] : memref<320000x128xi32, #tpu.memory_space<hbm>> -> memref<80x128xi32, #tpu.memory_space<hbm>>
      %dma_start3A_649 = arith.constant 0 : i32
      %dma_start3A_650 = arith.constant 0 : i32
      %dma_start3A_651 = tpu.memref_slice %arg16[%dma_start3A_640, %dma_start3A_649, %dma_start3A_650] : memref<2x80x128xi32, #tpu.memory_space<vmem>> -> memref<1x80x128xi32, #tpu.memory_space<vmem>>
      %dma_start3A_652 = tpu.memref_squeeze %dma_start3A_651 : memref<1x80x128xi32, #tpu.memory_space<vmem>> -> memref<80x128xi32, #tpu.memory_space<vmem>>
      tpu.enqueue_dma source(%dma_start3A_652 : memref<80x128xi32, #tpu.memory_space<vmem>>) target(%dma_start3A_648 : memref<80x128xi32, #tpu.memory_space<hbm>>) target_semaphore(%arg24 : memref<!tpu.dma_semaphore, #tpu.memory_space<semaphore_mem>>)
      %dma_start3A_653 = arith.constant 1 : i32
      %dma_start3A_654 = arith.constant 0 : i32
      %dma_start3A_655 = tpu.memref_slice %arg18[%dma_start3A_653, %dma_start3A_654] : memref<2x80xf32, #tpu.memory_space<vmem>> -> memref<1x80xf32, #tpu.memory_space<vmem>>
      %dma_start3A_656 = tpu.memref_squeeze %dma_start3A_655 : memref<1x80xf32, #tpu.memory_space<vmem>> -> memref<80xf32, #tpu.memory_space<vmem>>
      %dma_start3A_657 = tpu.memref_slice %arg10[%add3A_639] : memref<320000xf32, #tpu.memory_space<hbm>> -> memref<80xf32, #tpu.memory_space<hbm>>
      %dma_start3A_658 = tpu.memref_slice %arg10[%add3A_639] : memref<320000xf32, #tpu.memory_space<hbm>> -> memref<80xf32, #tpu.memory_space<hbm>>
      %dma_start3A_659 = arith.constant 0 : i32
      %dma_start3A_660 = tpu.memref_slice %arg18[%dma_start3A_653, %dma_start3A_659] : memref<2x80xf32, #tpu.memory_space<vmem>> -> memref<1x80xf32, #tpu.memory_space<vmem>>
      %dma_start3A_661 = tpu.memref_squeeze %dma_start3A_660 : memref<1x80xf32, #tpu.memory_space<vmem>> -> memref<80xf32, #tpu.memory_space<vmem>>
      tpu.enqueue_dma source(%dma_start3A_661 : memref<80xf32, #tpu.memory_space<vmem>>) target(%dma_start3A_658 : memref<80xf32, #tpu.memory_space<hbm>>) target_semaphore(%arg24 : memref<!tpu.dma_semaphore, #tpu.memory_space<semaphore_mem>>)
    }
    %scan3A_25 = arith.constant 62 : i32
    %dma_wait3A = arith.constant 0 : i32
    %dma_wait3A_26 = arith.constant 0 : i32
    %dma_wait3A_27 = arith.constant 0 : i32
    %dma_wait3A_28 = tpu.memref_slice %arg16[%dma_wait3A, %dma_wait3A_26, %dma_wait3A_27] : memref<2x80x128xi32, #tpu.memory_space<vmem>> -> memref<1x80x128xi32, #tpu.memory_space<vmem>>
    %dma_wait3A_29 = tpu.memref_squeeze %dma_wait3A_28 : memref<1x80x128xi32, #tpu.memory_space<vmem>> -> memref<80x128xi32, #tpu.memory_space<vmem>>
    %dma_wait3A_30 = arith.constant 9920 : i32
    %dma_wait3A_31 = tpu.memref_slice %arg11[%dma_wait3A_30] : memref<10000xi32, #tpu.memory_space<vmem>> -> memref<80xi32, #tpu.memory_space<vmem>>
    %dma_wait3A_32 = arith.constant 0 : i32
    %dma_wait3A_33 = arith.constant 0 : i32
    %dma_wait3A_34 = tpu.memref_slice %arg2[%dma_wait3A_32, %dma_wait3A_33] : memref<10000x128xi32, #tpu.memory_space<hbm>> -> memref<10000x128xi32, #tpu.memory_space<hbm>>
    tpu.wait_indirect_dma semaphore(%arg19 : memref<!tpu.dma_semaphore, #tpu.memory_space<semaphore_mem>>) src(%dma_wait3A_34 : memref<10000x128xi32, #tpu.memory_space<hbm>>) dst(%dma_wait3A_29 : memref<80x128xi32, #tpu.memory_space<vmem>>)
    %dma_wait3A_35 = arith.constant 0 : i32
    %dma_wait3A_36 = arith.constant 0 : i32
    %dma_wait3A_37 = arith.constant 0 : i32
    %dma_wait3A_38 = tpu.memref_slice %arg17[%dma_wait3A_35, %dma_wait3A_36, %dma_wait3A_37] : memref<2x80x128xi32, #tpu.memory_space<vmem>> -> memref<1x80x128xi32, #tpu.memory_space<vmem>>
    %dma_wait3A_39 = tpu.memref_squeeze %dma_wait3A_38 : memref<1x80x128xi32, #tpu.memory_space<vmem>> -> memref<80x128xi32, #tpu.memory_space<vmem>>
    %dma_wait3A_40 = arith.constant 9920 : i32
    %dma_wait3A_41 = tpu.memref_slice %arg12[%dma_wait3A_40] : memref<10000xi32, #tpu.memory_space<vmem>> -> memref<80xi32, #tpu.memory_space<vmem>>
    %dma_wait3A_42 = arith.constant 0 : i32
    %dma_wait3A_43 = arith.constant 0 : i32
    %dma_wait3A_44 = tpu.memref_slice %arg3[%dma_wait3A_42, %dma_wait3A_43] : memref<10000x128xi32, #tpu.memory_space<hbm>> -> memref<10000x128xi32, #tpu.memory_space<hbm>>
    tpu.wait_indirect_dma semaphore(%arg21 : memref<!tpu.dma_semaphore, #tpu.memory_space<semaphore_mem>>) src(%dma_wait3A_44 : memref<10000x128xi32, #tpu.memory_space<hbm>>) dst(%dma_wait3A_39 : memref<80x128xi32, #tpu.memory_space<vmem>>)
    %add3A_45 = arith.constant 9840 : i32
    %add3A_46 = arith.addi %mul3A_2, %add3A_45 : i32
    %add3A_47 = arith.constant 9840 : i32
    %add3A_48 = arith.addi %mul3A_2, %add3A_47 : i32
    %dma_wait3A_49 = arith.constant 1 : i32
    %dma_wait3A_50 = arith.constant 0 : i32
    %dma_wait3A_51 = arith.constant 0 : i32
    %dma_wait3A_52 = tpu.memref_slice %arg16[%dma_wait3A_49, %dma_wait3A_50, %dma_wait3A_51] : memref<2x80x128xi32, #tpu.memory_space<vmem>> -> memref<1x80x128xi32, #tpu.memory_space<vmem>>
    %dma_wait3A_53 = tpu.memref_squeeze %dma_wait3A_52 : memref<1x80x128xi32, #tpu.memory_space<vmem>> -> memref<80x128xi32, #tpu.memory_space<vmem>>
    %dma_wait3A_54 = arith.constant 0 : i32
    %dma_wait3A_55 = tpu.memref_slice %arg9[%add3A_46, %dma_wait3A_54] : memref<320000x128xi32, #tpu.memory_space<hbm>> -> memref<80x128xi32, #tpu.memory_space<hbm>>
    %dma_wait3A_56 = arith.constant 0 : i32
    %dma_wait3A_57 = tpu.memref_slice %arg9[%add3A_46, %dma_wait3A_56] : memref<320000x128xi32, #tpu.memory_space<hbm>> -> memref<80x128xi32, #tpu.memory_space<hbm>>
    %dma_wait3A_58 = arith.constant 0 : i32
    %dma_wait3A_59 = arith.constant 0 : i32
    %dma_wait3A_60 = tpu.memref_slice %arg16[%dma_wait3A_49, %dma_wait3A_58, %dma_wait3A_59] : memref<2x80x128xi32, #tpu.memory_space<vmem>> -> memref<1x80x128xi32, #tpu.memory_space<vmem>>
    %dma_wait3A_61 = tpu.memref_squeeze %dma_wait3A_60 : memref<1x80x128xi32, #tpu.memory_space<vmem>> -> memref<80x128xi32, #tpu.memory_space<vmem>>
    tpu.wait_dma2 semaphore(%arg24 : memref<!tpu.dma_semaphore, #tpu.memory_space<semaphore_mem>>) src(%dma_wait3A_61 : memref<80x128xi32, #tpu.memory_space<vmem>>) dst(%dma_wait3A_57 : memref<80x128xi32, #tpu.memory_space<hbm>>)
    %dma_wait3A_62 = arith.constant 1 : i32
    %dma_wait3A_63 = arith.constant 0 : i32
    %dma_wait3A_64 = tpu.memref_slice %arg18[%dma_wait3A_62, %dma_wait3A_63] : memref<2x80xf32, #tpu.memory_space<vmem>> -> memref<1x80xf32, #tpu.memory_space<vmem>>
    %dma_wait3A_65 = tpu.memref_squeeze %dma_wait3A_64 : memref<1x80xf32, #tpu.memory_space<vmem>> -> memref<80xf32, #tpu.memory_space<vmem>>
    %dma_wait3A_66 = tpu.memref_slice %arg10[%add3A_48] : memref<320000xf32, #tpu.memory_space<hbm>> -> memref<80xf32, #tpu.memory_space<hbm>>
    %dma_wait3A_67 = tpu.memref_slice %arg10[%add3A_48] : memref<320000xf32, #tpu.memory_space<hbm>> -> memref<80xf32, #tpu.memory_space<hbm>>
    %dma_wait3A_68 = arith.constant 0 : i32
    %dma_wait3A_69 = tpu.memref_slice %arg18[%dma_wait3A_62, %dma_wait3A_68] : memref<2x80xf32, #tpu.memory_space<vmem>> -> memref<1x80xf32, #tpu.memory_space<vmem>>
    %dma_wait3A_70 = tpu.memref_squeeze %dma_wait3A_69 : memref<1x80xf32, #tpu.memory_space<vmem>> -> memref<80xf32, #tpu.memory_space<vmem>>
    tpu.wait_dma2 semaphore(%arg24 : memref<!tpu.dma_semaphore, #tpu.memory_space<semaphore_mem>>) src(%dma_wait3A_70 : memref<80xf32, #tpu.memory_space<vmem>>) dst(%dma_wait3A_67 : memref<80xf32, #tpu.memory_space<hbm>>)
    %get3A = arith.constant 9920 : index
    %get3A_71 = tpu.vector_load %arg11[%get3A] {strides = array<i32>} : memref<10000xi32, #tpu.memory_space<vmem>>, vector<16xi32>,
    %get3A_72 = arith.constant 9920 : index
    %get3A_73 = tpu.vector_load %arg12[%get3A_72] {strides = array<i32>} : memref<10000xi32, #tpu.memory_space<vmem>>, vector<16xi32>,
    %gather3A = tpu.vector_load_idx %arg13[%get3A_71] : memref<10000xf32, #tpu.memory_space<vmem>>[vector<16xi32>], vector<16xf32>,
    %gather3A_74 = tpu.vector_load_idx %arg13[%get3A_73] : memref<10000xf32, #tpu.memory_space<vmem>>[vector<16xi32>], vector<16xf32>,
    %sub3A = arith.subf %gather3A, %gather3A_74 : vector<16xf32>
    %gather3A_75 = tpu.vector_load_idx %arg14[%get3A_71] : memref<10000xf32, #tpu.memory_space<vmem>>[vector<16xi32>], vector<16xf32>,
    %gather3A_76 = tpu.vector_load_idx %arg14[%get3A_73] : memref<10000xf32, #tpu.memory_space<vmem>>[vector<16xi32>], vector<16xf32>,
    %sub3A_77 = arith.subf %gather3A_75, %gather3A_76 : vector<16xf32>
    %gather3A_78 = tpu.vector_load_idx %arg15[%get3A_71] : memref<10000xf32, #tpu.memory_space<vmem>>[vector<16xi32>], vector<16xf32>,
    %gather3A_79 = tpu.vector_load_idx %arg15[%get3A_73] : memref<10000xf32, #tpu.memory_space<vmem>>[vector<16xi32>], vector<16xf32>,
    %sub3A_80 = arith.subf %gather3A_78, %gather3A_79 : vector<16xf32>
    %mul3A_81 = arith.mulf %sub3A, %sub3A : vector<16xf32>
    %mul3A_82 = arith.mulf %sub3A_77, %sub3A_77 : vector<16xf32>
    %add3A_83 = arith.addf %mul3A_81, %mul3A_82 : vector<16xf32>
    %mul3A_84 = arith.mulf %sub3A_80, %sub3A_80 : vector<16xf32>
    %add3A_85 = arith.addf %add3A_83, %mul3A_84 : vector<16xf32>
    %swap3A = arith.constant 0 : i32
    %swap3A_86 = arith.index_cast %swap3A : i32 to index
    %swap3A_87 = arith.constant 0 : index
    %swap3A_88 = tpu.vector_load %arg18[%swap3A_86, %swap3A_87] {strides = array<i32>} : memref<2x80xf32, #tpu.memory_space<vmem>>, vector<16xf32>,
    tpu.vector_store %arg18[%swap3A_86, %swap3A_87], %add3A_85 {strides = array<i32>} : memref<2x80xf32, #tpu.memory_space<vmem>>, vector<16xf32>,
    %get3A_89 = arith.constant 9936 : index
    %get3A_90 = tpu.vector_load %arg11[%get3A_89] {strides = array<i32>} : memref<10000xi32, #tpu.memory_space<vmem>>, vector<16xi32>,
    %get3A_91 = arith.constant 9936 : index
    %get3A_92 = tpu.vector_load %arg12[%get3A_91] {strides = array<i32>} : memref<10000xi32, #tpu.memory_space<vmem>>, vector<16xi32>,
    %gather3A_93 = tpu.vector_load_idx %arg13[%get3A_90] : memref<10000xf32, #tpu.memory_space<vmem>>[vector<16xi32>], vector<16xf32>,
    %gather3A_94 = tpu.vector_load_idx %arg13[%get3A_92] : memref<10000xf32, #tpu.memory_space<vmem>>[vector<16xi32>], vector<16xf32>,
    %sub3A_95 = arith.subf %gather3A_93, %gather3A_94 : vector<16xf32>
    %gather3A_96 = tpu.vector_load_idx %arg14[%get3A_90] : memref<10000xf32, #tpu.memory_space<vmem>>[vector<16xi32>], vector<16xf32>,
    %gather3A_97 = tpu.vector_load_idx %arg14[%get3A_92] : memref<10000xf32, #tpu.memory_space<vmem>>[vector<16xi32>], vector<16xf32>,
    %sub3A_98 = arith.subf %gather3A_96, %gather3A_97 : vector<16xf32>
    %gather3A_99 = tpu.vector_load_idx %arg15[%get3A_90] : memref<10000xf32, #tpu.memory_space<vmem>>[vector<16xi32>], vector<16xf32>,
    %gather3A_100 = tpu.vector_load_idx %arg15[%get3A_92] : memref<10000xf32, #tpu.memory_space<vmem>>[vector<16xi32>], vector<16xf32>,
    %sub3A_101 = arith.subf %gather3A_99, %gather3A_100 : vector<16xf32>
    %mul3A_102 = arith.mulf %sub3A_95, %sub3A_95 : vector<16xf32>
    %mul3A_103 = arith.mulf %sub3A_98, %sub3A_98 : vector<16xf32>
    %add3A_104 = arith.addf %mul3A_102, %mul3A_103 : vector<16xf32>
    %mul3A_105 = arith.mulf %sub3A_101, %sub3A_101 : vector<16xf32>
    %add3A_106 = arith.addf %add3A_104, %mul3A_105 : vector<16xf32>
    %swap3A_107 = arith.constant 0 : i32
    %swap3A_108 = arith.index_cast %swap3A_107 : i32 to index
    %swap3A_109 = arith.constant 16 : index
    %swap3A_110 = tpu.vector_load %arg18[%swap3A_108, %swap3A_109] {strides = array<i32>} : memref<2x80xf32, #tpu.memory_space<vmem>>, vector<16xf32>,
    tpu.vector_store %arg18[%swap3A_108, %swap3A_109], %add3A_106 {strides = array<i32>} : memref<2x80xf32, #tpu.memory_space<vmem>>, vector<16xf32>,
    %get3A_111 = arith.constant 9952 : index
    %get3A_112 = tpu.vector_load %arg11[%get3A_111] {strides = array<i32>} : memref<10000xi32, #tpu.memory_space<vmem>>, vector<16xi32>,
    %get3A_113 = arith.constant 9952 : index
    %get3A_114 = tpu.vector_load %arg12[%get3A_113] {strides = array<i32>} : memref<10000xi32, #tpu.memory_space<vmem>>, vector<16xi32>,
    %gather3A_115 = tpu.vector_load_idx %arg13[%get3A_112] : memref<10000xf32, #tpu.memory_space<vmem>>[vector<16xi32>], vector<16xf32>,
    %gather3A_116 = tpu.vector_load_idx %arg13[%get3A_114] : memref<10000xf32, #tpu.memory_space<vmem>>[vector<16xi32>], vector<16xf32>,
    %sub3A_117 = arith.subf %gather3A_115, %gather3A_116 : vector<16xf32>
    %gather3A_118 = tpu.vector_load_idx %arg14[%get3A_112] : memref<10000xf32, #tpu.memory_space<vmem>>[vector<16xi32>], vector<16xf32>,
    %gather3A_119 = tpu.vector_load_idx %arg14[%get3A_114] : memref<10000xf32, #tpu.memory_space<vmem>>[vector<16xi32>], vector<16xf32>,
    %sub3A_120 = arith.subf %gather3A_118, %gather3A_119 : vector<16xf32>
    %gather3A_121 = tpu.vector_load_idx %arg15[%get3A_112] : memref<10000xf32, #tpu.memory_space<vmem>>[vector<16xi32>], vector<16xf32>,
    %gather3A_122 = tpu.vector_load_idx %arg15[%get3A_114] : memref<10000xf32, #tpu.memory_space<vmem>>[vector<16xi32>], vector<16xf32>,
    %sub3A_123 = arith.subf %gather3A_121, %gather3A_122 : vector<16xf32>
    %mul3A_124 = arith.mulf %sub3A_117, %sub3A_117 : vector<16xf32>
    %mul3A_125 = arith.mulf %sub3A_120, %sub3A_120 : vector<16xf32>
    %add3A_126 = arith.addf %mul3A_124, %mul3A_125 : vector<16xf32>
    %mul3A_127 = arith.mulf %sub3A_123, %sub3A_123 : vector<16xf32>
    %add3A_128 = arith.addf %add3A_126, %mul3A_127 : vector<16xf32>
    %swap3A_129 = arith.constant 0 : i32
    %swap3A_130 = arith.index_cast %swap3A_129 : i32 to index
    %swap3A_131 = arith.constant 32 : index
    %swap3A_132 = tpu.vector_load %arg18[%swap3A_130, %swap3A_131] {strides = array<i32>} : memref<2x80xf32, #tpu.memory_space<vmem>>, vector<16xf32>,
    tpu.vector_store %arg18[%swap3A_130, %swap3A_131], %add3A_128 {strides = array<i32>} : memref<2x80xf32, #tpu.memory_space<vmem>>, vector<16xf32>,
    %get3A_133 = arith.constant 9968 : index
    %get3A_134 = tpu.vector_load %arg11[%get3A_133] {strides = array<i32>} : memref<10000xi32, #tpu.memory_space<vmem>>, vector<16xi32>,
    %get3A_135 = arith.constant 9968 : index
    %get3A_136 = tpu.vector_load %arg12[%get3A_135] {strides = array<i32>} : memref<10000xi32, #tpu.memory_space<vmem>>, vector<16xi32>,
    %gather3A_137 = tpu.vector_load_idx %arg13[%get3A_134] : memref<10000xf32, #tpu.memory_space<vmem>>[vector<16xi32>], vector<16xf32>,
    %gather3A_138 = tpu.vector_load_idx %arg13[%get3A_136] : memref<10000xf32, #tpu.memory_space<vmem>>[vector<16xi32>], vector<16xf32>,
    %sub3A_139 = arith.subf %gather3A_137, %gather3A_138 : vector<16xf32>
    %gather3A_140 = tpu.vector_load_idx %arg14[%get3A_134] : memref<10000xf32, #tpu.memory_space<vmem>>[vector<16xi32>], vector<16xf32>,
    %gather3A_141 = tpu.vector_load_idx %arg14[%get3A_136] : memref<10000xf32, #tpu.memory_space<vmem>>[vector<16xi32>], vector<16xf32>,
    %sub3A_142 = arith.subf %gather3A_140, %gather3A_141 : vector<16xf32>
    %gather3A_143 = tpu.vector_load_idx %arg15[%get3A_134] : memref<10000xf32, #tpu.memory_space<vmem>>[vector<16xi32>], vector<16xf32>,
    %gather3A_144 = tpu.vector_load_idx %arg15[%get3A_136] : memref<10000xf32, #tpu.memory_space<vmem>>[vector<16xi32>], vector<16xf32>,
    %sub3A_145 = arith.subf %gather3A_143, %gather3A_144 : vector<16xf32>
    %mul3A_146 = arith.mulf %sub3A_139, %sub3A_139 : vector<16xf32>
    %mul3A_147 = arith.mulf %sub3A_142, %sub3A_142 : vector<16xf32>
    %add3A_148 = arith.addf %mul3A_146, %mul3A_147 : vector<16xf32>
    %mul3A_149 = arith.mulf %sub3A_145, %sub3A_145 : vector<16xf32>
    %add3A_150 = arith.addf %add3A_148, %mul3A_149 : vector<16xf32>
    %swap3A_151 = arith.constant 0 : i32
    %swap3A_152 = arith.index_cast %swap3A_151 : i32 to index
    %swap3A_153 = arith.constant 48 : index
    %swap3A_154 = tpu.vector_load %arg18[%swap3A_152, %swap3A_153] {strides = array<i32>} : memref<2x80xf32, #tpu.memory_space<vmem>>, vector<16xf32>,
    tpu.vector_store %arg18[%swap3A_152, %swap3A_153], %add3A_150 {strides = array<i32>} : memref<2x80xf32, #tpu.memory_space<vmem>>, vector<16xf32>,
    %get3A_155 = arith.constant 9984 : index
    %get3A_156 = tpu.vector_load %arg11[%get3A_155] {strides = array<i32>} : memref<10000xi32, #tpu.memory_space<vmem>>, vector<16xi32>,
    %get3A_157 = arith.constant 9984 : index
    %get3A_158 = tpu.vector_load %arg12[%get3A_157] {strides = array<i32>} : memref<10000xi32, #tpu.memory_space<vmem>>, vector<16xi32>,
    %gather3A_159 = tpu.vector_load_idx %arg13[%get3A_156] : memref<10000xf32, #tpu.memory_space<vmem>>[vector<16xi32>], vector<16xf32>,
    %gather3A_160 = tpu.vector_load_idx %arg13[%get3A_158] : memref<10000xf32, #tpu.memory_space<vmem>>[vector<16xi32>], vector<16xf32>,
    %sub3A_161 = arith.subf %gather3A_159, %gather3A_160 : vector<16xf32>
    %gather3A_162 = tpu.vector_load_idx %arg14[%get3A_156] : memref<10000xf32, #tpu.memory_space<vmem>>[vector<16xi32>], vector<16xf32>,
    %gather3A_163 = tpu.vector_load_idx %arg14[%get3A_158] : memref<10000xf32, #tpu.memory_space<vmem>>[vector<16xi32>], vector<16xf32>,
    %sub3A_164 = arith.subf %gather3A_162, %gather3A_163 : vector<16xf32>
    %gather3A_165 = tpu.vector_load_idx %arg15[%get3A_156] : memref<10000xf32, #tpu.memory_space<vmem>>[vector<16xi32>], vector<16xf32>,
    %gather3A_166 = tpu.vector_load_idx %arg15[%get3A_158] : memref<10000xf32, #tpu.memory_space<vmem>>[vector<16xi32>], vector<16xf32>,
    %sub3A_167 = arith.subf %gather3A_165, %gather3A_166 : vector<16xf32>
    %mul3A_168 = arith.mulf %sub3A_161, %sub3A_161 : vector<16xf32>
    %mul3A_169 = arith.mulf %sub3A_164, %sub3A_164 : vector<16xf32>
    %add3A_170 = arith.addf %mul3A_168, %mul3A_169 : vector<16xf32>
    %mul3A_171 = arith.mulf %sub3A_167, %sub3A_167 : vector<16xf32>
    %add3A_172 = arith.addf %add3A_170, %mul3A_171 : vector<16xf32>
    %swap3A_173 = arith.constant 0 : i32
    %swap3A_174 = arith.index_cast %swap3A_173 : i32 to index
    %swap3A_175 = arith.constant 64 : index
    %swap3A_176 = tpu.vector_load %arg18[%swap3A_174, %swap3A_175] {strides = array<i32>} : memref<2x80xf32, #tpu.memory_space<vmem>>, vector<16xf32>,
    tpu.vector_store %arg18[%swap3A_174, %swap3A_175], %add3A_172 {strides = array<i32>} : memref<2x80xf32, #tpu.memory_space<vmem>>, vector<16xf32>,
    %scan3A_177 = arith.constant 0 : i32
    %scan3A_178 = arith.constant 80 : i32
    %scan3A_179 = arith.addi %scan3A_177, %scan3A_178 : i32
    %scan3A_180 = arith.constant 1 : i32
    scf.for %scan3A_234 = %scan3A_177 to %scan3A_179 step %scan3A_180  : i32 {
      %mul3A_235 = arith.constant 1 : i32
      %mul3A_236 = arith.muli %scan3A_234, %mul3A_235 : i32
      %add3A_237 = arith.constant 0 : i32
      %add3A_238 = arith.addi %add3A_237, %mul3A_236 : i32
      %get3A_239 = arith.constant 0 : i32
      %get3A_240 = arith.index_cast %get3A_239 : i32 to index
      %get3A_241 = arith.index_cast %add3A_238 : i32 to index
      %get3A_242 = arith.constant 0 : index
      %get3A_243 = tpu.vector_load %arg16[%get3A_240, %get3A_241, %get3A_242] {strides = array<i32>} : memref<2x80x128xi32, #tpu.memory_space<vmem>>, vector<16xi32>,
      %bitcast3A = vector.bitcast %get3A_243 : vector<16xi32> to vector<32xbf16>
      %get3A_244 = arith.constant 0 : i32
      %get3A_245 = arith.index_cast %get3A_244 : i32 to index
      %get3A_246 = arith.index_cast %add3A_238 : i32 to index
      %get3A_247 = arith.constant 0 : index
      %get3A_248 = tpu.vector_load %arg17[%get3A_245, %get3A_246, %get3A_247] {strides = array<i32>} : memref<2x80x128xi32, #tpu.memory_space<vmem>>, vector<16xi32>,
      %bitcast3A_249 = vector.bitcast %get3A_248 : vector<16xi32> to vector<32xbf16>
      %add3A_250 = arith.addf %bitcast3A, %bitcast3A_249 : vector<32xbf16>
      %bitcast3A_251 = vector.bitcast %add3A_250 : vector<32xbf16> to vector<16xi32>
      %swap3A_252 = arith.constant 0 : i32
      %swap3A_253 = arith.index_cast %swap3A_252 : i32 to index
      %swap3A_254 = arith.index_cast %add3A_238 : i32 to index
      %swap3A_255 = arith.constant 0 : index
      %swap3A_256 = tpu.vector_load %arg16[%swap3A_253, %swap3A_254, %swap3A_255] {strides = array<i32>} : memref<2x80x128xi32, #tpu.memory_space<vmem>>, vector<16xi32>,
      tpu.vector_store %arg16[%swap3A_253, %swap3A_254, %swap3A_255], %bitcast3A_251 {strides = array<i32>} : memref<2x80x128xi32, #tpu.memory_space<vmem>>, vector<16xi32>,
      %get3A_257 = arith.constant 0 : i32
      %get3A_258 = arith.index_cast %get3A_257 : i32 to index
      %get3A_259 = arith.index_cast %add3A_238 : i32 to index
      %get3A_260 = arith.constant 16 : index
      %get3A_261 = tpu.vector_load %arg16[%get3A_258, %get3A_259, %get3A_260] {strides = array<i32>} : memref<2x80x128xi32, #tpu.memory_space<vmem>>, vector<16xi32>,
      %bitcast3A_262 = vector.bitcast %get3A_261 : vector<16xi32> to vector<32xbf16>
      %get3A_263 = arith.constant 0 : i32
      %get3A_264 = arith.index_cast %get3A_263 : i32 to index
      %get3A_265 = arith.index_cast %add3A_238 : i32 to index
      %get3A_266 = arith.constant 16 : index
      %get3A_267 = tpu.vector_load %arg17[%get3A_264, %get3A_265, %get3A_266] {strides = array<i32>} : memref<2x80x128xi32, #tpu.memory_space<vmem>>, vector<16xi32>,
      %bitcast3A_268 = vector.bitcast %get3A_267 : vector<16xi32> to vector<32xbf16>
      %add3A_269 = arith.addf %bitcast3A_262, %bitcast3A_268 : vector<32xbf16>
      %bitcast3A_270 = vector.bitcast %add3A_269 : vector<32xbf16> to vector<16xi32>
      %swap3A_271 = arith.constant 0 : i32
      %swap3A_272 = arith.index_cast %swap3A_271 : i32 to index
      %swap3A_273 = arith.index_cast %add3A_238 : i32 to index
      %swap3A_274 = arith.constant 16 : index
      %swap3A_275 = tpu.vector_load %arg16[%swap3A_272, %swap3A_273, %swap3A_274] {strides = array<i32>} : memref<2x80x128xi32, #tpu.memory_space<vmem>>, vector<16xi32>,
      tpu.vector_store %arg16[%swap3A_272, %swap3A_273, %swap3A_274], %bitcast3A_270 {strides = array<i32>} : memref<2x80x128xi32, #tpu.memory_space<vmem>>, vector<16xi32>,
      %get3A_276 = arith.constant 0 : i32
      %get3A_277 = arith.index_cast %get3A_276 : i32 to index
      %get3A_278 = arith.index_cast %add3A_238 : i32 to index
      %get3A_279 = arith.constant 32 : index
      %get3A_280 = tpu.vector_load %arg16[%get3A_277, %get3A_278, %get3A_279] {strides = array<i32>} : memref<2x80x128xi32, #tpu.memory_space<vmem>>, vector<16xi32>,
      %bitcast3A_281 = vector.bitcast %get3A_280 : vector<16xi32> to vector<32xbf16>
      %get3A_282 = arith.constant 0 : i32
      %get3A_283 = arith.index_cast %get3A_282 : i32 to index
      %get3A_284 = arith.index_cast %add3A_238 : i32 to index
      %get3A_285 = arith.constant 32 : index
      %get3A_286 = tpu.vector_load %arg17[%get3A_283, %get3A_284, %get3A_285] {strides = array<i32>} : memref<2x80x128xi32, #tpu.memory_space<vmem>>, vector<16xi32>,
      %bitcast3A_287 = vector.bitcast %get3A_286 : vector<16xi32> to vector<32xbf16>
      %add3A_288 = arith.addf %bitcast3A_281, %bitcast3A_287 : vector<32xbf16>
      %bitcast3A_289 = vector.bitcast %add3A_288 : vector<32xbf16> to vector<16xi32>
      %swap3A_290 = arith.constant 0 : i32
      %swap3A_291 = arith.index_cast %swap3A_290 : i32 to index
      %swap3A_292 = arith.index_cast %add3A_238 : i32 to index
      %swap3A_293 = arith.constant 32 : index
      %swap3A_294 = tpu.vector_load %arg16[%swap3A_291, %swap3A_292, %swap3A_293] {strides = array<i32>} : memref<2x80x128xi32, #tpu.memory_space<vmem>>, vector<16xi32>,
      tpu.vector_store %arg16[%swap3A_291, %swap3A_292, %swap3A_293], %bitcast3A_289 {strides = array<i32>} : memref<2x80x128xi32, #tpu.memory_space<vmem>>, vector<16xi32>,
      %get3A_295 = arith.constant 0 : i32
      %get3A_296 = arith.index_cast %get3A_295 : i32 to index
      %get3A_297 = arith.index_cast %add3A_238 : i32 to index
      %get3A_298 = arith.constant 48 : index
      %get3A_299 = tpu.vector_load %arg16[%get3A_296, %get3A_297, %get3A_298] {strides = array<i32>} : memref<2x80x128xi32, #tpu.memory_space<vmem>>, vector<16xi32>,
      %bitcast3A_300 = vector.bitcast %get3A_299 : vector<16xi32> to vector<32xbf16>
      %get3A_301 = arith.constant 0 : i32
      %get3A_302 = arith.index_cast %get3A_301 : i32 to index
      %get3A_303 = arith.index_cast %add3A_238 : i32 to index
      %get3A_304 = arith.constant 48 : index
      %get3A_305 = tpu.vector_load %arg17[%get3A_302, %get3A_303, %get3A_304] {strides = array<i32>} : memref<2x80x128xi32, #tpu.memory_space<vmem>>, vector<16xi32>,
      %bitcast3A_306 = vector.bitcast %get3A_305 : vector<16xi32> to vector<32xbf16>
      %add3A_307 = arith.addf %bitcast3A_300, %bitcast3A_306 : vector<32xbf16>
      %bitcast3A_308 = vector.bitcast %add3A_307 : vector<32xbf16> to vector<16xi32>
      %swap3A_309 = arith.constant 0 : i32
      %swap3A_310 = arith.index_cast %swap3A_309 : i32 to index
      %swap3A_311 = arith.index_cast %add3A_238 : i32 to index
      %swap3A_312 = arith.constant 48 : index
      %swap3A_313 = tpu.vector_load %arg16[%swap3A_310, %swap3A_311, %swap3A_312] {strides = array<i32>} : memref<2x80x128xi32, #tpu.memory_space<vmem>>, vector<16xi32>,
      tpu.vector_store %arg16[%swap3A_310, %swap3A_311, %swap3A_312], %bitcast3A_308 {strides = array<i32>} : memref<2x80x128xi32, #tpu.memory_space<vmem>>, vector<16xi32>,
      %get3A_314 = arith.constant 0 : i32
      %get3A_315 = arith.index_cast %get3A_314 : i32 to index
      %get3A_316 = arith.index_cast %add3A_238 : i32 to index
      %get3A_317 = arith.constant 64 : index
      %get3A_318 = tpu.vector_load %arg16[%get3A_315, %get3A_316, %get3A_317] {strides = array<i32>} : memref<2x80x128xi32, #tpu.memory_space<vmem>>, vector<16xi32>,
      %bitcast3A_319 = vector.bitcast %get3A_318 : vector<16xi32> to vector<32xbf16>
      %get3A_320 = arith.constant 0 : i32
      %get3A_321 = arith.index_cast %get3A_320 : i32 to index
      %get3A_322 = arith.index_cast %add3A_238 : i32 to index
      %get3A_323 = arith.constant 64 : index
      %get3A_324 = tpu.vector_load %arg17[%get3A_321, %get3A_322, %get3A_323] {strides = array<i32>} : memref<2x80x128xi32, #tpu.memory_space<vmem>>, vector<16xi32>,
      %bitcast3A_325 = vector.bitcast %get3A_324 : vector<16xi32> to vector<32xbf16>
      %add3A_326 = arith.addf %bitcast3A_319, %bitcast3A_325 : vector<32xbf16>
      %bitcast3A_327 = vector.bitcast %add3A_326 : vector<32xbf16> to vector<16xi32>
      %swap3A_328 = arith.constant 0 : i32
      %swap3A_329 = arith.index_cast %swap3A_328 : i32 to index
      %swap3A_330 = arith.index_cast %add3A_238 : i32 to index
      %swap3A_331 = arith.constant 64 : index
      %swap3A_332 = tpu.vector_load %arg16[%swap3A_329, %swap3A_330, %swap3A_331] {strides = array<i32>} : memref<2x80x128xi32, #tpu.memory_space<vmem>>, vector<16xi32>,
      tpu.vector_store %arg16[%swap3A_329, %swap3A_330, %swap3A_331], %bitcast3A_327 {strides = array<i32>} : memref<2x80x128xi32, #tpu.memory_space<vmem>>, vector<16xi32>,
      %get3A_333 = arith.constant 0 : i32
      %get3A_334 = arith.index_cast %get3A_333 : i32 to index
      %get3A_335 = arith.index_cast %add3A_238 : i32 to index
      %get3A_336 = arith.constant 80 : index
      %get3A_337 = tpu.vector_load %arg16[%get3A_334, %get3A_335, %get3A_336] {strides = array<i32>} : memref<2x80x128xi32, #tpu.memory_space<vmem>>, vector<16xi32>,
      %bitcast3A_338 = vector.bitcast %get3A_337 : vector<16xi32> to vector<32xbf16>
      %get3A_339 = arith.constant 0 : i32
      %get3A_340 = arith.index_cast %get3A_339 : i32 to index
      %get3A_341 = arith.index_cast %add3A_238 : i32 to index
      %get3A_342 = arith.constant 80 : index
      %get3A_343 = tpu.vector_load %arg17[%get3A_340, %get3A_341, %get3A_342] {strides = array<i32>} : memref<2x80x128xi32, #tpu.memory_space<vmem>>, vector<16xi32>,
      %bitcast3A_344 = vector.bitcast %get3A_343 : vector<16xi32> to vector<32xbf16>
      %add3A_345 = arith.addf %bitcast3A_338, %bitcast3A_344 : vector<32xbf16>
      %bitcast3A_346 = vector.bitcast %add3A_345 : vector<32xbf16> to vector<16xi32>
      %swap3A_347 = arith.constant 0 : i32
      %swap3A_348 = arith.index_cast %swap3A_347 : i32 to index
      %swap3A_349 = arith.index_cast %add3A_238 : i32 to index
      %swap3A_350 = arith.constant 80 : index
      %swap3A_351 = tpu.vector_load %arg16[%swap3A_348, %swap3A_349, %swap3A_350] {strides = array<i32>} : memref<2x80x128xi32, #tpu.memory_space<vmem>>, vector<16xi32>,
      tpu.vector_store %arg16[%swap3A_348, %swap3A_349, %swap3A_350], %bitcast3A_346 {strides = array<i32>} : memref<2x80x128xi32, #tpu.memory_space<vmem>>, vector<16xi32>,
      %get3A_352 = arith.constant 0 : i32
      %get3A_353 = arith.index_cast %get3A_352 : i32 to index
      %get3A_354 = arith.index_cast %add3A_238 : i32 to index
      %get3A_355 = arith.constant 96 : index
      %get3A_356 = tpu.vector_load %arg16[%get3A_353, %get3A_354, %get3A_355] {strides = array<i32>} : memref<2x80x128xi32, #tpu.memory_space<vmem>>, vector<16xi32>,
      %bitcast3A_357 = vector.bitcast %get3A_356 : vector<16xi32> to vector<32xbf16>
      %get3A_358 = arith.constant 0 : i32
      %get3A_359 = arith.index_cast %get3A_358 : i32 to index
      %get3A_360 = arith.index_cast %add3A_238 : i32 to index
      %get3A_361 = arith.constant 96 : index
      %get3A_362 = tpu.vector_load %arg17[%get3A_359, %get3A_360, %get3A_361] {strides = array<i32>} : memref<2x80x128xi32, #tpu.memory_space<vmem>>, vector<16xi32>,
      %bitcast3A_363 = vector.bitcast %get3A_362 : vector<16xi32> to vector<32xbf16>
      %add3A_364 = arith.addf %bitcast3A_357, %bitcast3A_363 : vector<32xbf16>
      %bitcast3A_365 = vector.bitcast %add3A_364 : vector<32xbf16> to vector<16xi32>
      %swap3A_366 = arith.constant 0 : i32
      %swap3A_367 = arith.index_cast %swap3A_366 : i32 to index
      %swap3A_368 = arith.index_cast %add3A_238 : i32 to index
      %swap3A_369 = arith.constant 96 : index
      %swap3A_370 = tpu.vector_load %arg16[%swap3A_367, %swap3A_368, %swap3A_369] {strides = array<i32>} : memref<2x80x128xi32, #tpu.memory_space<vmem>>, vector<16xi32>,
      tpu.vector_store %arg16[%swap3A_367, %swap3A_368, %swap3A_369], %bitcast3A_365 {strides = array<i32>} : memref<2x80x128xi32, #tpu.memory_space<vmem>>, vector<16xi32>,
      %get3A_371 = arith.constant 0 : i32
      %get3A_372 = arith.index_cast %get3A_371 : i32 to index
      %get3A_373 = arith.index_cast %add3A_238 : i32 to index
      %get3A_374 = arith.constant 112 : index
      %get3A_375 = tpu.vector_load %arg16[%get3A_372, %get3A_373, %get3A_374] {strides = array<i32>} : memref<2x80x128xi32, #tpu.memory_space<vmem>>, vector<16xi32>,
      %bitcast3A_376 = vector.bitcast %get3A_375 : vector<16xi32> to vector<32xbf16>
      %get3A_377 = arith.constant 0 : i32
      %get3A_378 = arith.index_cast %get3A_377 : i32 to index
      %get3A_379 = arith.index_cast %add3A_238 : i32 to index
      %get3A_380 = arith.constant 112 : index
      %get3A_381 = tpu.vector_load %arg17[%get3A_378, %get3A_379, %get3A_380] {strides = array<i32>} : memref<2x80x128xi32, #tpu.memory_space<vmem>>, vector<16xi32>,
      %bitcast3A_382 = vector.bitcast %get3A_381 : vector<16xi32> to vector<32xbf16>
      %add3A_383 = arith.addf %bitcast3A_376, %bitcast3A_382 : vector<32xbf16>
      %bitcast3A_384 = vector.bitcast %add3A_383 : vector<32xbf16> to vector<16xi32>
      %swap3A_385 = arith.constant 0 : i32
      %swap3A_386 = arith.index_cast %swap3A_385 : i32 to index
      %swap3A_387 = arith.index_cast %add3A_238 : i32 to index
      %swap3A_388 = arith.constant 112 : index
      %swap3A_389 = tpu.vector_load %arg16[%swap3A_386, %swap3A_387, %swap3A_388] {strides = array<i32>} : memref<2x80x128xi32, #tpu.memory_space<vmem>>, vector<16xi32>,
      tpu.vector_store %arg16[%swap3A_386, %swap3A_387, %swap3A_388], %bitcast3A_384 {strides = array<i32>} : memref<2x80x128xi32, #tpu.memory_space<vmem>>, vector<16xi32>,
    }
    %scan3A_181 = arith.constant 80 : i32
    %add3A_182 = arith.constant 9920 : i32
    %add3A_183 = arith.addi %mul3A_2, %add3A_182 : i32
    %add3A_184 = arith.constant 9920 : i32
    %add3A_185 = arith.addi %mul3A_2, %add3A_184 : i32
    %dma_start3A_186 = arith.constant 0 : i32
    %dma_start3A_187 = arith.constant 0 : i32
    %dma_start3A_188 = arith.constant 0 : i32
    %dma_start3A_189 = tpu.memref_slice %arg16[%dma_start3A_186, %dma_start3A_187, %dma_start3A_188] : memref<2x80x128xi32, #tpu.memory_space<vmem>> -> memref<1x80x128xi32, #tpu.memory_space<vmem>>
    %dma_start3A_190 = tpu.memref_squeeze %dma_start3A_189 : memref<1x80x128xi32, #tpu.memory_space<vmem>> -> memref<80x128xi32, #tpu.memory_space<vmem>>
    %dma_start3A_191 = arith.constant 0 : i32
    %dma_start3A_192 = tpu.memref_slice %arg9[%add3A_183, %dma_start3A_191] : memref<320000x128xi32, #tpu.memory_space<hbm>> -> memref<80x128xi32, #tpu.memory_space<hbm>>
    %dma_start3A_193 = arith.constant 0 : i32
    %dma_start3A_194 = tpu.memref_slice %arg9[%add3A_183, %dma_start3A_193] : memref<320000x128xi32, #tpu.memory_space<hbm>> -> memref<80x128xi32, #tpu.memory_space<hbm>>
    %dma_start3A_195 = arith.constant 0 : i32
    %dma_start3A_196 = arith.constant 0 : i32
    %dma_start3A_197 = tpu.memref_slice %arg16[%dma_start3A_186, %dma_start3A_195, %dma_start3A_196] : memref<2x80x128xi32, #tpu.memory_space<vmem>> -> memref<1x80x128xi32, #tpu.memory_space<vmem>>
    %dma_start3A_198 = tpu.memref_squeeze %dma_start3A_197 : memref<1x80x128xi32, #tpu.memory_space<vmem>> -> memref<80x128xi32, #tpu.memory_space<vmem>>
    tpu.enqueue_dma source(%dma_start3A_198 : memref<80x128xi32, #tpu.memory_space<vmem>>) target(%dma_start3A_194 : memref<80x128xi32, #tpu.memory_space<hbm>>) target_semaphore(%arg23 : memref<!tpu.dma_semaphore, #tpu.memory_space<semaphore_mem>>)
    %dma_start3A_199 = arith.constant 0 : i32
    %dma_start3A_200 = arith.constant 0 : i32
    %dma_start3A_201 = tpu.memref_slice %arg18[%dma_start3A_199, %dma_start3A_200] : memref<2x80xf32, #tpu.memory_space<vmem>> -> memref<1x80xf32, #tpu.memory_space<vmem>>
    %dma_start3A_202 = tpu.memref_squeeze %dma_start3A_201 : memref<1x80xf32, #tpu.memory_space<vmem>> -> memref<80xf32, #tpu.memory_space<vmem>>
    %dma_start3A_203 = tpu.memref_slice %arg10[%add3A_185] : memref<320000xf32, #tpu.memory_space<hbm>> -> memref<80xf32, #tpu.memory_space<hbm>>
    %dma_start3A_204 = tpu.memref_slice %arg10[%add3A_185] : memref<320000xf32, #tpu.memory_space<hbm>> -> memref<80xf32, #tpu.memory_space<hbm>>
    %dma_start3A_205 = arith.constant 0 : i32
    %dma_start3A_206 = tpu.memref_slice %arg18[%dma_start3A_199, %dma_start3A_205] : memref<2x80xf32, #tpu.memory_space<vmem>> -> memref<1x80xf32, #tpu.memory_space<vmem>>
    %dma_start3A_207 = tpu.memref_squeeze %dma_start3A_206 : memref<1x80xf32, #tpu.memory_space<vmem>> -> memref<80xf32, #tpu.memory_space<vmem>>
    tpu.enqueue_dma source(%dma_start3A_207 : memref<80xf32, #tpu.memory_space<vmem>>) target(%dma_start3A_204 : memref<80xf32, #tpu.memory_space<hbm>>) target_semaphore(%arg23 : memref<!tpu.dma_semaphore, #tpu.memory_space<semaphore_mem>>)
    %add3A_208 = arith.constant 9920 : i32
    %add3A_209 = arith.addi %mul3A_2, %add3A_208 : i32
    %add3A_210 = arith.constant 9920 : i32
    %add3A_211 = arith.addi %mul3A_2, %add3A_210 : i32
    %dma_wait3A_212 = arith.constant 0 : i32
    %dma_wait3A_213 = arith.constant 0 : i32
    %dma_wait3A_214 = arith.constant 0 : i32
    %dma_wait3A_215 = tpu.memref_slice %arg16[%dma_wait3A_212, %dma_wait3A_213, %dma_wait3A_214] : memref<2x80x128xi32, #tpu.memory_space<vmem>> -> memref<1x80x128xi32, #tpu.memory_space<vmem>>
    %dma_wait3A_216 = tpu.memref_squeeze %dma_wait3A_215 : memref<1x80x128xi32, #tpu.memory_space<vmem>> -> memref<80x128xi32, #tpu.memory_space<vmem>>
    %dma_wait3A_217 = arith.constant 0 : i32
    %dma_wait3A_218 = tpu.memref_slice %arg9[%add3A_209, %dma_wait3A_217] : memref<320000x128xi32, #tpu.memory_space<hbm>> -> memref<80x128xi32, #tpu.memory_space<hbm>>
    %dma_wait3A_219 = arith.constant 0 : i32
    %dma_wait3A_220 = tpu.memref_slice %arg9[%add3A_209, %dma_wait3A_219] : memref<320000x128xi32, #tpu.memory_space<hbm>> -> memref<80x128xi32, #tpu.memory_space<hbm>>
    %dma_wait3A_221 = arith.constant 0 : i32
    %dma_wait3A_222 = arith.constant 0 : i32
    %dma_wait3A_223 = tpu.memref_slice %arg16[%dma_wait3A_212, %dma_wait3A_221, %dma_wait3A_222] : memref<2x80x128xi32, #tpu.memory_space<vmem>> -> memref<1x80x128xi32, #tpu.memory_space<vmem>>
    %dma_wait3A_224 = tpu.memref_squeeze %dma_wait3A_223 : memref<1x80x128xi32, #tpu.memory_space<vmem>> -> memref<80x128xi32, #tpu.memory_space<vmem>>
    tpu.wait_dma2 semaphore(%arg23 : memref<!tpu.dma_semaphore, #tpu.memory_space<semaphore_mem>>) src(%dma_wait3A_224 : memref<80x128xi32, #tpu.memory_space<vmem>>) dst(%dma_wait3A_220 : memref<80x128xi32, #tpu.memory_space<hbm>>)
    %dma_wait3A_225 = arith.constant 0 : i32
    %dma_wait3A_226 = arith.constant 0 : i32
    %dma_wait3A_227 = tpu.memref_slice %arg18[%dma_wait3A_225, %dma_wait3A_226] : memref<2x80xf32, #tpu.memory_space<vmem>> -> memref<1x80xf32, #tpu.memory_space<vmem>>
    %dma_wait3A_228 = tpu.memref_squeeze %dma_wait3A_227 : memref<1x80xf32, #tpu.memory_space<vmem>> -> memref<80xf32, #tpu.memory_space<vmem>>
    %dma_wait3A_229 = tpu.memref_slice %arg10[%add3A_211] : memref<320000xf32, #tpu.memory_space<hbm>> -> memref<80xf32, #tpu.memory_space<hbm>>
    %dma_wait3A_230 = tpu.memref_slice %arg10[%add3A_211] : memref<320000xf32, #tpu.memory_space<hbm>> -> memref<80xf32, #tpu.memory_space<hbm>>
    %dma_wait3A_231 = arith.constant 0 : i32
    %dma_wait3A_232 = tpu.memref_slice %arg18[%dma_wait3A_225, %dma_wait3A_231] : memref<2x80xf32, #tpu.memory_space<vmem>> -> memref<1x80xf32, #tpu.memory_space<vmem>>
    %dma_wait3A_233 = tpu.memref_squeeze %dma_wait3A_232 : memref<1x80xf32, #tpu.memory_space<vmem>> -> memref<80xf32, #tpu.memory_space<vmem>>
    tpu.wait_dma2 semaphore(%arg23 : memref<!tpu.dma_semaphore, #tpu.memory_space<semaphore_mem>>) src(%dma_wait3A_233 : memref<80xf32, #tpu.memory_space<vmem>>) dst(%dma_wait3A_230 : memref<80xf32, #tpu.memory_space<hbm>>)
    return
  }
}

#map = affine_map<(d0, d1) -> (0, 0, 0)>
module attributes {stable_mosaic.version = 14 : i64} {
  func.func @k(%arg0: i32, %arg1: i32, %arg2: memref<2x320000x128xf32, #tpu.memory_space<hbm>>, %arg3: memref<16x250x80xi32, #tpu.memory_space<hbm>>, %arg4: memref<2x10000x128xf32, #tpu.memory_space<hbm>>, %arg5: memref<128x80xi32, #tpu.memory_space<vmem>>, %arg6: memref<2x80x128xf32, #tpu.memory_space<vmem>>, %arg7: memref<16x128xf32, #tpu.memory_space<vmem>>, %arg8: memref<10000x128xf32, #tpu.memory_space<vmem_shared>>, %arg9: memref<!tpu.dma_semaphore, #tpu.memory_space<semaphore_mem>>, %arg10: memref<!tpu.dma_semaphore, #tpu.memory_space<semaphore_mem>>) attributes {dimension_semantics = [#tpu.dimension_semantics<core_parallel>, #tpu.dimension_semantics<subcore_parallel>], iteration_bounds = array<i64: 2, 16>, scalar_prefetch = 0 : i64, scratch_operands = 6 : i64, tpu.core_type = #tpu.core_type<sc_vector_subcore>, window_params = [{transform_indices = #map}, {transform_indices = #map}, {transform_indices = #map}]} {
    %mul3A = arith.constant 20000 : i32
    %mul3A_0 = arith.muli %arg1, %mul3A : i32
    %broadcast_in_dim3A = arith.constant 0.000000e+00 : f32
    %broadcast_in_dim3A_1 = vector.broadcast %broadcast_in_dim3A : f32 to vector<16xf32>
    %scan3A = arith.constant 0 : i32
    %scan3A_2 = arith.constant 16 : i32
    %scan3A_3 = arith.addi %scan3A, %scan3A_2 : i32
    %scan3A_4 = arith.constant 1 : i32
    scf.for %scan3A_67 = %scan3A to %scan3A_3 step %scan3A_4  : i32 {
      %mul3A_68 = arith.constant 1 : i32
      %mul3A_69 = arith.muli %scan3A_67, %mul3A_68 : i32
      %add3A_70 = arith.constant 0 : i32
      %add3A_71 = arith.addi %add3A_70, %mul3A_69 : i32
      %swap3A = arith.index_cast %add3A_71 : i32 to index
      %swap3A_72 = arith.constant 0 : index
      %swap3A_73 = tpu.vector_load %arg7[%swap3A, %swap3A_72] {strides = array<i32>} : memref<16x128xf32, #tpu.memory_space<vmem>>, vector<1x16xf32>,
      %swap3A_74 = vector.shape_cast %swap3A_73 : vector<1x16xf32> to vector<16xf32>
      %swap3A_75 = vector.shape_cast %broadcast_in_dim3A_1 : vector<16xf32> to vector<1x16xf32>
      tpu.vector_store %arg7[%swap3A, %swap3A_72], %swap3A_75 {strides = array<i32>} : memref<16x128xf32, #tpu.memory_space<vmem>>, vector<1x16xf32>,
      %swap3A_76 = arith.index_cast %add3A_71 : i32 to index
      %swap3A_77 = arith.constant 16 : index
      %swap3A_78 = tpu.vector_load %arg7[%swap3A_76, %swap3A_77] {strides = array<i32>} : memref<16x128xf32, #tpu.memory_space<vmem>>, vector<1x16xf32>,
      %swap3A_79 = vector.shape_cast %swap3A_78 : vector<1x16xf32> to vector<16xf32>
      %swap3A_80 = vector.shape_cast %broadcast_in_dim3A_1 : vector<16xf32> to vector<1x16xf32>
      tpu.vector_store %arg7[%swap3A_76, %swap3A_77], %swap3A_80 {strides = array<i32>} : memref<16x128xf32, #tpu.memory_space<vmem>>, vector<1x16xf32>,
      %swap3A_81 = arith.index_cast %add3A_71 : i32 to index
      %swap3A_82 = arith.constant 32 : index
      %swap3A_83 = tpu.vector_load %arg7[%swap3A_81, %swap3A_82] {strides = array<i32>} : memref<16x128xf32, #tpu.memory_space<vmem>>, vector<1x16xf32>,
      %swap3A_84 = vector.shape_cast %swap3A_83 : vector<1x16xf32> to vector<16xf32>
      %swap3A_85 = vector.shape_cast %broadcast_in_dim3A_1 : vector<16xf32> to vector<1x16xf32>
      tpu.vector_store %arg7[%swap3A_81, %swap3A_82], %swap3A_85 {strides = array<i32>} : memref<16x128xf32, #tpu.memory_space<vmem>>, vector<1x16xf32>,
      %swap3A_86 = arith.index_cast %add3A_71 : i32 to index
      %swap3A_87 = arith.constant 48 : index
      %swap3A_88 = tpu.vector_load %arg7[%swap3A_86, %swap3A_87] {strides = array<i32>} : memref<16x128xf32, #tpu.memory_space<vmem>>, vector<1x16xf32>,
      %swap3A_89 = vector.shape_cast %swap3A_88 : vector<1x16xf32> to vector<16xf32>
      %swap3A_90 = vector.shape_cast %broadcast_in_dim3A_1 : vector<16xf32> to vector<1x16xf32>
      tpu.vector_store %arg7[%swap3A_86, %swap3A_87], %swap3A_90 {strides = array<i32>} : memref<16x128xf32, #tpu.memory_space<vmem>>, vector<1x16xf32>,
      %swap3A_91 = arith.index_cast %add3A_71 : i32 to index
      %swap3A_92 = arith.constant 64 : index
      %swap3A_93 = tpu.vector_load %arg7[%swap3A_91, %swap3A_92] {strides = array<i32>} : memref<16x128xf32, #tpu.memory_space<vmem>>, vector<1x16xf32>,
      %swap3A_94 = vector.shape_cast %swap3A_93 : vector<1x16xf32> to vector<16xf32>
      %swap3A_95 = vector.shape_cast %broadcast_in_dim3A_1 : vector<16xf32> to vector<1x16xf32>
      tpu.vector_store %arg7[%swap3A_91, %swap3A_92], %swap3A_95 {strides = array<i32>} : memref<16x128xf32, #tpu.memory_space<vmem>>, vector<1x16xf32>,
      %swap3A_96 = arith.index_cast %add3A_71 : i32 to index
      %swap3A_97 = arith.constant 80 : index
      %swap3A_98 = tpu.vector_load %arg7[%swap3A_96, %swap3A_97] {strides = array<i32>} : memref<16x128xf32, #tpu.memory_space<vmem>>, vector<1x16xf32>,
      %swap3A_99 = vector.shape_cast %swap3A_98 : vector<1x16xf32> to vector<16xf32>
      %swap3A_100 = vector.shape_cast %broadcast_in_dim3A_1 : vector<16xf32> to vector<1x16xf32>
      tpu.vector_store %arg7[%swap3A_96, %swap3A_97], %swap3A_100 {strides = array<i32>} : memref<16x128xf32, #tpu.memory_space<vmem>>, vector<1x16xf32>,
      %swap3A_101 = arith.index_cast %add3A_71 : i32 to index
      %swap3A_102 = arith.constant 96 : index
      %swap3A_103 = tpu.vector_load %arg7[%swap3A_101, %swap3A_102] {strides = array<i32>} : memref<16x128xf32, #tpu.memory_space<vmem>>, vector<1x16xf32>,
      %swap3A_104 = vector.shape_cast %swap3A_103 : vector<1x16xf32> to vector<16xf32>
      %swap3A_105 = vector.shape_cast %broadcast_in_dim3A_1 : vector<16xf32> to vector<1x16xf32>
      tpu.vector_store %arg7[%swap3A_101, %swap3A_102], %swap3A_105 {strides = array<i32>} : memref<16x128xf32, #tpu.memory_space<vmem>>, vector<1x16xf32>,
      %swap3A_106 = arith.index_cast %add3A_71 : i32 to index
      %swap3A_107 = arith.constant 112 : index
      %swap3A_108 = tpu.vector_load %arg7[%swap3A_106, %swap3A_107] {strides = array<i32>} : memref<16x128xf32, #tpu.memory_space<vmem>>, vector<1x16xf32>,
      %swap3A_109 = vector.shape_cast %swap3A_108 : vector<1x16xf32> to vector<16xf32>
      %swap3A_110 = vector.shape_cast %broadcast_in_dim3A_1 : vector<16xf32> to vector<1x16xf32>
      tpu.vector_store %arg7[%swap3A_106, %swap3A_107], %swap3A_110 {strides = array<i32>} : memref<16x128xf32, #tpu.memory_space<vmem>>, vector<1x16xf32>,
    }
    %scan3A_5 = arith.constant 16 : i32
    %mul3A_6 = arith.constant 624 : i32
    %mul3A_7 = arith.muli %arg1, %mul3A_6 : i32
    %lt3A = arith.constant 15 : i32
    %lt3A_8 = arith.cmpi slt, %arg1, %lt3A : i32
    %convert_element_type3A = arith.extui %lt3A_8 : i1 to i32
    %cond3A = arith.constant 0 : i32
    %cond3A_9 = arith.cmpi ne, %convert_element_type3A, %cond3A : i32
    scf.if %cond3A_9 {
      %scan3A_67 = arith.constant 0 : i32
      %scan3A_68 = arith.constant 39 : i32
      %scan3A_69 = arith.addi %scan3A_67, %scan3A_68 : i32
      %scan3A_70 = arith.constant 1 : i32
      scf.for %scan3A_72 = %scan3A_67 to %scan3A_69 step %scan3A_70  : i32 {
        %mul3A_73 = arith.constant 1 : i32
        %mul3A_74 = arith.muli %scan3A_72, %mul3A_73 : i32
        %add3A_75 = arith.constant 0 : i32
        %add3A_76 = arith.addi %add3A_75, %mul3A_74 : i32
        %mul3A_77 = arith.constant 16 : i32
        %mul3A_78 = arith.muli %add3A_76, %mul3A_77 : i32
        %add3A_79 = arith.addi %mul3A_7, %mul3A_78 : i32
        "tpu.region"() ({
          %run_scoped3A = tpu.sem_alloc : memref<!tpu.dma_semaphore, #tpu.memory_space<semaphore_mem>>
          %dma_start3A_80 = arith.constant 0 : i32
          %dma_start3A_81 = tpu.memref_slice %arg8[%add3A_79, %dma_start3A_80] : memref<10000x128xf32, #tpu.memory_space<vmem_shared>> -> memref<16x128xf32, #tpu.memory_space<vmem_shared>>
          %dma_start3A_82 = arith.constant 0 : i32
          %dma_start3A_83 = tpu.memref_slice %arg8[%add3A_79, %dma_start3A_82] : memref<10000x128xf32, #tpu.memory_space<vmem_shared>> -> memref<16x128xf32, #tpu.memory_space<vmem_shared>>
          tpu.enqueue_dma source(%arg7 : memref<16x128xf32, #tpu.memory_space<vmem>>) target(%dma_start3A_83 : memref<16x128xf32, #tpu.memory_space<vmem_shared>>) target_semaphore(%run_scoped3A : memref<!tpu.dma_semaphore, #tpu.memory_space<semaphore_mem>>)
          %dma_wait3A = arith.constant 0 : i32
          %dma_wait3A_84 = tpu.memref_slice %arg8[%add3A_79, %dma_wait3A] : memref<10000x128xf32, #tpu.memory_space<vmem_shared>> -> memref<16x128xf32, #tpu.memory_space<vmem_shared>>
          %dma_wait3A_85 = arith.constant 0 : i32
          %dma_wait3A_86 = tpu.memref_slice %arg8[%add3A_79, %dma_wait3A_85] : memref<10000x128xf32, #tpu.memory_space<vmem_shared>> -> memref<16x128xf32, #tpu.memory_space<vmem_shared>>
          tpu.wait_dma2 semaphore(%run_scoped3A : memref<!tpu.dma_semaphore, #tpu.memory_space<semaphore_mem>>) src(%arg7 : memref<16x128xf32, #tpu.memory_space<vmem>>) dst(%dma_wait3A_86 : memref<16x128xf32, #tpu.memory_space<vmem_shared>>)
          tpu.yield
        }) : () -> ()
      }
      %scan3A_71 = arith.constant 39 : i32
    } else {
    }
    %eq3A = arith.constant 15 : i32
    %eq3A_10 = arith.cmpi eq, %arg1, %eq3A : i32
    %convert_element_type3A_11 = arith.extui %eq3A_10 : i1 to i32
    %cond3A_12 = arith.constant 0 : i32
    %cond3A_13 = arith.cmpi ne, %convert_element_type3A_11, %cond3A_12 : i32
    scf.if %cond3A_13 {
      %scan3A_67 = arith.constant 0 : i32
      %scan3A_68 = arith.constant 40 : i32
      %scan3A_69 = arith.addi %scan3A_67, %scan3A_68 : i32
      %scan3A_70 = arith.constant 1 : i32
      scf.for %scan3A_72 = %scan3A_67 to %scan3A_69 step %scan3A_70  : i32 {
        %mul3A_73 = arith.constant 1 : i32
        %mul3A_74 = arith.muli %scan3A_72, %mul3A_73 : i32
        %add3A_75 = arith.constant 0 : i32
        %add3A_76 = arith.addi %add3A_75, %mul3A_74 : i32
        %mul3A_77 = arith.constant 16 : i32
        %mul3A_78 = arith.muli %add3A_76, %mul3A_77 : i32
        %add3A_79 = arith.addi %mul3A_7, %mul3A_78 : i32
        "tpu.region"() ({
          %run_scoped3A = tpu.sem_alloc : memref<!tpu.dma_semaphore, #tpu.memory_space<semaphore_mem>>
          %dma_start3A_80 = arith.constant 0 : i32
          %dma_start3A_81 = tpu.memref_slice %arg8[%add3A_79, %dma_start3A_80] : memref<10000x128xf32, #tpu.memory_space<vmem_shared>> -> memref<16x128xf32, #tpu.memory_space<vmem_shared>>
          %dma_start3A_82 = arith.constant 0 : i32
          %dma_start3A_83 = tpu.memref_slice %arg8[%add3A_79, %dma_start3A_82] : memref<10000x128xf32, #tpu.memory_space<vmem_shared>> -> memref<16x128xf32, #tpu.memory_space<vmem_shared>>
          tpu.enqueue_dma source(%arg7 : memref<16x128xf32, #tpu.memory_space<vmem>>) target(%dma_start3A_83 : memref<16x128xf32, #tpu.memory_space<vmem_shared>>) target_semaphore(%run_scoped3A : memref<!tpu.dma_semaphore, #tpu.memory_space<semaphore_mem>>)
          %dma_wait3A = arith.constant 0 : i32
          %dma_wait3A_84 = tpu.memref_slice %arg8[%add3A_79, %dma_wait3A] : memref<10000x128xf32, #tpu.memory_space<vmem_shared>> -> memref<16x128xf32, #tpu.memory_space<vmem_shared>>
          %dma_wait3A_85 = arith.constant 0 : i32
          %dma_wait3A_86 = tpu.memref_slice %arg8[%add3A_79, %dma_wait3A_85] : memref<10000x128xf32, #tpu.memory_space<vmem_shared>> -> memref<16x128xf32, #tpu.memory_space<vmem_shared>>
          tpu.wait_dma2 semaphore(%run_scoped3A : memref<!tpu.dma_semaphore, #tpu.memory_space<semaphore_mem>>) src(%arg7 : memref<16x128xf32, #tpu.memory_space<vmem>>) dst(%dma_wait3A_86 : memref<16x128xf32, #tpu.memory_space<vmem_shared>>)
          tpu.yield
        }) : () -> ()
      }
      %scan3A_71 = arith.constant 40 : i32
    } else {
    }
    %barrier3A = arith.constant 0 : index
    tpu.barrier barrier_id(%barrier3A)
    "tpu.region"() ({
      %run_scoped3A = tpu.sem_alloc : memref<!tpu.dma_semaphore, #tpu.memory_space<semaphore_mem>>
      %dma_start3A_67 = arith.constant 0 : i32
      %dma_start3A_68 = arith.constant 0 : i32
      %dma_start3A_69 = tpu.memref_slice %arg5[%dma_start3A_67, %dma_start3A_68] : memref<128x80xi32, #tpu.memory_space<vmem>> -> memref<128x80xi32, #tpu.memory_space<vmem>>
      %dma_start3A_70 = arith.constant 0 : i32
      %dma_start3A_71 = arith.constant 0 : i32
      %dma_start3A_72 = tpu.memref_slice %arg3[%arg1, %dma_start3A_70, %dma_start3A_71] : memref<16x250x80xi32, #tpu.memory_space<hbm>> -> memref<1x128x80xi32, #tpu.memory_space<hbm>>
      %dma_start3A_73 = tpu.memref_squeeze %dma_start3A_72 : memref<1x128x80xi32, #tpu.memory_space<hbm>> -> memref<128x80xi32, #tpu.memory_space<hbm>>
      %dma_start3A_74 = arith.constant 0 : i32
      %dma_start3A_75 = arith.constant 0 : i32
      %dma_start3A_76 = tpu.memref_slice %arg5[%dma_start3A_74, %dma_start3A_75] : memref<128x80xi32, #tpu.memory_space<vmem>> -> memref<128x80xi32, #tpu.memory_space<vmem>>
      %dma_start3A_77 = arith.constant 0 : i32
      %dma_start3A_78 = arith.constant 0 : i32
      %dma_start3A_79 = tpu.memref_slice %arg3[%arg1, %dma_start3A_77, %dma_start3A_78] : memref<16x250x80xi32, #tpu.memory_space<hbm>> -> memref<1x128x80xi32, #tpu.memory_space<hbm>>
      %dma_start3A_80 = tpu.memref_squeeze %dma_start3A_79 : memref<1x128x80xi32, #tpu.memory_space<hbm>> -> memref<128x80xi32, #tpu.memory_space<hbm>>
      tpu.enqueue_dma source(%dma_start3A_80 : memref<128x80xi32, #tpu.memory_space<hbm>>) target(%dma_start3A_76 : memref<128x80xi32, #tpu.memory_space<vmem>>) target_semaphore(%run_scoped3A : memref<!tpu.dma_semaphore, #tpu.memory_space<semaphore_mem>>)
      %dma_wait3A = arith.constant 0 : i32
      %dma_wait3A_81 = arith.constant 0 : i32
      %dma_wait3A_82 = tpu.memref_slice %arg5[%dma_wait3A, %dma_wait3A_81] : memref<128x80xi32, #tpu.memory_space<vmem>> -> memref<128x80xi32, #tpu.memory_space<vmem>>
      %dma_wait3A_83 = arith.constant 0 : i32
      %dma_wait3A_84 = arith.constant 0 : i32
      %dma_wait3A_85 = tpu.memref_slice %arg3[%arg1, %dma_wait3A_83, %dma_wait3A_84] : memref<16x250x80xi32, #tpu.memory_space<hbm>> -> memref<1x128x80xi32, #tpu.memory_space<hbm>>
      %dma_wait3A_86 = tpu.memref_squeeze %dma_wait3A_85 : memref<1x128x80xi32, #tpu.memory_space<hbm>> -> memref<128x80xi32, #tpu.memory_space<hbm>>
      %dma_wait3A_87 = arith.constant 0 : i32
      %dma_wait3A_88 = arith.constant 0 : i32
      %dma_wait3A_89 = tpu.memref_slice %arg5[%dma_wait3A_87, %dma_wait3A_88] : memref<128x80xi32, #tpu.memory_space<vmem>> -> memref<128x80xi32, #tpu.memory_space<vmem>>
      %dma_wait3A_90 = arith.constant 0 : i32
      %dma_wait3A_91 = arith.constant 0 : i32
      %dma_wait3A_92 = tpu.memref_slice %arg3[%arg1, %dma_wait3A_90, %dma_wait3A_91] : memref<16x250x80xi32, #tpu.memory_space<hbm>> -> memref<1x128x80xi32, #tpu.memory_space<hbm>>
      %dma_wait3A_93 = tpu.memref_squeeze %dma_wait3A_92 : memref<1x128x80xi32, #tpu.memory_space<hbm>> -> memref<128x80xi32, #tpu.memory_space<hbm>>
      tpu.wait_dma2 semaphore(%run_scoped3A : memref<!tpu.dma_semaphore, #tpu.memory_space<semaphore_mem>>) src(%dma_wait3A_93 : memref<128x80xi32, #tpu.memory_space<hbm>>) dst(%dma_wait3A_89 : memref<128x80xi32, #tpu.memory_space<vmem>>)
      tpu.yield
    }) : () -> ()
    %add3A = arith.constant 0 : i32
    %add3A_14 = arith.addi %mul3A_0, %add3A : i32
    %dma_start3A = arith.constant 0 : i32
    %dma_start3A_15 = arith.constant 0 : i32
    %dma_start3A_16 = arith.constant 0 : i32
    %dma_start3A_17 = tpu.memref_slice %arg6[%dma_start3A, %dma_start3A_15, %dma_start3A_16] : memref<2x80x128xf32, #tpu.memory_space<vmem>> -> memref<1x80x128xf32, #tpu.memory_space<vmem>>
    %dma_start3A_18 = tpu.memref_squeeze %dma_start3A_17 : memref<1x80x128xf32, #tpu.memory_space<vmem>> -> memref<80x128xf32, #tpu.memory_space<vmem>>
    %dma_start3A_19 = arith.constant 0 : i32
    %dma_start3A_20 = tpu.memref_slice %arg2[%arg0, %add3A_14, %dma_start3A_19] : memref<2x320000x128xf32, #tpu.memory_space<hbm>> -> memref<1x80x128xf32, #tpu.memory_space<hbm>>
    %dma_start3A_21 = tpu.memref_squeeze %dma_start3A_20 : memref<1x80x128xf32, #tpu.memory_space<hbm>> -> memref<80x128xf32, #tpu.memory_space<hbm>>
    %dma_start3A_22 = arith.constant 0 : i32
    %dma_start3A_23 = arith.constant 0 : i32
    %dma_start3A_24 = tpu.memref_slice %arg6[%dma_start3A, %dma_start3A_22, %dma_start3A_23] : memref<2x80x128xf32, #tpu.memory_space<vmem>> -> memref<1x80x128xf32, #tpu.memory_space<vmem>>
    %dma_start3A_25 = tpu.memref_squeeze %dma_start3A_24 : memref<1x80x128xf32, #tpu.memory_space<vmem>> -> memref<80x128xf32, #tpu.memory_space<vmem>>
    %dma_start3A_26 = arith.constant 0 : i32
    %dma_start3A_27 = tpu.memref_slice %arg2[%arg0, %add3A_14, %dma_start3A_26] : memref<2x320000x128xf32, #tpu.memory_space<hbm>> -> memref<1x80x128xf32, #tpu.memory_space<hbm>>
    %dma_start3A_28 = tpu.memref_squeeze %dma_start3A_27 : memref<1x80x128xf32, #tpu.memory_space<hbm>> -> memref<80x128xf32, #tpu.memory_space<hbm>>
    tpu.enqueue_dma source(%dma_start3A_28 : memref<80x128xf32, #tpu.memory_space<hbm>>) target(%dma_start3A_25 : memref<80x128xf32, #tpu.memory_space<vmem>>) target_semaphore(%arg9 : memref<!tpu.dma_semaphore, #tpu.memory_space<semaphore_mem>>)
    %scan3A_29 = arith.constant 0 : i32
    %scan3A_30 = arith.constant 64 : i32
    %scan3A_31 = arith.addi %scan3A_29, %scan3A_30 : i32
    %scan3A_32 = arith.constant 1 : i32
    scf.for %scan3A_67 = %scan3A_29 to %scan3A_31 step %scan3A_32  : i32 {
      %mul3A_68 = arith.constant 1 : i32
      %mul3A_69 = arith.muli %scan3A_67, %mul3A_68 : i32
      %add3A_70 = arith.constant 0 : i32
      %add3A_71 = arith.addi %add3A_70, %mul3A_69 : i32
      %mul3A_72 = arith.constant 2 : i32
      %mul3A_73 = arith.muli %mul3A_72, %add3A_71 : i32
      %add3A_74 = arith.constant 0 : i32
      %add3A_75 = arith.addi %mul3A_73, %add3A_74 : i32
      %add3A_76 = arith.constant 0 : i32
      %add3A_77 = arith.addi %add3A_76, %add3A_75 : i32
      %mul3A_78 = arith.constant 80 : i32
      %mul3A_79 = arith.muli %add3A_77, %mul3A_78 : i32
      %add3A_80 = arith.addi %mul3A_0, %mul3A_79 : i32
      %dma_wait3A = arith.constant 0 : i32
      %dma_wait3A_81 = arith.constant 0 : i32
      %dma_wait3A_82 = arith.constant 0 : i32
      %dma_wait3A_83 = tpu.memref_slice %arg6[%dma_wait3A, %dma_wait3A_81, %dma_wait3A_82] : memref<2x80x128xf32, #tpu.memory_space<vmem>> -> memref<1x80x128xf32, #tpu.memory_space<vmem>>
      %dma_wait3A_84 = tpu.memref_squeeze %dma_wait3A_83 : memref<1x80x128xf32, #tpu.memory_space<vmem>> -> memref<80x128xf32, #tpu.memory_space<vmem>>
      %dma_wait3A_85 = arith.constant 0 : i32
      %dma_wait3A_86 = tpu.memref_slice %arg2[%arg0, %add3A_80, %dma_wait3A_85] : memref<2x320000x128xf32, #tpu.memory_space<hbm>> -> memref<1x80x128xf32, #tpu.memory_space<hbm>>
      %dma_wait3A_87 = tpu.memref_squeeze %dma_wait3A_86 : memref<1x80x128xf32, #tpu.memory_space<hbm>> -> memref<80x128xf32, #tpu.memory_space<hbm>>
      %dma_wait3A_88 = arith.constant 0 : i32
      %dma_wait3A_89 = arith.constant 0 : i32
      %dma_wait3A_90 = tpu.memref_slice %arg6[%dma_wait3A, %dma_wait3A_88, %dma_wait3A_89] : memref<2x80x128xf32, #tpu.memory_space<vmem>> -> memref<1x80x128xf32, #tpu.memory_space<vmem>>
      %dma_wait3A_91 = tpu.memref_squeeze %dma_wait3A_90 : memref<1x80x128xf32, #tpu.memory_space<vmem>> -> memref<80x128xf32, #tpu.memory_space<vmem>>
      %dma_wait3A_92 = arith.constant 0 : i32
      %dma_wait3A_93 = tpu.memref_slice %arg2[%arg0, %add3A_80, %dma_wait3A_92] : memref<2x320000x128xf32, #tpu.memory_space<hbm>> -> memref<1x80x128xf32, #tpu.memory_space<hbm>>
      %dma_wait3A_94 = tpu.memref_squeeze %dma_wait3A_93 : memref<1x80x128xf32, #tpu.memory_space<hbm>> -> memref<80x128xf32, #tpu.memory_space<hbm>>
      tpu.wait_dma2 semaphore(%arg9 : memref<!tpu.dma_semaphore, #tpu.memory_space<semaphore_mem>>) src(%dma_wait3A_94 : memref<80x128xf32, #tpu.memory_space<hbm>>) dst(%dma_wait3A_91 : memref<80x128xf32, #tpu.memory_space<vmem>>)
      %add3A_95 = arith.constant 1 : i32
      %add3A_96 = arith.addi %add3A_75, %add3A_95 : i32
      %lt3A_97 = arith.constant 128 : i32
      %lt3A_98 = arith.cmpi slt, %add3A_96, %lt3A_97 : i32
      %convert_element_type3A_99 = arith.extui %lt3A_98 : i1 to i32
      %cond3A_100 = arith.constant 0 : i32
      %cond3A_101 = arith.cmpi ne, %convert_element_type3A_99, %cond3A_100 : i32
      scf.if %cond3A_101 {
        %add3A_134 = arith.constant 1 : i32
        %add3A_135 = arith.addi %add3A_77, %add3A_134 : i32
        %mul3A_136 = arith.constant 80 : i32
        %mul3A_137 = arith.muli %add3A_135, %mul3A_136 : i32
        %add3A_138 = arith.addi %mul3A_0, %mul3A_137 : i32
        %dma_start3A_139 = arith.constant 1 : i32
        %dma_start3A_140 = arith.constant 0 : i32
        %dma_start3A_141 = arith.constant 0 : i32
        %dma_start3A_142 = tpu.memref_slice %arg6[%dma_start3A_139, %dma_start3A_140, %dma_start3A_141] : memref<2x80x128xf32, #tpu.memory_space<vmem>> -> memref<1x80x128xf32, #tpu.memory_space<vmem>>
        %dma_start3A_143 = tpu.memref_squeeze %dma_start3A_142 : memref<1x80x128xf32, #tpu.memory_space<vmem>> -> memref<80x128xf32, #tpu.memory_space<vmem>>
        %dma_start3A_144 = arith.constant 0 : i32
        %dma_start3A_145 = tpu.memref_slice %arg2[%arg0, %add3A_138, %dma_start3A_144] : memref<2x320000x128xf32, #tpu.memory_space<hbm>> -> memref<1x80x128xf32, #tpu.memory_space<hbm>>
        %dma_start3A_146 = tpu.memref_squeeze %dma_start3A_145 : memref<1x80x128xf32, #tpu.memory_space<hbm>> -> memref<80x128xf32, #tpu.memory_space<hbm>>
        %dma_start3A_147 = arith.constant 0 : i32
        %dma_start3A_148 = arith.constant 0 : i32
        %dma_start3A_149 = tpu.memref_slice %arg6[%dma_start3A_139, %dma_start3A_147, %dma_start3A_148] : memref<2x80x128xf32, #tpu.memory_space<vmem>> -> memref<1x80x128xf32, #tpu.memory_space<vmem>>
        %dma_start3A_150 = tpu.memref_squeeze %dma_start3A_149 : memref<1x80x128xf32, #tpu.memory_space<vmem>> -> memref<80x128xf32, #tpu.memory_space<vmem>>
        %dma_start3A_151 = arith.constant 0 : i32
        %dma_start3A_152 = tpu.memref_slice %arg2[%arg0, %add3A_138, %dma_start3A_151] : memref<2x320000x128xf32, #tpu.memory_space<hbm>> -> memref<1x80x128xf32, #tpu.memory_space<hbm>>
        %dma_start3A_153 = tpu.memref_squeeze %dma_start3A_152 : memref<1x80x128xf32, #tpu.memory_space<hbm>> -> memref<80x128xf32, #tpu.memory_space<hbm>>
        tpu.enqueue_dma source(%dma_start3A_153 : memref<80x128xf32, #tpu.memory_space<hbm>>) target(%dma_start3A_150 : memref<80x128xf32, #tpu.memory_space<vmem>>) target_semaphore(%arg10 : memref<!tpu.dma_semaphore, #tpu.memory_space<semaphore_mem>>)
      } else {
      }
      %run_scoped3A = arith.constant 0 : i32
      "tpu.region"() ({
        %run_scoped3A_134 = tpu.sem_alloc : memref<!tpu.dma_semaphore, #tpu.memory_space<semaphore_mem>>
        %dma_start3A_135 = arith.constant 0 : i32
        %dma_start3A_136 = arith.constant 0 : i32
        %dma_start3A_137 = tpu.memref_slice %arg6[%run_scoped3A, %dma_start3A_135, %dma_start3A_136] : memref<2x80x128xf32, #tpu.memory_space<vmem>> -> memref<1x80x128xf32, #tpu.memory_space<vmem>>
        %dma_start3A_138 = tpu.memref_squeeze %dma_start3A_137 : memref<1x80x128xf32, #tpu.memory_space<vmem>> -> memref<80x128xf32, #tpu.memory_space<vmem>>
        %dma_start3A_139 = arith.constant 0 : i32
        %dma_start3A_140 = tpu.memref_slice %arg5[%add3A_75, %dma_start3A_139] : memref<128x80xi32, #tpu.memory_space<vmem>> -> memref<1x80xi32, #tpu.memory_space<vmem>>
        %dma_start3A_141 = tpu.memref_squeeze %dma_start3A_140 : memref<1x80xi32, #tpu.memory_space<vmem>> -> memref<80xi32, #tpu.memory_space<vmem>>
        %dma_start3A_142 = arith.constant 0 : i32
        %dma_start3A_143 = arith.constant 0 : i32
        %dma_start3A_144 = tpu.memref_slice %arg8[%dma_start3A_142, %dma_start3A_143] : memref<10000x128xf32, #tpu.memory_space<vmem_shared>> -> memref<10000x128xf32, #tpu.memory_space<vmem_shared>>
        tpu.enqueue_indirect_dma source(%dma_start3A_138 : memref<80x128xf32, #tpu.memory_space<vmem>>) target(%dma_start3A_144 : memref<10000x128xf32, #tpu.memory_space<vmem_shared>>) offsets(%dma_start3A_141 : memref<80xi32, #tpu.memory_space<vmem>>) semaphore(%run_scoped3A_134 : memref<!tpu.dma_semaphore, #tpu.memory_space<semaphore_mem>>) {add = true}
        %dma_wait3A_145 = arith.constant 0 : i32
        %dma_wait3A_146 = arith.constant 0 : i32
        %dma_wait3A_147 = tpu.memref_slice %arg6[%run_scoped3A, %dma_wait3A_145, %dma_wait3A_146] : memref<2x80x128xf32, #tpu.memory_space<vmem>> -> memref<1x80x128xf32, #tpu.memory_space<vmem>>
        %dma_wait3A_148 = tpu.memref_squeeze %dma_wait3A_147 : memref<1x80x128xf32, #tpu.memory_space<vmem>> -> memref<80x128xf32, #tpu.memory_space<vmem>>
        %dma_wait3A_149 = arith.constant 0 : i32
        %dma_wait3A_150 = tpu.memref_slice %arg5[%add3A_75, %dma_wait3A_149] : memref<128x80xi32, #tpu.memory_space<vmem>> -> memref<1x80xi32, #tpu.memory_space<vmem>>
        %dma_wait3A_151 = tpu.memref_squeeze %dma_wait3A_150 : memref<1x80xi32, #tpu.memory_space<vmem>> -> memref<80xi32, #tpu.memory_space<vmem>>
        %dma_wait3A_152 = arith.constant 0 : i32
        %dma_wait3A_153 = arith.constant 0 : i32
        %dma_wait3A_154 = tpu.memref_slice %arg8[%dma_wait3A_152, %dma_wait3A_153] : memref<10000x128xf32, #tpu.memory_space<vmem_shared>> -> memref<10000x128xf32, #tpu.memory_space<vmem_shared>>
        tpu.wait_indirect_dma semaphore(%run_scoped3A_134 : memref<!tpu.dma_semaphore, #tpu.memory_space<semaphore_mem>>) src(%dma_wait3A_148 : memref<80x128xf32, #tpu.memory_space<vmem>>) dst(%dma_wait3A_154 : memref<10000x128xf32, #tpu.memory_space<vmem_shared>>)
        tpu.yield
      }) : () -> ()
      %mul3A_102 = arith.constant 2 : i32
      %mul3A_103 = arith.muli %mul3A_102, %add3A_71 : i32
      %add3A_104 = arith.constant 1 : i32
      %add3A_105 = arith.addi %mul3A_103, %add3A_104 : i32
      %add3A_106 = arith.constant 0 : i32
      %add3A_107 = arith.addi %add3A_106, %add3A_105 : i32
      %mul3A_108 = arith.constant 80 : i32
      %mul3A_109 = arith.muli %add3A_107, %mul3A_108 : i32
      %add3A_110 = arith.addi %mul3A_0, %mul3A_109 : i32
      %dma_wait3A_111 = arith.constant 1 : i32
      %dma_wait3A_112 = arith.constant 0 : i32
      %dma_wait3A_113 = arith.constant 0 : i32
      %dma_wait3A_114 = tpu.memref_slice %arg6[%dma_wait3A_111, %dma_wait3A_112, %dma_wait3A_113] : memref<2x80x128xf32, #tpu.memory_space<vmem>> -> memref<1x80x128xf32, #tpu.memory_space<vmem>>
      %dma_wait3A_115 = tpu.memref_squeeze %dma_wait3A_114 : memref<1x80x128xf32, #tpu.memory_space<vmem>> -> memref<80x128xf32, #tpu.memory_space<vmem>>
      %dma_wait3A_116 = arith.constant 0 : i32
      %dma_wait3A_117 = tpu.memref_slice %arg2[%arg0, %add3A_110, %dma_wait3A_116] : memref<2x320000x128xf32, #tpu.memory_space<hbm>> -> memref<1x80x128xf32, #tpu.memory_space<hbm>>
      %dma_wait3A_118 = tpu.memref_squeeze %dma_wait3A_117 : memref<1x80x128xf32, #tpu.memory_space<hbm>> -> memref<80x128xf32, #tpu.memory_space<hbm>>
      %dma_wait3A_119 = arith.constant 0 : i32
      %dma_wait3A_120 = arith.constant 0 : i32
      %dma_wait3A_121 = tpu.memref_slice %arg6[%dma_wait3A_111, %dma_wait3A_119, %dma_wait3A_120] : memref<2x80x128xf32, #tpu.memory_space<vmem>> -> memref<1x80x128xf32, #tpu.memory_space<vmem>>
      %dma_wait3A_122 = tpu.memref_squeeze %dma_wait3A_121 : memref<1x80x128xf32, #tpu.memory_space<vmem>> -> memref<80x128xf32, #tpu.memory_space<vmem>>
      %dma_wait3A_123 = arith.constant 0 : i32
      %dma_wait3A_124 = tpu.memref_slice %arg2[%arg0, %add3A_110, %dma_wait3A_123] : memref<2x320000x128xf32, #tpu.memory_space<hbm>> -> memref<1x80x128xf32, #tpu.memory_space<hbm>>
      %dma_wait3A_125 = tpu.memref_squeeze %dma_wait3A_124 : memref<1x80x128xf32, #tpu.memory_space<hbm>> -> memref<80x128xf32, #tpu.memory_space<hbm>>
      tpu.wait_dma2 semaphore(%arg10 : memref<!tpu.dma_semaphore, #tpu.memory_space<semaphore_mem>>) src(%dma_wait3A_125 : memref<80x128xf32, #tpu.memory_space<hbm>>) dst(%dma_wait3A_122 : memref<80x128xf32, #tpu.memory_space<vmem>>)
      %add3A_126 = arith.constant 1 : i32
      %add3A_127 = arith.addi %add3A_105, %add3A_126 : i32
      %lt3A_128 = arith.constant 128 : i32
      %lt3A_129 = arith.cmpi slt, %add3A_127, %lt3A_128 : i32
      %convert_element_type3A_130 = arith.extui %lt3A_129 : i1 to i32
      %cond3A_131 = arith.constant 0 : i32
      %cond3A_132 = arith.cmpi ne, %convert_element_type3A_130, %cond3A_131 : i32
      scf.if %cond3A_132 {
        %add3A_134 = arith.constant 1 : i32
        %add3A_135 = arith.addi %add3A_107, %add3A_134 : i32
        %mul3A_136 = arith.constant 80 : i32
        %mul3A_137 = arith.muli %add3A_135, %mul3A_136 : i32
        %add3A_138 = arith.addi %mul3A_0, %mul3A_137 : i32
        %dma_start3A_139 = arith.constant 0 : i32
        %dma_start3A_140 = arith.constant 0 : i32
        %dma_start3A_141 = arith.constant 0 : i32
        %dma_start3A_142 = tpu.memref_slice %arg6[%dma_start3A_139, %dma_start3A_140, %dma_start3A_141] : memref<2x80x128xf32, #tpu.memory_space<vmem>> -> memref<1x80x128xf32, #tpu.memory_space<vmem>>
        %dma_start3A_143 = tpu.memref_squeeze %dma_start3A_142 : memref<1x80x128xf32, #tpu.memory_space<vmem>> -> memref<80x128xf32, #tpu.memory_space<vmem>>
        %dma_start3A_144 = arith.constant 0 : i32
        %dma_start3A_145 = tpu.memref_slice %arg2[%arg0, %add3A_138, %dma_start3A_144] : memref<2x320000x128xf32, #tpu.memory_space<hbm>> -> memref<1x80x128xf32, #tpu.memory_space<hbm>>
        %dma_start3A_146 = tpu.memref_squeeze %dma_start3A_145 : memref<1x80x128xf32, #tpu.memory_space<hbm>> -> memref<80x128xf32, #tpu.memory_space<hbm>>
        %dma_start3A_147 = arith.constant 0 : i32
        %dma_start3A_148 = arith.constant 0 : i32
        %dma_start3A_149 = tpu.memref_slice %arg6[%dma_start3A_139, %dma_start3A_147, %dma_start3A_148] : memref<2x80x128xf32, #tpu.memory_space<vmem>> -> memref<1x80x128xf32, #tpu.memory_space<vmem>>
        %dma_start3A_150 = tpu.memref_squeeze %dma_start3A_149 : memref<1x80x128xf32, #tpu.memory_space<vmem>> -> memref<80x128xf32, #tpu.memory_space<vmem>>
        %dma_start3A_151 = arith.constant 0 : i32
        %dma_start3A_152 = tpu.memref_slice %arg2[%arg0, %add3A_138, %dma_start3A_151] : memref<2x320000x128xf32, #tpu.memory_space<hbm>> -> memref<1x80x128xf32, #tpu.memory_space<hbm>>
        %dma_start3A_153 = tpu.memref_squeeze %dma_start3A_152 : memref<1x80x128xf32, #tpu.memory_space<hbm>> -> memref<80x128xf32, #tpu.memory_space<hbm>>
        tpu.enqueue_dma source(%dma_start3A_153 : memref<80x128xf32, #tpu.memory_space<hbm>>) target(%dma_start3A_150 : memref<80x128xf32, #tpu.memory_space<vmem>>) target_semaphore(%arg9 : memref<!tpu.dma_semaphore, #tpu.memory_space<semaphore_mem>>)
      } else {
      }
      %run_scoped3A_133 = arith.constant 1 : i32
      "tpu.region"() ({
        %run_scoped3A_134 = tpu.sem_alloc : memref<!tpu.dma_semaphore, #tpu.memory_space<semaphore_mem>>
        %dma_start3A_135 = arith.constant 0 : i32
        %dma_start3A_136 = arith.constant 0 : i32
        %dma_start3A_137 = tpu.memref_slice %arg6[%run_scoped3A_133, %dma_start3A_135, %dma_start3A_136] : memref<2x80x128xf32, #tpu.memory_space<vmem>> -> memref<1x80x128xf32, #tpu.memory_space<vmem>>
        %dma_start3A_138 = tpu.memref_squeeze %dma_start3A_137 : memref<1x80x128xf32, #tpu.memory_space<vmem>> -> memref<80x128xf32, #tpu.memory_space<vmem>>
        %dma_start3A_139 = arith.constant 0 : i32
        %dma_start3A_140 = tpu.memref_slice %arg5[%add3A_105, %dma_start3A_139] : memref<128x80xi32, #tpu.memory_space<vmem>> -> memref<1x80xi32, #tpu.memory_space<vmem>>
        %dma_start3A_141 = tpu.memref_squeeze %dma_start3A_140 : memref<1x80xi32, #tpu.memory_space<vmem>> -> memref<80xi32, #tpu.memory_space<vmem>>
        %dma_start3A_142 = arith.constant 0 : i32
        %dma_start3A_143 = arith.constant 0 : i32
        %dma_start3A_144 = tpu.memref_slice %arg8[%dma_start3A_142, %dma_start3A_143] : memref<10000x128xf32, #tpu.memory_space<vmem_shared>> -> memref<10000x128xf32, #tpu.memory_space<vmem_shared>>
        tpu.enqueue_indirect_dma source(%dma_start3A_138 : memref<80x128xf32, #tpu.memory_space<vmem>>) target(%dma_start3A_144 : memref<10000x128xf32, #tpu.memory_space<vmem_shared>>) offsets(%dma_start3A_141 : memref<80xi32, #tpu.memory_space<vmem>>) semaphore(%run_scoped3A_134 : memref<!tpu.dma_semaphore, #tpu.memory_space<semaphore_mem>>) {add = true}
        %dma_wait3A_145 = arith.constant 0 : i32
        %dma_wait3A_146 = arith.constant 0 : i32
        %dma_wait3A_147 = tpu.memref_slice %arg6[%run_scoped3A_133, %dma_wait3A_145, %dma_wait3A_146] : memref<2x80x128xf32, #tpu.memory_space<vmem>> -> memref<1x80x128xf32, #tpu.memory_space<vmem>>
        %dma_wait3A_148 = tpu.memref_squeeze %dma_wait3A_147 : memref<1x80x128xf32, #tpu.memory_space<vmem>> -> memref<80x128xf32, #tpu.memory_space<vmem>>
        %dma_wait3A_149 = arith.constant 0 : i32
        %dma_wait3A_150 = tpu.memref_slice %arg5[%add3A_105, %dma_wait3A_149] : memref<128x80xi32, #tpu.memory_space<vmem>> -> memref<1x80xi32, #tpu.memory_space<vmem>>
        %dma_wait3A_151 = tpu.memref_squeeze %dma_wait3A_150 : memref<1x80xi32, #tpu.memory_space<vmem>> -> memref<80xi32, #tpu.memory_space<vmem>>
        %dma_wait3A_152 = arith.constant 0 : i32
        %dma_wait3A_153 = arith.constant 0 : i32
        %dma_wait3A_154 = tpu.memref_slice %arg8[%dma_wait3A_152, %dma_wait3A_153] : memref<10000x128xf32, #tpu.memory_space<vmem_shared>> -> memref<10000x128xf32, #tpu.memory_space<vmem_shared>>
        tpu.wait_indirect_dma semaphore(%run_scoped3A_134 : memref<!tpu.dma_semaphore, #tpu.memory_space<semaphore_mem>>) src(%dma_wait3A_148 : memref<80x128xf32, #tpu.memory_space<vmem>>) dst(%dma_wait3A_154 : memref<10000x128xf32, #tpu.memory_space<vmem_shared>>)
        tpu.yield
      }) : () -> ()
    }
    %scan3A_33 = arith.constant 64 : i32
    "tpu.region"() ({
      %run_scoped3A = tpu.sem_alloc : memref<!tpu.dma_semaphore, #tpu.memory_space<semaphore_mem>>
      %dma_start3A_67 = arith.constant 0 : i32
      %dma_start3A_68 = arith.constant 0 : i32
      %dma_start3A_69 = tpu.memref_slice %arg5[%dma_start3A_67, %dma_start3A_68] : memref<128x80xi32, #tpu.memory_space<vmem>> -> memref<122x80xi32, #tpu.memory_space<vmem>>
      %dma_start3A_70 = arith.constant 128 : i32
      %dma_start3A_71 = arith.constant 0 : i32
      %dma_start3A_72 = tpu.memref_slice %arg3[%arg1, %dma_start3A_70, %dma_start3A_71] : memref<16x250x80xi32, #tpu.memory_space<hbm>> -> memref<1x122x80xi32, #tpu.memory_space<hbm>>
      %dma_start3A_73 = tpu.memref_squeeze %dma_start3A_72 : memref<1x122x80xi32, #tpu.memory_space<hbm>> -> memref<122x80xi32, #tpu.memory_space<hbm>>
      %dma_start3A_74 = arith.constant 0 : i32
      %dma_start3A_75 = arith.constant 0 : i32
      %dma_start3A_76 = tpu.memref_slice %arg5[%dma_start3A_74, %dma_start3A_75] : memref<128x80xi32, #tpu.memory_space<vmem>> -> memref<122x80xi32, #tpu.memory_space<vmem>>
      %dma_start3A_77 = arith.constant 128 : i32
      %dma_start3A_78 = arith.constant 0 : i32
      %dma_start3A_79 = tpu.memref_slice %arg3[%arg1, %dma_start3A_77, %dma_start3A_78] : memref<16x250x80xi32, #tpu.memory_space<hbm>> -> memref<1x122x80xi32, #tpu.memory_space<hbm>>
      %dma_start3A_80 = tpu.memref_squeeze %dma_start3A_79 : memref<1x122x80xi32, #tpu.memory_space<hbm>> -> memref<122x80xi32, #tpu.memory_space<hbm>>
      tpu.enqueue_dma source(%dma_start3A_80 : memref<122x80xi32, #tpu.memory_space<hbm>>) target(%dma_start3A_76 : memref<122x80xi32, #tpu.memory_space<vmem>>) target_semaphore(%run_scoped3A : memref<!tpu.dma_semaphore, #tpu.memory_space<semaphore_mem>>)
      %dma_wait3A = arith.constant 0 : i32
      %dma_wait3A_81 = arith.constant 0 : i32
      %dma_wait3A_82 = tpu.memref_slice %arg5[%dma_wait3A, %dma_wait3A_81] : memref<128x80xi32, #tpu.memory_space<vmem>> -> memref<122x80xi32, #tpu.memory_space<vmem>>
      %dma_wait3A_83 = arith.constant 128 : i32
      %dma_wait3A_84 = arith.constant 0 : i32
      %dma_wait3A_85 = tpu.memref_slice %arg3[%arg1, %dma_wait3A_83, %dma_wait3A_84] : memref<16x250x80xi32, #tpu.memory_space<hbm>> -> memref<1x122x80xi32, #tpu.memory_space<hbm>>
      %dma_wait3A_86 = tpu.memref_squeeze %dma_wait3A_85 : memref<1x122x80xi32, #tpu.memory_space<hbm>> -> memref<122x80xi32, #tpu.memory_space<hbm>>
      %dma_wait3A_87 = arith.constant 0 : i32
      %dma_wait3A_88 = arith.constant 0 : i32
      %dma_wait3A_89 = tpu.memref_slice %arg5[%dma_wait3A_87, %dma_wait3A_88] : memref<128x80xi32, #tpu.memory_space<vmem>> -> memref<122x80xi32, #tpu.memory_space<vmem>>
      %dma_wait3A_90 = arith.constant 128 : i32
      %dma_wait3A_91 = arith.constant 0 : i32
      %dma_wait3A_92 = tpu.memref_slice %arg3[%arg1, %dma_wait3A_90, %dma_wait3A_91] : memref<16x250x80xi32, #tpu.memory_space<hbm>> -> memref<1x122x80xi32, #tpu.memory_space<hbm>>
      %dma_wait3A_93 = tpu.memref_squeeze %dma_wait3A_92 : memref<1x122x80xi32, #tpu.memory_space<hbm>> -> memref<122x80xi32, #tpu.memory_space<hbm>>
      tpu.wait_dma2 semaphore(%run_scoped3A : memref<!tpu.dma_semaphore, #tpu.memory_space<semaphore_mem>>) src(%dma_wait3A_93 : memref<122x80xi32, #tpu.memory_space<hbm>>) dst(%dma_wait3A_89 : memref<122x80xi32, #tpu.memory_space<vmem>>)
      tpu.yield
    }) : () -> ()
    %add3A_34 = arith.constant 10240 : i32
    %add3A_35 = arith.addi %mul3A_0, %add3A_34 : i32
    %dma_start3A_36 = arith.constant 0 : i32
    %dma_start3A_37 = arith.constant 0 : i32
    %dma_start3A_38 = arith.constant 0 : i32
    %dma_start3A_39 = tpu.memref_slice %arg6[%dma_start3A_36, %dma_start3A_37, %dma_start3A_38] : memref<2x80x128xf32, #tpu.memory_space<vmem>> -> memref<1x80x128xf32, #tpu.memory_space<vmem>>
    %dma_start3A_40 = tpu.memref_squeeze %dma_start3A_39 : memref<1x80x128xf32, #tpu.memory_space<vmem>> -> memref<80x128xf32, #tpu.memory_space<vmem>>
    %dma_start3A_41 = arith.constant 0 : i32
    %dma_start3A_42 = tpu.memref_slice %arg2[%arg0, %add3A_35, %dma_start3A_41] : memref<2x320000x128xf32, #tpu.memory_space<hbm>> -> memref<1x80x128xf32, #tpu.memory_space<hbm>>
    %dma_start3A_43 = tpu.memref_squeeze %dma_start3A_42 : memref<1x80x128xf32, #tpu.memory_space<hbm>> -> memref<80x128xf32, #tpu.memory_space<hbm>>
    %dma_start3A_44 = arith.constant 0 : i32
    %dma_start3A_45 = arith.constant 0 : i32
    %dma_start3A_46 = tpu.memref_slice %arg6[%dma_start3A_36, %dma_start3A_44, %dma_start3A_45] : memref<2x80x128xf32, #tpu.memory_space<vmem>> -> memref<1x80x128xf32, #tpu.memory_space<vmem>>
    %dma_start3A_47 = tpu.memref_squeeze %dma_start3A_46 : memref<1x80x128xf32, #tpu.memory_space<vmem>> -> memref<80x128xf32, #tpu.memory_space<vmem>>
    %dma_start3A_48 = arith.constant 0 : i32
    %dma_start3A_49 = tpu.memref_slice %arg2[%arg0, %add3A_35, %dma_start3A_48] : memref<2x320000x128xf32, #tpu.memory_space<hbm>> -> memref<1x80x128xf32, #tpu.memory_space<hbm>>
    %dma_start3A_50 = tpu.memref_squeeze %dma_start3A_49 : memref<1x80x128xf32, #tpu.memory_space<hbm>> -> memref<80x128xf32, #tpu.memory_space<hbm>>
    tpu.enqueue_dma source(%dma_start3A_50 : memref<80x128xf32, #tpu.memory_space<hbm>>) target(%dma_start3A_47 : memref<80x128xf32, #tpu.memory_space<vmem>>) target_semaphore(%arg9 : memref<!tpu.dma_semaphore, #tpu.memory_space<semaphore_mem>>)
    %scan3A_51 = arith.constant 0 : i32
    %scan3A_52 = arith.constant 61 : i32
    %scan3A_53 = arith.addi %scan3A_51, %scan3A_52 : i32
    %scan3A_54 = arith.constant 1 : i32
    scf.for %scan3A_67 = %scan3A_51 to %scan3A_53 step %scan3A_54  : i32 {
      %mul3A_68 = arith.constant 1 : i32
      %mul3A_69 = arith.muli %scan3A_67, %mul3A_68 : i32
      %add3A_70 = arith.constant 0 : i32
      %add3A_71 = arith.addi %add3A_70, %mul3A_69 : i32
      %mul3A_72 = arith.constant 2 : i32
      %mul3A_73 = arith.muli %mul3A_72, %add3A_71 : i32
      %add3A_74 = arith.constant 0 : i32
      %add3A_75 = arith.addi %mul3A_73, %add3A_74 : i32
      %add3A_76 = arith.constant 128 : i32
      %add3A_77 = arith.addi %add3A_76, %add3A_75 : i32
      %mul3A_78 = arith.constant 80 : i32
      %mul3A_79 = arith.muli %add3A_77, %mul3A_78 : i32
      %add3A_80 = arith.addi %mul3A_0, %mul3A_79 : i32
      %dma_wait3A = arith.constant 0 : i32
      %dma_wait3A_81 = arith.constant 0 : i32
      %dma_wait3A_82 = arith.constant 0 : i32
      %dma_wait3A_83 = tpu.memref_slice %arg6[%dma_wait3A, %dma_wait3A_81, %dma_wait3A_82] : memref<2x80x128xf32, #tpu.memory_space<vmem>> -> memref<1x80x128xf32, #tpu.memory_space<vmem>>
      %dma_wait3A_84 = tpu.memref_squeeze %dma_wait3A_83 : memref<1x80x128xf32, #tpu.memory_space<vmem>> -> memref<80x128xf32, #tpu.memory_space<vmem>>
      %dma_wait3A_85 = arith.constant 0 : i32
      %dma_wait3A_86 = tpu.memref_slice %arg2[%arg0, %add3A_80, %dma_wait3A_85] : memref<2x320000x128xf32, #tpu.memory_space<hbm>> -> memref<1x80x128xf32, #tpu.memory_space<hbm>>
      %dma_wait3A_87 = tpu.memref_squeeze %dma_wait3A_86 : memref<1x80x128xf32, #tpu.memory_space<hbm>> -> memref<80x128xf32, #tpu.memory_space<hbm>>
      %dma_wait3A_88 = arith.constant 0 : i32
      %dma_wait3A_89 = arith.constant 0 : i32
      %dma_wait3A_90 = tpu.memref_slice %arg6[%dma_wait3A, %dma_wait3A_88, %dma_wait3A_89] : memref<2x80x128xf32, #tpu.memory_space<vmem>> -> memref<1x80x128xf32, #tpu.memory_space<vmem>>
      %dma_wait3A_91 = tpu.memref_squeeze %dma_wait3A_90 : memref<1x80x128xf32, #tpu.memory_space<vmem>> -> memref<80x128xf32, #tpu.memory_space<vmem>>
      %dma_wait3A_92 = arith.constant 0 : i32
      %dma_wait3A_93 = tpu.memref_slice %arg2[%arg0, %add3A_80, %dma_wait3A_92] : memref<2x320000x128xf32, #tpu.memory_space<hbm>> -> memref<1x80x128xf32, #tpu.memory_space<hbm>>
      %dma_wait3A_94 = tpu.memref_squeeze %dma_wait3A_93 : memref<1x80x128xf32, #tpu.memory_space<hbm>> -> memref<80x128xf32, #tpu.memory_space<hbm>>
      tpu.wait_dma2 semaphore(%arg9 : memref<!tpu.dma_semaphore, #tpu.memory_space<semaphore_mem>>) src(%dma_wait3A_94 : memref<80x128xf32, #tpu.memory_space<hbm>>) dst(%dma_wait3A_91 : memref<80x128xf32, #tpu.memory_space<vmem>>)
      %add3A_95 = arith.constant 1 : i32
      %add3A_96 = arith.addi %add3A_75, %add3A_95 : i32
      %lt3A_97 = arith.constant 122 : i32
      %lt3A_98 = arith.cmpi slt, %add3A_96, %lt3A_97 : i32
      %convert_element_type3A_99 = arith.extui %lt3A_98 : i1 to i32
      %cond3A_100 = arith.constant 0 : i32
      %cond3A_101 = arith.cmpi ne, %convert_element_type3A_99, %cond3A_100 : i32
      scf.if %cond3A_101 {
        %add3A_134 = arith.constant 1 : i32
        %add3A_135 = arith.addi %add3A_77, %add3A_134 : i32
        %mul3A_136 = arith.constant 80 : i32
        %mul3A_137 = arith.muli %add3A_135, %mul3A_136 : i32
        %add3A_138 = arith.addi %mul3A_0, %mul3A_137 : i32
        %dma_start3A_139 = arith.constant 1 : i32
        %dma_start3A_140 = arith.constant 0 : i32
        %dma_start3A_141 = arith.constant 0 : i32
        %dma_start3A_142 = tpu.memref_slice %arg6[%dma_start3A_139, %dma_start3A_140, %dma_start3A_141] : memref<2x80x128xf32, #tpu.memory_space<vmem>> -> memref<1x80x128xf32, #tpu.memory_space<vmem>>
        %dma_start3A_143 = tpu.memref_squeeze %dma_start3A_142 : memref<1x80x128xf32, #tpu.memory_space<vmem>> -> memref<80x128xf32, #tpu.memory_space<vmem>>
        %dma_start3A_144 = arith.constant 0 : i32
        %dma_start3A_145 = tpu.memref_slice %arg2[%arg0, %add3A_138, %dma_start3A_144] : memref<2x320000x128xf32, #tpu.memory_space<hbm>> -> memref<1x80x128xf32, #tpu.memory_space<hbm>>
        %dma_start3A_146 = tpu.memref_squeeze %dma_start3A_145 : memref<1x80x128xf32, #tpu.memory_space<hbm>> -> memref<80x128xf32, #tpu.memory_space<hbm>>
        %dma_start3A_147 = arith.constant 0 : i32
        %dma_start3A_148 = arith.constant 0 : i32
        %dma_start3A_149 = tpu.memref_slice %arg6[%dma_start3A_139, %dma_start3A_147, %dma_start3A_148] : memref<2x80x128xf32, #tpu.memory_space<vmem>> -> memref<1x80x128xf32, #tpu.memory_space<vmem>>
        %dma_start3A_150 = tpu.memref_squeeze %dma_start3A_149 : memref<1x80x128xf32, #tpu.memory_space<vmem>> -> memref<80x128xf32, #tpu.memory_space<vmem>>
        %dma_start3A_151 = arith.constant 0 : i32
        %dma_start3A_152 = tpu.memref_slice %arg2[%arg0, %add3A_138, %dma_start3A_151] : memref<2x320000x128xf32, #tpu.memory_space<hbm>> -> memref<1x80x128xf32, #tpu.memory_space<hbm>>
        %dma_start3A_153 = tpu.memref_squeeze %dma_start3A_152 : memref<1x80x128xf32, #tpu.memory_space<hbm>> -> memref<80x128xf32, #tpu.memory_space<hbm>>
        tpu.enqueue_dma source(%dma_start3A_153 : memref<80x128xf32, #tpu.memory_space<hbm>>) target(%dma_start3A_150 : memref<80x128xf32, #tpu.memory_space<vmem>>) target_semaphore(%arg10 : memref<!tpu.dma_semaphore, #tpu.memory_space<semaphore_mem>>)
      } else {
      }
      %run_scoped3A = arith.constant 0 : i32
      "tpu.region"() ({
        %run_scoped3A_134 = tpu.sem_alloc : memref<!tpu.dma_semaphore, #tpu.memory_space<semaphore_mem>>
        %dma_start3A_135 = arith.constant 0 : i32
        %dma_start3A_136 = arith.constant 0 : i32
        %dma_start3A_137 = tpu.memref_slice %arg6[%run_scoped3A, %dma_start3A_135, %dma_start3A_136] : memref<2x80x128xf32, #tpu.memory_space<vmem>> -> memref<1x80x128xf32, #tpu.memory_space<vmem>>
        %dma_start3A_138 = tpu.memref_squeeze %dma_start3A_137 : memref<1x80x128xf32, #tpu.memory_space<vmem>> -> memref<80x128xf32, #tpu.memory_space<vmem>>
        %dma_start3A_139 = arith.constant 0 : i32
        %dma_start3A_140 = tpu.memref_slice %arg5[%add3A_75, %dma_start3A_139] : memref<128x80xi32, #tpu.memory_space<vmem>> -> memref<1x80xi32, #tpu.memory_space<vmem>>
        %dma_start3A_141 = tpu.memref_squeeze %dma_start3A_140 : memref<1x80xi32, #tpu.memory_space<vmem>> -> memref<80xi32, #tpu.memory_space<vmem>>
        %dma_start3A_142 = arith.constant 0 : i32
        %dma_start3A_143 = arith.constant 0 : i32
        %dma_start3A_144 = tpu.memref_slice %arg8[%dma_start3A_142, %dma_start3A_143] : memref<10000x128xf32, #tpu.memory_space<vmem_shared>> -> memref<10000x128xf32, #tpu.memory_space<vmem_shared>>
        tpu.enqueue_indirect_dma source(%dma_start3A_138 : memref<80x128xf32, #tpu.memory_space<vmem>>) target(%dma_start3A_144 : memref<10000x128xf32, #tpu.memory_space<vmem_shared>>) offsets(%dma_start3A_141 : memref<80xi32, #tpu.memory_space<vmem>>) semaphore(%run_scoped3A_134 : memref<!tpu.dma_semaphore, #tpu.memory_space<semaphore_mem>>) {add = true}
        %dma_wait3A_145 = arith.constant 0 : i32
        %dma_wait3A_146 = arith.constant 0 : i32
        %dma_wait3A_147 = tpu.memref_slice %arg6[%run_scoped3A, %dma_wait3A_145, %dma_wait3A_146] : memref<2x80x128xf32, #tpu.memory_space<vmem>> -> memref<1x80x128xf32, #tpu.memory_space<vmem>>
        %dma_wait3A_148 = tpu.memref_squeeze %dma_wait3A_147 : memref<1x80x128xf32, #tpu.memory_space<vmem>> -> memref<80x128xf32, #tpu.memory_space<vmem>>
        %dma_wait3A_149 = arith.constant 0 : i32
        %dma_wait3A_150 = tpu.memref_slice %arg5[%add3A_75, %dma_wait3A_149] : memref<128x80xi32, #tpu.memory_space<vmem>> -> memref<1x80xi32, #tpu.memory_space<vmem>>
        %dma_wait3A_151 = tpu.memref_squeeze %dma_wait3A_150 : memref<1x80xi32, #tpu.memory_space<vmem>> -> memref<80xi32, #tpu.memory_space<vmem>>
        %dma_wait3A_152 = arith.constant 0 : i32
        %dma_wait3A_153 = arith.constant 0 : i32
        %dma_wait3A_154 = tpu.memref_slice %arg8[%dma_wait3A_152, %dma_wait3A_153] : memref<10000x128xf32, #tpu.memory_space<vmem_shared>> -> memref<10000x128xf32, #tpu.memory_space<vmem_shared>>
        tpu.wait_indirect_dma semaphore(%run_scoped3A_134 : memref<!tpu.dma_semaphore, #tpu.memory_space<semaphore_mem>>) src(%dma_wait3A_148 : memref<80x128xf32, #tpu.memory_space<vmem>>) dst(%dma_wait3A_154 : memref<10000x128xf32, #tpu.memory_space<vmem_shared>>)
        tpu.yield
      }) : () -> ()
      %mul3A_102 = arith.constant 2 : i32
      %mul3A_103 = arith.muli %mul3A_102, %add3A_71 : i32
      %add3A_104 = arith.constant 1 : i32
      %add3A_105 = arith.addi %mul3A_103, %add3A_104 : i32
      %add3A_106 = arith.constant 128 : i32
      %add3A_107 = arith.addi %add3A_106, %add3A_105 : i32
      %mul3A_108 = arith.constant 80 : i32
      %mul3A_109 = arith.muli %add3A_107, %mul3A_108 : i32
      %add3A_110 = arith.addi %mul3A_0, %mul3A_109 : i32
      %dma_wait3A_111 = arith.constant 1 : i32
      %dma_wait3A_112 = arith.constant 0 : i32
      %dma_wait3A_113 = arith.constant 0 : i32
      %dma_wait3A_114 = tpu.memref_slice %arg6[%dma_wait3A_111, %dma_wait3A_112, %dma_wait3A_113] : memref<2x80x128xf32, #tpu.memory_space<vmem>> -> memref<1x80x128xf32, #tpu.memory_space<vmem>>
      %dma_wait3A_115 = tpu.memref_squeeze %dma_wait3A_114 : memref<1x80x128xf32, #tpu.memory_space<vmem>> -> memref<80x128xf32, #tpu.memory_space<vmem>>
      %dma_wait3A_116 = arith.constant 0 : i32
      %dma_wait3A_117 = tpu.memref_slice %arg2[%arg0, %add3A_110, %dma_wait3A_116] : memref<2x320000x128xf32, #tpu.memory_space<hbm>> -> memref<1x80x128xf32, #tpu.memory_space<hbm>>
      %dma_wait3A_118 = tpu.memref_squeeze %dma_wait3A_117 : memref<1x80x128xf32, #tpu.memory_space<hbm>> -> memref<80x128xf32, #tpu.memory_space<hbm>>
      %dma_wait3A_119 = arith.constant 0 : i32
      %dma_wait3A_120 = arith.constant 0 : i32
      %dma_wait3A_121 = tpu.memref_slice %arg6[%dma_wait3A_111, %dma_wait3A_119, %dma_wait3A_120] : memref<2x80x128xf32, #tpu.memory_space<vmem>> -> memref<1x80x128xf32, #tpu.memory_space<vmem>>
      %dma_wait3A_122 = tpu.memref_squeeze %dma_wait3A_121 : memref<1x80x128xf32, #tpu.memory_space<vmem>> -> memref<80x128xf32, #tpu.memory_space<vmem>>
      %dma_wait3A_123 = arith.constant 0 : i32
      %dma_wait3A_124 = tpu.memref_slice %arg2[%arg0, %add3A_110, %dma_wait3A_123] : memref<2x320000x128xf32, #tpu.memory_space<hbm>> -> memref<1x80x128xf32, #tpu.memory_space<hbm>>
      %dma_wait3A_125 = tpu.memref_squeeze %dma_wait3A_124 : memref<1x80x128xf32, #tpu.memory_space<hbm>> -> memref<80x128xf32, #tpu.memory_space<hbm>>
      tpu.wait_dma2 semaphore(%arg10 : memref<!tpu.dma_semaphore, #tpu.memory_space<semaphore_mem>>) src(%dma_wait3A_125 : memref<80x128xf32, #tpu.memory_space<hbm>>) dst(%dma_wait3A_122 : memref<80x128xf32, #tpu.memory_space<vmem>>)
      %add3A_126 = arith.constant 1 : i32
      %add3A_127 = arith.addi %add3A_105, %add3A_126 : i32
      %lt3A_128 = arith.constant 122 : i32
      %lt3A_129 = arith.cmpi slt, %add3A_127, %lt3A_128 : i32
      %convert_element_type3A_130 = arith.extui %lt3A_129 : i1 to i32
      %cond3A_131 = arith.constant 0 : i32
      %cond3A_132 = arith.cmpi ne, %convert_element_type3A_130, %cond3A_131 : i32
      scf.if %cond3A_132 {
        %add3A_134 = arith.constant 1 : i32
        %add3A_135 = arith.addi %add3A_107, %add3A_134 : i32
        %mul3A_136 = arith.constant 80 : i32
        %mul3A_137 = arith.muli %add3A_135, %mul3A_136 : i32
        %add3A_138 = arith.addi %mul3A_0, %mul3A_137 : i32
        %dma_start3A_139 = arith.constant 0 : i32
        %dma_start3A_140 = arith.constant 0 : i32
        %dma_start3A_141 = arith.constant 0 : i32
        %dma_start3A_142 = tpu.memref_slice %arg6[%dma_start3A_139, %dma_start3A_140, %dma_start3A_141] : memref<2x80x128xf32, #tpu.memory_space<vmem>> -> memref<1x80x128xf32, #tpu.memory_space<vmem>>
        %dma_start3A_143 = tpu.memref_squeeze %dma_start3A_142 : memref<1x80x128xf32, #tpu.memory_space<vmem>> -> memref<80x128xf32, #tpu.memory_space<vmem>>
        %dma_start3A_144 = arith.constant 0 : i32
        %dma_start3A_145 = tpu.memref_slice %arg2[%arg0, %add3A_138, %dma_start3A_144] : memref<2x320000x128xf32, #tpu.memory_space<hbm>> -> memref<1x80x128xf32, #tpu.memory_space<hbm>>
        %dma_start3A_146 = tpu.memref_squeeze %dma_start3A_145 : memref<1x80x128xf32, #tpu.memory_space<hbm>> -> memref<80x128xf32, #tpu.memory_space<hbm>>
        %dma_start3A_147 = arith.constant 0 : i32
        %dma_start3A_148 = arith.constant 0 : i32
        %dma_start3A_149 = tpu.memref_slice %arg6[%dma_start3A_139, %dma_start3A_147, %dma_start3A_148] : memref<2x80x128xf32, #tpu.memory_space<vmem>> -> memref<1x80x128xf32, #tpu.memory_space<vmem>>
        %dma_start3A_150 = tpu.memref_squeeze %dma_start3A_149 : memref<1x80x128xf32, #tpu.memory_space<vmem>> -> memref<80x128xf32, #tpu.memory_space<vmem>>
        %dma_start3A_151 = arith.constant 0 : i32
        %dma_start3A_152 = tpu.memref_slice %arg2[%arg0, %add3A_138, %dma_start3A_151] : memref<2x320000x128xf32, #tpu.memory_space<hbm>> -> memref<1x80x128xf32, #tpu.memory_space<hbm>>
        %dma_start3A_153 = tpu.memref_squeeze %dma_start3A_152 : memref<1x80x128xf32, #tpu.memory_space<hbm>> -> memref<80x128xf32, #tpu.memory_space<hbm>>
        tpu.enqueue_dma source(%dma_start3A_153 : memref<80x128xf32, #tpu.memory_space<hbm>>) target(%dma_start3A_150 : memref<80x128xf32, #tpu.memory_space<vmem>>) target_semaphore(%arg9 : memref<!tpu.dma_semaphore, #tpu.memory_space<semaphore_mem>>)
      } else {
      }
      %run_scoped3A_133 = arith.constant 1 : i32
      "tpu.region"() ({
        %run_scoped3A_134 = tpu.sem_alloc : memref<!tpu.dma_semaphore, #tpu.memory_space<semaphore_mem>>
        %dma_start3A_135 = arith.constant 0 : i32
        %dma_start3A_136 = arith.constant 0 : i32
        %dma_start3A_137 = tpu.memref_slice %arg6[%run_scoped3A_133, %dma_start3A_135, %dma_start3A_136] : memref<2x80x128xf32, #tpu.memory_space<vmem>> -> memref<1x80x128xf32, #tpu.memory_space<vmem>>
        %dma_start3A_138 = tpu.memref_squeeze %dma_start3A_137 : memref<1x80x128xf32, #tpu.memory_space<vmem>> -> memref<80x128xf32, #tpu.memory_space<vmem>>
        %dma_start3A_139 = arith.constant 0 : i32
        %dma_start3A_140 = tpu.memref_slice %arg5[%add3A_105, %dma_start3A_139] : memref<128x80xi32, #tpu.memory_space<vmem>> -> memref<1x80xi32, #tpu.memory_space<vmem>>
        %dma_start3A_141 = tpu.memref_squeeze %dma_start3A_140 : memref<1x80xi32, #tpu.memory_space<vmem>> -> memref<80xi32, #tpu.memory_space<vmem>>
        %dma_start3A_142 = arith.constant 0 : i32
        %dma_start3A_143 = arith.constant 0 : i32
        %dma_start3A_144 = tpu.memref_slice %arg8[%dma_start3A_142, %dma_start3A_143] : memref<10000x128xf32, #tpu.memory_space<vmem_shared>> -> memref<10000x128xf32, #tpu.memory_space<vmem_shared>>
        tpu.enqueue_indirect_dma source(%dma_start3A_138 : memref<80x128xf32, #tpu.memory_space<vmem>>) target(%dma_start3A_144 : memref<10000x128xf32, #tpu.memory_space<vmem_shared>>) offsets(%dma_start3A_141 : memref<80xi32, #tpu.memory_space<vmem>>) semaphore(%run_scoped3A_134 : memref<!tpu.dma_semaphore, #tpu.memory_space<semaphore_mem>>) {add = true}
        %dma_wait3A_145 = arith.constant 0 : i32
        %dma_wait3A_146 = arith.constant 0 : i32
        %dma_wait3A_147 = tpu.memref_slice %arg6[%run_scoped3A_133, %dma_wait3A_145, %dma_wait3A_146] : memref<2x80x128xf32, #tpu.memory_space<vmem>> -> memref<1x80x128xf32, #tpu.memory_space<vmem>>
        %dma_wait3A_148 = tpu.memref_squeeze %dma_wait3A_147 : memref<1x80x128xf32, #tpu.memory_space<vmem>> -> memref<80x128xf32, #tpu.memory_space<vmem>>
        %dma_wait3A_149 = arith.constant 0 : i32
        %dma_wait3A_150 = tpu.memref_slice %arg5[%add3A_105, %dma_wait3A_149] : memref<128x80xi32, #tpu.memory_space<vmem>> -> memref<1x80xi32, #tpu.memory_space<vmem>>
        %dma_wait3A_151 = tpu.memref_squeeze %dma_wait3A_150 : memref<1x80xi32, #tpu.memory_space<vmem>> -> memref<80xi32, #tpu.memory_space<vmem>>
        %dma_wait3A_152 = arith.constant 0 : i32
        %dma_wait3A_153 = arith.constant 0 : i32
        %dma_wait3A_154 = tpu.memref_slice %arg8[%dma_wait3A_152, %dma_wait3A_153] : memref<10000x128xf32, #tpu.memory_space<vmem_shared>> -> memref<10000x128xf32, #tpu.memory_space<vmem_shared>>
        tpu.wait_indirect_dma semaphore(%run_scoped3A_134 : memref<!tpu.dma_semaphore, #tpu.memory_space<semaphore_mem>>) src(%dma_wait3A_148 : memref<80x128xf32, #tpu.memory_space<vmem>>) dst(%dma_wait3A_154 : memref<10000x128xf32, #tpu.memory_space<vmem_shared>>)
        tpu.yield
      }) : () -> ()
    }
    %scan3A_55 = arith.constant 61 : i32
    %barrier3A_56 = arith.constant 0 : index
    tpu.barrier barrier_id(%barrier3A_56)
    %lt3A_57 = arith.constant 15 : i32
    %lt3A_58 = arith.cmpi slt, %arg1, %lt3A_57 : i32
    %convert_element_type3A_59 = arith.extui %lt3A_58 : i1 to i32
    %cond3A_60 = arith.constant 0 : i32
    %cond3A_61 = arith.cmpi ne, %convert_element_type3A_59, %cond3A_60 : i32
    scf.if %cond3A_61 {
      "tpu.region"() ({
        %run_scoped3A = tpu.sem_alloc : memref<!tpu.dma_semaphore, #tpu.memory_space<semaphore_mem>>
        %dma_start3A_67 = arith.constant 0 : i32
        %dma_start3A_68 = tpu.memref_slice %arg4[%arg0, %mul3A_7, %dma_start3A_67] : memref<2x10000x128xf32, #tpu.memory_space<hbm>> -> memref<1x624x128xf32, #tpu.memory_space<hbm>>
        %dma_start3A_69 = tpu.memref_squeeze %dma_start3A_68 : memref<1x624x128xf32, #tpu.memory_space<hbm>> -> memref<624x128xf32, #tpu.memory_space<hbm>>
        %dma_start3A_70 = arith.constant 0 : i32
        %dma_start3A_71 = tpu.memref_slice %arg8[%mul3A_7, %dma_start3A_70] : memref<10000x128xf32, #tpu.memory_space<vmem_shared>> -> memref<624x128xf32, #tpu.memory_space<vmem_shared>>
        tpu.enqueue_dma source(%dma_start3A_71 : memref<624x128xf32, #tpu.memory_space<vmem_shared>>) target(%dma_start3A_69 : memref<624x128xf32, #tpu.memory_space<hbm>>) target_semaphore(%run_scoped3A : memref<!tpu.dma_semaphore, #tpu.memory_space<semaphore_mem>>)
        %dma_wait3A = arith.constant 0 : i32
        %dma_wait3A_72 = tpu.memref_slice %arg4[%arg0, %mul3A_7, %dma_wait3A] : memref<2x10000x128xf32, #tpu.memory_space<hbm>> -> memref<1x624x128xf32, #tpu.memory_space<hbm>>
        %dma_wait3A_73 = tpu.memref_squeeze %dma_wait3A_72 : memref<1x624x128xf32, #tpu.memory_space<hbm>> -> memref<624x128xf32, #tpu.memory_space<hbm>>
        %dma_wait3A_74 = arith.constant 0 : i32
        %dma_wait3A_75 = tpu.memref_slice %arg8[%mul3A_7, %dma_wait3A_74] : memref<10000x128xf32, #tpu.memory_space<vmem_shared>> -> memref<624x128xf32, #tpu.memory_space<vmem_shared>>
        tpu.wait_dma2 semaphore(%run_scoped3A : memref<!tpu.dma_semaphore, #tpu.memory_space<semaphore_mem>>) src(%dma_wait3A_75 : memref<624x128xf32, #tpu.memory_space<vmem_shared>>) dst(%dma_wait3A_73 : memref<624x128xf32, #tpu.memory_space<hbm>>)
        tpu.yield
      }) : () -> ()
    } else {
    }
    %eq3A_62 = arith.constant 15 : i32
    %eq3A_63 = arith.cmpi eq, %arg1, %eq3A_62 : i32
    %convert_element_type3A_64 = arith.extui %eq3A_63 : i1 to i32
    %cond3A_65 = arith.constant 0 : i32
    %cond3A_66 = arith.cmpi ne, %convert_element_type3A_64, %cond3A_65 : i32
    scf.if %cond3A_66 {
      "tpu.region"() ({
        %run_scoped3A = tpu.sem_alloc : memref<!tpu.dma_semaphore, #tpu.memory_space<semaphore_mem>>
        %dma_start3A_67 = arith.constant 0 : i32
        %dma_start3A_68 = tpu.memref_slice %arg4[%arg0, %mul3A_7, %dma_start3A_67] : memref<2x10000x128xf32, #tpu.memory_space<hbm>> -> memref<1x640x128xf32, #tpu.memory_space<hbm>>
        %dma_start3A_69 = tpu.memref_squeeze %dma_start3A_68 : memref<1x640x128xf32, #tpu.memory_space<hbm>> -> memref<640x128xf32, #tpu.memory_space<hbm>>
        %dma_start3A_70 = arith.constant 0 : i32
        %dma_start3A_71 = tpu.memref_slice %arg8[%mul3A_7, %dma_start3A_70] : memref<10000x128xf32, #tpu.memory_space<vmem_shared>> -> memref<640x128xf32, #tpu.memory_space<vmem_shared>>
        tpu.enqueue_dma source(%dma_start3A_71 : memref<640x128xf32, #tpu.memory_space<vmem_shared>>) target(%dma_start3A_69 : memref<640x128xf32, #tpu.memory_space<hbm>>) target_semaphore(%run_scoped3A : memref<!tpu.dma_semaphore, #tpu.memory_space<semaphore_mem>>)
        %dma_wait3A = arith.constant 0 : i32
        %dma_wait3A_72 = tpu.memref_slice %arg4[%arg0, %mul3A_7, %dma_wait3A] : memref<2x10000x128xf32, #tpu.memory_space<hbm>> -> memref<1x640x128xf32, #tpu.memory_space<hbm>>
        %dma_wait3A_73 = tpu.memref_squeeze %dma_wait3A_72 : memref<1x640x128xf32, #tpu.memory_space<hbm>> -> memref<640x128xf32, #tpu.memory_space<hbm>>
        %dma_wait3A_74 = arith.constant 0 : i32
        %dma_wait3A_75 = tpu.memref_slice %arg8[%mul3A_7, %dma_wait3A_74] : memref<10000x128xf32, #tpu.memory_space<vmem_shared>> -> memref<640x128xf32, #tpu.memory_space<vmem_shared>>
        tpu.wait_dma2 semaphore(%run_scoped3A : memref<!tpu.dma_semaphore, #tpu.memory_space<semaphore_mem>>) src(%dma_wait3A_75 : memref<640x128xf32, #tpu.memory_space<vmem_shared>>) dst(%dma_wait3A_73 : memref<640x128xf32, #tpu.memory_space<hbm>>)
        tpu.yield
      }) : () -> ()
    } else {
    }
    return
  }
}

module attributes {stable_mosaic.version = 14 : i64} {
  func.func @_stage1_body(%arg0: i32, %arg1: memref<1000x128xf32, #tpu.memory_space<vmem>>, %arg2: memref<128x256xf32, #tpu.memory_space<vmem>>, %arg3: memref<128x256xf32, #tpu.memory_space<vmem>>, %arg4: memref<1x256xf32, #tpu.memory_space<vmem>>, %arg5: memref<1000x128xi32, #tpu.memory_space<vmem>>, %arg6: memref<1000x128xi32, #tpu.memory_space<vmem>>) attributes {dimension_semantics = [#tpu.dimension_semantics<arbitrary>], iteration_bounds = array<i64: 10>, scalar_prefetch = 0 : i64, scratch_operands = 0 : i64, tpu.core_type = #tpu.core_type<tc>, window_params = [{transform_indices = @transform_0, window_bounds = array<i64: 1000, 128>}, {pipeline_mode = #tpu.pipeline_mode<synchronous>, transform_indices = @transform_1, window_bounds = array<i64: 128, 256>}, {pipeline_mode = #tpu.pipeline_mode<synchronous>, transform_indices = @transform_2, window_bounds = array<i64: 128, 256>}, {pipeline_mode = #tpu.pipeline_mode<synchronous>, transform_indices = @transform_3, window_bounds = array<i64: 1, 256>}, {transform_indices = @transform_4, window_bounds = array<i64: 1000, 128>}, {transform_indices = @transform_5, window_bounds = array<i64: 1000, 128>}]} {
    %get3A = arith.constant 0 : index
    %get3A_0 = arith.constant 0 : index
    %get3A_1 = vector.load %arg1[%get3A, %get3A_0] : memref<1000x128xf32, #tpu.memory_space<vmem>>, vector<1000x128xf32>
    %get3A_2 = arith.constant 0 : index
    %get3A_3 = arith.constant 0 : index
    %get3A_4 = vector.load %arg2[%get3A_2, %get3A_3] : memref<128x256xf32, #tpu.memory_space<vmem>>, vector<128x256xf32>
    %dot_general3A = arith.constant dense<0.000000e+00> : vector<1000x256xf32>
    %dot_general3A_5 = tpu.matmul %get3A_1, %get3A_4, %dot_general3A {dimension_numbers = #tpu.dot_dimension_numbers<[1], [0], [0], [1], [0, 0, 1, 1], [], []>, transpose_lhs_hint = false} : vector<1000x128xf32>, vector<128x256xf32>, vector<1000x256xf32> -> vector<1000x256xf32>
    %get3A_6 = arith.constant 0 : index
    %get3A_7 = arith.constant 0 : index
    %get3A_8 = vector.load %arg3[%get3A_6, %get3A_7] : memref<128x256xf32, #tpu.memory_space<vmem>>, vector<128x256xf32>
    %dot_general3A_9 = arith.constant dense<0.000000e+00> : vector<1000x256xf32>
    %dot_general3A_10 = tpu.matmul %get3A_1, %get3A_8, %dot_general3A_9 {dimension_numbers = #tpu.dot_dimension_numbers<[1], [0], [0], [1], [0, 0, 1, 1], [], []>, transpose_lhs_hint = false} : vector<1000x128xf32>, vector<128x256xf32>, vector<1000x256xf32> -> vector<1000x256xf32>
    %get3A_11 = arith.constant 0 : index
    %get3A_12 = arith.constant 0 : index
    %get3A_13 = vector.load %arg4[%get3A_11, %get3A_12] : memref<1x256xf32, #tpu.memory_space<vmem>>, vector<1x256xf32>
    %add3A = vector.broadcast %get3A_13 : vector<1x256xf32> to vector<1000x256xf32>
    %add3A_14 = arith.addf %dot_general3A_10, %add3A : vector<1000x256xf32>
    %slice3A = vector.extract_strided_slice %dot_general3A_5 {offsets = [0, 0], sizes = [1000, 128], strides = [1, 1]} : vector<1000x256xf32> to vector<1000x128xf32>
    %slice3A_15 = vector.extract_strided_slice %dot_general3A_5 {offsets = [0, 128], sizes = [1000, 128], strides = [1, 1]} : vector<1000x256xf32> to vector<1000x128xf32>
    %bitcast_convert_type3A = tpu.bitcast %slice3A : vector<1000x128xf32> -> vector<1000x128xi32>
    %bitcast_convert_type3A_16 = tpu.bitcast %slice3A_15 : vector<1000x128xf32> -> vector<1000x128xi32>
    %add3A_17 = arith.constant 32767 : i32
    %add3A_18 = vector.broadcast %add3A_17 : i32 to vector<1000x128xi32>
    %add3A_19 = arith.addi %bitcast_convert_type3A, %add3A_18 : vector<1000x128xi32>
    %shift_right_logical3A = arith.constant 16 : i32
    %shift_right_logical3A_20 = vector.broadcast %shift_right_logical3A : i32 to vector<1000x128xi32>
    %shift_right_logical3A_21 = arith.shrui %bitcast_convert_type3A, %shift_right_logical3A_20 : vector<1000x128xi32>
    %and3A = arith.constant 1 : i32
    %and3A_22 = vector.broadcast %and3A : i32 to vector<1000x128xi32>
    %and3A_23 = arith.andi %shift_right_logical3A_21, %and3A_22 : vector<1000x128xi32>
    %add3A_24 = arith.addi %add3A_19, %and3A_23 : vector<1000x128xi32>
    %shift_right_logical3A_25 = arith.constant 16 : i32
    %shift_right_logical3A_26 = vector.broadcast %shift_right_logical3A_25 : i32 to vector<1000x128xi32>
    %shift_right_logical3A_27 = arith.shrui %add3A_24, %shift_right_logical3A_26 : vector<1000x128xi32>
    %add3A_28 = arith.constant 32767 : i32
    %add3A_29 = vector.broadcast %add3A_28 : i32 to vector<1000x128xi32>
    %add3A_30 = arith.addi %bitcast_convert_type3A_16, %add3A_29 : vector<1000x128xi32>
    %shift_right_logical3A_31 = arith.constant 16 : i32
    %shift_right_logical3A_32 = vector.broadcast %shift_right_logical3A_31 : i32 to vector<1000x128xi32>
    %shift_right_logical3A_33 = arith.shrui %bitcast_convert_type3A_16, %shift_right_logical3A_32 : vector<1000x128xi32>
    %and3A_34 = arith.constant 1 : i32
    %and3A_35 = vector.broadcast %and3A_34 : i32 to vector<1000x128xi32>
    %and3A_36 = arith.andi %shift_right_logical3A_33, %and3A_35 : vector<1000x128xi32>
    %add3A_37 = arith.addi %add3A_30, %and3A_36 : vector<1000x128xi32>
    %and3A_38 = arith.constant -65536 : i32
    %and3A_39 = vector.broadcast %and3A_38 : i32 to vector<1000x128xi32>
    %and3A_40 = arith.andi %add3A_37, %and3A_39 : vector<1000x128xi32>
    %or3A = arith.ori %shift_right_logical3A_27, %and3A_40 : vector<1000x128xi32>
    %bitcast_convert_type3A_41 = tpu.bitcast %or3A : vector<1000x128xi32> -> vector<1000x128xi32>
    %swap3A = arith.constant 0 : index
    %swap3A_42 = arith.constant 0 : index
    %swap3A_43 = vector.load %arg5[%swap3A, %swap3A_42] : memref<1000x128xi32, #tpu.memory_space<vmem>>, vector<1000x128xi32>
    tpu.vector_store %arg5[%swap3A, %swap3A_42], %bitcast_convert_type3A_41 {strides = array<i32>} : memref<1000x128xi32, #tpu.memory_space<vmem>>, vector<1000x128xi32>,
    %slice3A_44 = vector.extract_strided_slice %add3A_14 {offsets = [0, 0], sizes = [1000, 128], strides = [1, 1]} : vector<1000x256xf32> to vector<1000x128xf32>
    %slice3A_45 = vector.extract_strided_slice %add3A_14 {offsets = [0, 128], sizes = [1000, 128], strides = [1, 1]} : vector<1000x256xf32> to vector<1000x128xf32>
    %bitcast_convert_type3A_46 = tpu.bitcast %slice3A_44 : vector<1000x128xf32> -> vector<1000x128xi32>
    %bitcast_convert_type3A_47 = tpu.bitcast %slice3A_45 : vector<1000x128xf32> -> vector<1000x128xi32>
    %add3A_48 = arith.constant 32767 : i32
    %add3A_49 = vector.broadcast %add3A_48 : i32 to vector<1000x128xi32>
    %add3A_50 = arith.addi %bitcast_convert_type3A_46, %add3A_49 : vector<1000x128xi32>
    %shift_right_logical3A_51 = arith.constant 16 : i32
    %shift_right_logical3A_52 = vector.broadcast %shift_right_logical3A_51 : i32 to vector<1000x128xi32>
    %shift_right_logical3A_53 = arith.shrui %bitcast_convert_type3A_46, %shift_right_logical3A_52 : vector<1000x128xi32>
    %and3A_54 = arith.constant 1 : i32
    %and3A_55 = vector.broadcast %and3A_54 : i32 to vector<1000x128xi32>
    %and3A_56 = arith.andi %shift_right_logical3A_53, %and3A_55 : vector<1000x128xi32>
    %add3A_57 = arith.addi %add3A_50, %and3A_56 : vector<1000x128xi32>
    %shift_right_logical3A_58 = arith.constant 16 : i32
    %shift_right_logical3A_59 = vector.broadcast %shift_right_logical3A_58 : i32 to vector<1000x128xi32>
    %shift_right_logical3A_60 = arith.shrui %add3A_57, %shift_right_logical3A_59 : vector<1000x128xi32>
    %add3A_61 = arith.constant 32767 : i32
    %add3A_62 = vector.broadcast %add3A_61 : i32 to vector<1000x128xi32>
    %add3A_63 = arith.addi %bitcast_convert_type3A_47, %add3A_62 : vector<1000x128xi32>
    %shift_right_logical3A_64 = arith.constant 16 : i32
    %shift_right_logical3A_65 = vector.broadcast %shift_right_logical3A_64 : i32 to vector<1000x128xi32>
    %shift_right_logical3A_66 = arith.shrui %bitcast_convert_type3A_47, %shift_right_logical3A_65 : vector<1000x128xi32>
    %and3A_67 = arith.constant 1 : i32
    %and3A_68 = vector.broadcast %and3A_67 : i32 to vector<1000x128xi32>
    %and3A_69 = arith.andi %shift_right_logical3A_66, %and3A_68 : vector<1000x128xi32>
    %add3A_70 = arith.addi %add3A_63, %and3A_69 : vector<1000x128xi32>
    %and3A_71 = arith.constant -65536 : i32
    %and3A_72 = vector.broadcast %and3A_71 : i32 to vector<1000x128xi32>
    %and3A_73 = arith.andi %add3A_70, %and3A_72 : vector<1000x128xi32>
    %or3A_74 = arith.ori %shift_right_logical3A_60, %and3A_73 : vector<1000x128xi32>
    %bitcast_convert_type3A_75 = tpu.bitcast %or3A_74 : vector<1000x128xi32> -> vector<1000x128xi32>
    %swap3A_76 = arith.constant 0 : index
    %swap3A_77 = arith.constant 0 : index
    %swap3A_78 = vector.load %arg6[%swap3A_76, %swap3A_77] : memref<1000x128xi32, #tpu.memory_space<vmem>>, vector<1000x128xi32>
    tpu.vector_store %arg6[%swap3A_76, %swap3A_77], %bitcast_convert_type3A_75 {strides = array<i32>} : memref<1000x128xi32, #tpu.memory_space<vmem>>, vector<1000x128xi32>,
    return
  }
  func.func @transform_0(%arg0: i32) -> (i32, i32) {
    %c0_i32 = arith.constant 0 : i32
    %c0_i32_0 = arith.constant 0 : i32
    return %arg0, %c0_i32 : i32, i32
  }
  func.func @transform_1(%arg0: i32) -> (i32, i32) {
    %c0_i32 = arith.constant 0 : i32
    %c0_i32_0 = arith.constant 0 : i32
    %c0_i32_1 = arith.constant 0 : i32
    return %c0_i32, %c0_i32_0 : i32, i32
  }
  func.func @transform_2(%arg0: i32) -> (i32, i32) {
    %c0_i32 = arith.constant 0 : i32
    %c0_i32_0 = arith.constant 0 : i32
    %c0_i32_1 = arith.constant 0 : i32
    return %c0_i32, %c0_i32_0 : i32, i32
  }
  func.func @transform_3(%arg0: i32) -> (i32, i32) {
    %c0_i32 = arith.constant 0 : i32
    %c0_i32_0 = arith.constant 0 : i32
    %c0_i32_1 = arith.constant 0 : i32
    return %c0_i32, %c0_i32_0 : i32, i32
  }
  func.func @transform_4(%arg0: i32) -> (i32, i32) {
    %c0_i32 = arith.constant 0 : i32
    %c0_i32_0 = arith.constant 0 : i32
    return %arg0, %c0_i32 : i32, i32
  }
  func.func @transform_5(%arg0: i32) -> (i32, i32) {
    %c0_i32 = arith.constant 0 : i32
    %c0_i32_0 = arith.constant 0 : i32
    return %arg0, %c0_i32 : i32, i32
  }
}

module attributes {stable_mosaic.version = 14 : i64} {
  func.func @_stage3_body(%arg0: i32, %arg1: memref<1024x128xi32, #tpu.memory_space<vmem>>, %arg2: memref<1024x1xf32, #tpu.memory_space<vmem>>, %arg3: memref<1x256xf32, #tpu.memory_space<vmem>>, %arg4: memref<2x128x256xbf16, #tpu.memory_space<vmem>>, %arg5: memref<1x256xf32, #tpu.memory_space<vmem>>, %arg6: memref<2x1024x128xf32, #tpu.memory_space<vmem>>) attributes {dimension_semantics = [#tpu.dimension_semantics<arbitrary>], iteration_bounds = array<i64: 312>, scalar_prefetch = 0 : i64, scratch_operands = 0 : i64, tpu.core_type = #tpu.core_type<tc>, window_params = [{transform_indices = @transform_0, window_bounds = array<i64: 1024, 128>}, {transform_indices = @transform_1, window_bounds = array<i64: 1024, 1>}, {pipeline_mode = #tpu.pipeline_mode<synchronous>, transform_indices = @transform_2, window_bounds = array<i64: 1, 256>}, {pipeline_mode = #tpu.pipeline_mode<synchronous>, transform_indices = @transform_3, window_bounds = array<i64: 2, 128, 256>}, {pipeline_mode = #tpu.pipeline_mode<synchronous>, transform_indices = @transform_4, window_bounds = array<i64: 1, 256>}, {transform_indices = @transform_5, window_bounds = array<i64: 2, 1024, 128>}]} {
    %get3A = arith.constant 0 : index
    %get3A_0 = arith.constant 0 : index
    %get3A_1 = vector.load %arg1[%get3A, %get3A_0] : memref<1024x128xi32, #tpu.memory_space<vmem>>, vector<1024x128xi32>
    %bitcast_convert_type3A = tpu.bitcast %get3A_1 : vector<1024x128xi32> -> vector<1024x128xi32>
    %shift_left3A = arith.constant 16 : i32
    %shift_left3A_2 = vector.broadcast %shift_left3A : i32 to vector<1024x128xi32>
    %shift_left3A_3 = arith.shli %bitcast_convert_type3A, %shift_left3A_2 : vector<1024x128xi32>
    %bitcast_convert_type3A_4 = tpu.bitcast %shift_left3A_3 : vector<1024x128xi32> -> vector<1024x128xf32>
    %and3A = arith.constant -65536 : i32
    %and3A_5 = vector.broadcast %and3A : i32 to vector<1024x128xi32>
    %and3A_6 = arith.andi %bitcast_convert_type3A, %and3A_5 : vector<1024x128xi32>
    %bitcast_convert_type3A_7 = tpu.bitcast %and3A_6 : vector<1024x128xi32> -> vector<1024x128xf32>
    %get3A_8 = arith.constant 0 : index
    %get3A_9 = arith.constant 0 : index
    %get3A_10 = vector.load %arg2[%get3A_8, %get3A_9] : memref<1024x1xf32, #tpu.memory_space<vmem>>, vector<1024x1xf32>
    %get3A_11 = arith.constant 0 : index
    %get3A_12 = arith.constant 0 : index
    %get3A_13 = vector.load %arg3[%get3A_11, %get3A_12] : memref<1x256xf32, #tpu.memory_space<vmem>>, vector<1x256xf32>
    %slice3A = vector.extract_strided_slice %get3A_13 {offsets = [0, 0], sizes = [1, 128], strides = [1, 1]} : vector<1x256xf32> to vector<1x128xf32>
    %mul3A = vector.broadcast %get3A_10 : vector<1024x1xf32> to vector<1024x128xf32>
    %mul3A_14 = vector.broadcast %slice3A : vector<1x128xf32> to vector<1024x128xf32>
    %mul3A_15 = arith.mulf %mul3A, %mul3A_14 : vector<1024x128xf32>
    %add3A = arith.addf %bitcast_convert_type3A_4, %mul3A_15 : vector<1024x128xf32>
    %max3A = arith.constant 0.000000e+00 : f32
    %max3A_16 = vector.broadcast %max3A : f32 to vector<1024x128xf32>
    %max3A_17 = arith.maximumf %add3A, %max3A_16 : vector<1024x128xf32>
    %convert_element_type3A = arith.truncf %max3A_17 : vector<1024x128xf32> to vector<1024x128xbf16>
    %slice3A_18 = vector.extract_strided_slice %get3A_13 {offsets = [0, 128], sizes = [1, 128], strides = [1, 1]} : vector<1x256xf32> to vector<1x128xf32>
    %mul3A_19 = vector.broadcast %get3A_10 : vector<1024x1xf32> to vector<1024x128xf32>
    %mul3A_20 = vector.broadcast %slice3A_18 : vector<1x128xf32> to vector<1024x128xf32>
    %mul3A_21 = arith.mulf %mul3A_19, %mul3A_20 : vector<1024x128xf32>
    %add3A_22 = arith.addf %bitcast_convert_type3A_7, %mul3A_21 : vector<1024x128xf32>
    %max3A_23 = arith.constant 0.000000e+00 : f32
    %max3A_24 = vector.broadcast %max3A_23 : f32 to vector<1024x128xf32>
    %max3A_25 = arith.maximumf %add3A_22, %max3A_24 : vector<1024x128xf32>
    %convert_element_type3A_26 = arith.truncf %max3A_25 : vector<1024x128xf32> to vector<1024x128xbf16>
    %get3A_27 = arith.constant 0 : index
    %get3A_28 = arith.constant 0 : index
    %get3A_29 = arith.constant 0 : index
    %get3A_30 = vector.load %arg4[%get3A_27, %get3A_28, %get3A_29] : memref<2x128x256xbf16, #tpu.memory_space<vmem>>, vector<1x128x256xbf16>
    %get3A_31 = vector.shape_cast %get3A_30 : vector<1x128x256xbf16> to vector<128x256xbf16>
    %dot_general3A = arith.constant dense<0.000000e+00> : vector<1024x256xf32>
    %dot_general3A_32 = tpu.matmul %convert_element_type3A, %get3A_31, %dot_general3A {dimension_numbers = #tpu.dot_dimension_numbers<[1], [0], [0], [1], [0, 0, 1, 1], [], []>, transpose_lhs_hint = false} : vector<1024x128xbf16>, vector<128x256xbf16>, vector<1024x256xf32> -> vector<1024x256xf32>
    %get3A_33 = arith.constant 1 : index
    %get3A_34 = arith.constant 0 : index
    %get3A_35 = arith.constant 0 : index
    %get3A_36 = vector.load %arg4[%get3A_33, %get3A_34, %get3A_35] : memref<2x128x256xbf16, #tpu.memory_space<vmem>>, vector<1x128x256xbf16>
    %get3A_37 = vector.shape_cast %get3A_36 : vector<1x128x256xbf16> to vector<128x256xbf16>
    %dot_general3A_38 = arith.constant dense<0.000000e+00> : vector<1024x256xf32>
    %dot_general3A_39 = tpu.matmul %convert_element_type3A_26, %get3A_37, %dot_general3A_38 {dimension_numbers = #tpu.dot_dimension_numbers<[1], [0], [0], [1], [0, 0, 1, 1], [], []>, transpose_lhs_hint = false} : vector<1024x128xbf16>, vector<128x256xbf16>, vector<1024x256xf32> -> vector<1024x256xf32>
    %add3A_40 = arith.addf %dot_general3A_32, %dot_general3A_39 : vector<1024x256xf32>
    %get3A_41 = arith.constant 0 : index
    %get3A_42 = arith.constant 0 : index
    %get3A_43 = vector.load %arg5[%get3A_41, %get3A_42] : memref<1x256xf32, #tpu.memory_space<vmem>>, vector<1x256xf32>
    %add3A_44 = vector.broadcast %get3A_43 : vector<1x256xf32> to vector<1024x256xf32>
    %add3A_45 = arith.addf %add3A_40, %add3A_44 : vector<1024x256xf32>
    %max3A_46 = arith.constant 0.000000e+00 : f32
    %max3A_47 = vector.broadcast %max3A_46 : f32 to vector<1024x256xf32>
    %max3A_48 = arith.maximumf %add3A_45, %max3A_47 : vector<1024x256xf32>
    %slice3A_49 = vector.extract_strided_slice %max3A_48 {offsets = [0, 0], sizes = [1024, 128], strides = [1, 1]} : vector<1024x256xf32> to vector<1024x128xf32>
    %swap3A = arith.constant 0 : index
    %swap3A_50 = arith.constant 0 : index
    %swap3A_51 = arith.constant 0 : index
    %swap3A_52 = vector.load %arg6[%swap3A, %swap3A_50, %swap3A_51] : memref<2x1024x128xf32, #tpu.memory_space<vmem>>, vector<1x1024x128xf32>
    %swap3A_53 = vector.shape_cast %swap3A_52 : vector<1x1024x128xf32> to vector<1024x128xf32>
    %swap3A_54 = vector.shape_cast %slice3A_49 : vector<1024x128xf32> to vector<1x1024x128xf32>
    tpu.vector_store %arg6[%swap3A, %swap3A_50, %swap3A_51], %swap3A_54 {strides = array<i32>} : memref<2x1024x128xf32, #tpu.memory_space<vmem>>, vector<1x1024x128xf32>,
    %slice3A_55 = vector.extract_strided_slice %max3A_48 {offsets = [0, 128], sizes = [1024, 128], strides = [1, 1]} : vector<1024x256xf32> to vector<1024x128xf32>
    %swap3A_56 = arith.constant 1 : index
    %swap3A_57 = arith.constant 0 : index
    %swap3A_58 = arith.constant 0 : index
    %swap3A_59 = vector.load %arg6[%swap3A_56, %swap3A_57, %swap3A_58] : memref<2x1024x128xf32, #tpu.memory_space<vmem>>, vector<1x1024x128xf32>
    %swap3A_60 = vector.shape_cast %swap3A_59 : vector<1x1024x128xf32> to vector<1024x128xf32>
    %swap3A_61 = vector.shape_cast %slice3A_55 : vector<1024x128xf32> to vector<1x1024x128xf32>
    tpu.vector_store %arg6[%swap3A_56, %swap3A_57, %swap3A_58], %swap3A_61 {strides = array<i32>} : memref<2x1024x128xf32, #tpu.memory_space<vmem>>, vector<1x1024x128xf32>,
    return
  }
  func.func @transform_0(%arg0: i32) -> (i32, i32) {
    %c0_i32 = arith.constant 0 : i32
    %c0_i32_0 = arith.constant 0 : i32
    return %arg0, %c0_i32 : i32, i32
  }
  func.func @transform_1(%arg0: i32) -> (i32, i32) {
    %c0_i32 = arith.constant 0 : i32
    %c0_i32_0 = arith.constant 0 : i32
    return %arg0, %c0_i32 : i32, i32
  }
  func.func @transform_2(%arg0: i32) -> (i32, i32) {
    %c0_i32 = arith.constant 0 : i32
    %c0_i32_0 = arith.constant 0 : i32
    %c0_i32_1 = arith.constant 0 : i32
    return %c0_i32, %c0_i32_0 : i32, i32
  }
  func.func @transform_3(%arg0: i32) -> (i32, i32, i32) {
    %c0_i32 = arith.constant 0 : i32
    %c0_i32_0 = arith.constant 0 : i32
    %c0_i32_1 = arith.constant 0 : i32
    %c0_i32_2 = arith.constant 0 : i32
    return %c0_i32, %c0_i32_0, %c0_i32_1 : i32, i32, i32
  }
  func.func @transform_4(%arg0: i32) -> (i32, i32) {
    %c0_i32 = arith.constant 0 : i32
    %c0_i32_0 = arith.constant 0 : i32
    %c0_i32_1 = arith.constant 0 : i32
    return %c0_i32, %c0_i32_0 : i32, i32
  }
  func.func @transform_5(%arg0: i32) -> (i32, i32, i32) {
    %c0_i32 = arith.constant 0 : i32
    %c0_i32_0 = arith.constant 0 : i32
    %c0_i32_1 = arith.constant 0 : i32
    return %c0_i32, %arg0, %c0_i32_0 : i32, i32, i32
  }
}

module attributes {stable_mosaic.version = 14 : i64} {
  func.func @_stage5_body(%arg0: i32, %arg1: memref<2x1000x128xf32, #tpu.memory_space<vmem>>, %arg2: memref<1000x128xf32, #tpu.memory_space<vmem>>, %arg3: memref<2x128x128xf32, #tpu.memory_space<vmem>>, %arg4: memref<1x128xf32, #tpu.memory_space<vmem>>, %arg5: memref<1000x128xf32, #tpu.memory_space<vmem>>) attributes {dimension_semantics = [#tpu.dimension_semantics<arbitrary>], iteration_bounds = array<i64: 10>, scalar_prefetch = 0 : i64, scratch_operands = 0 : i64, tpu.core_type = #tpu.core_type<tc>, window_params = [{transform_indices = @transform_0, window_bounds = array<i64: 2, 1000, 128>}, {transform_indices = @transform_1, window_bounds = array<i64: 1000, 128>}, {pipeline_mode = #tpu.pipeline_mode<synchronous>, transform_indices = @transform_2, window_bounds = array<i64: 2, 128, 128>}, {pipeline_mode = #tpu.pipeline_mode<synchronous>, transform_indices = @transform_3, window_bounds = array<i64: 1, 128>}, {transform_indices = @transform_4, window_bounds = array<i64: 1000, 128>}]} {
    %get3A = arith.constant 0 : index
    %get3A_0 = arith.constant 0 : index
    %get3A_1 = arith.constant 0 : index
    %get3A_2 = vector.load %arg1[%get3A, %get3A_0, %get3A_1] : memref<2x1000x128xf32, #tpu.memory_space<vmem>>, vector<1x1000x128xf32>
    %get3A_3 = vector.shape_cast %get3A_2 : vector<1x1000x128xf32> to vector<1000x128xf32>
    %get3A_4 = arith.constant 0 : index
    %get3A_5 = arith.constant 0 : index
    %get3A_6 = arith.constant 0 : index
    %get3A_7 = vector.load %arg3[%get3A_4, %get3A_5, %get3A_6] : memref<2x128x128xf32, #tpu.memory_space<vmem>>, vector<1x128x128xf32>
    %get3A_8 = vector.shape_cast %get3A_7 : vector<1x128x128xf32> to vector<128x128xf32>
    %dot_general3A = arith.constant dense<0.000000e+00> : vector<1000x128xf32>
    %dot_general3A_9 = tpu.matmul %get3A_3, %get3A_8, %dot_general3A {dimension_numbers = #tpu.dot_dimension_numbers<[1], [0], [0], [1], [0, 0, 1, 1], [], []>, transpose_lhs_hint = false} : vector<1000x128xf32>, vector<128x128xf32>, vector<1000x128xf32> -> vector<1000x128xf32>
    %get3A_10 = arith.constant 1 : index
    %get3A_11 = arith.constant 0 : index
    %get3A_12 = arith.constant 0 : index
    %get3A_13 = vector.load %arg1[%get3A_10, %get3A_11, %get3A_12] : memref<2x1000x128xf32, #tpu.memory_space<vmem>>, vector<1x1000x128xf32>
    %get3A_14 = vector.shape_cast %get3A_13 : vector<1x1000x128xf32> to vector<1000x128xf32>
    %get3A_15 = arith.constant 1 : index
    %get3A_16 = arith.constant 0 : index
    %get3A_17 = arith.constant 0 : index
    %get3A_18 = vector.load %arg3[%get3A_15, %get3A_16, %get3A_17] : memref<2x128x128xf32, #tpu.memory_space<vmem>>, vector<1x128x128xf32>
    %get3A_19 = vector.shape_cast %get3A_18 : vector<1x128x128xf32> to vector<128x128xf32>
    %dot_general3A_20 = arith.constant dense<0.000000e+00> : vector<1000x128xf32>
    %dot_general3A_21 = tpu.matmul %get3A_14, %get3A_19, %dot_general3A_20 {dimension_numbers = #tpu.dot_dimension_numbers<[1], [0], [0], [1], [0, 0, 1, 1], [], []>, transpose_lhs_hint = false} : vector<1000x128xf32>, vector<128x128xf32>, vector<1000x128xf32> -> vector<1000x128xf32>
    %add3A = arith.addf %dot_general3A_9, %dot_general3A_21 : vector<1000x128xf32>
    %get3A_22 = arith.constant 0 : index
    %get3A_23 = arith.constant 0 : index
    %get3A_24 = vector.load %arg4[%get3A_22, %get3A_23] : memref<1x128xf32, #tpu.memory_space<vmem>>, vector<1x128xf32>
    %add3A_25 = vector.broadcast %get3A_24 : vector<1x128xf32> to vector<1000x128xf32>
    %add3A_26 = arith.addf %add3A, %add3A_25 : vector<1000x128xf32>
    %get3A_27 = arith.constant 0 : index
    %get3A_28 = arith.constant 0 : index
    %get3A_29 = vector.load %arg2[%get3A_27, %get3A_28] : memref<1000x128xf32, #tpu.memory_space<vmem>>, vector<1000x128xf32>
    %max3A = arith.constant 0.000000e+00 : f32
    %max3A_30 = vector.broadcast %max3A : f32 to vector<1000x128xf32>
    %max3A_31 = arith.maximumf %add3A_26, %max3A_30 : vector<1000x128xf32>
    %add3A_32 = arith.addf %get3A_29, %max3A_31 : vector<1000x128xf32>
    %swap3A = arith.constant 0 : index
    %swap3A_33 = arith.constant 0 : index
    %swap3A_34 = vector.load %arg5[%swap3A, %swap3A_33] : memref<1000x128xf32, #tpu.memory_space<vmem>>, vector<1000x128xf32>
    tpu.vector_store %arg5[%swap3A, %swap3A_33], %add3A_32 {strides = array<i32>} : memref<1000x128xf32, #tpu.memory_space<vmem>>, vector<1000x128xf32>,
    return
  }
  func.func @transform_0(%arg0: i32) -> (i32, i32, i32) {
    %c0_i32 = arith.constant 0 : i32
    %c0_i32_0 = arith.constant 0 : i32
    %c0_i32_1 = arith.constant 0 : i32
    return %c0_i32, %arg0, %c0_i32_0 : i32, i32, i32
  }
  func.func @transform_1(%arg0: i32) -> (i32, i32) {
    %c0_i32 = arith.constant 0 : i32
    %c0_i32_0 = arith.constant 0 : i32
    return %arg0, %c0_i32 : i32, i32
  }
  func.func @transform_2(%arg0: i32) -> (i32, i32, i32) {
    %c0_i32 = arith.constant 0 : i32
    %c0_i32_0 = arith.constant 0 : i32
    %c0_i32_1 = arith.constant 0 : i32
    %c0_i32_2 = arith.constant 0 : i32
    return %c0_i32, %c0_i32_0, %c0_i32_1 : i32, i32, i32
  }
  func.func @transform_3(%arg0: i32) -> (i32, i32) {
    %c0_i32 = arith.constant 0 : i32
    %c0_i32_0 = arith.constant 0 : i32
    %c0_i32_1 = arith.constant 0 : i32
    return %c0_i32, %c0_i32_0 : i32, i32
  }
  func.func @transform_4(%arg0: i32) -> (i32, i32) {
    %c0_i32 = arith.constant 0 : i32
    %c0_i32_0 = arith.constant 0 : i32
    return %arg0, %c0_i32 : i32, i32
  }
}

</mosaic_0001>

<sc_bundles>
// kernel: kernel.10.cloned.1.call-start
scs
__scs_entry_jumppad:
0x0: {  	(pc) =	sbr.rel $0x88, $3  }
0x1: {  	(tag) =	ssettag $0x0;
	lr =	simm.s32 $0x1  }
0x2: {  	[smem:$0x3F98] =	sst lr;
	_ =	strace $0xD0000000  }
0x3: {  	_ = 	snop  }
0x4: {  	_ = 	snop  }
0x5: {  	_ = 	snop  }
0x6: {  	_ = 	snop  }
0x7: {  	_ = 	snop  }
__scs_overlays_trampoline_lowered:
0x8: {  	[smem:$0x3FA7] =	sst s0  }
0x9: {  	[smem:$0x3FA8] =	sst s1  }
0xa: {  	[smem:$0x3FA9] =	sst s2  }
0xb: {  	[smem:$0x3FAA] =	sst s3  }
0xc: {  	[smem:$0x3FAB] =	sst s4  }
0xd: {  	[smem:$0x3FAC] =	sst s5  }
0xe: {  	[smem:$0x3FAD] =	sst s6  }
0xf: {  	[smem:$0x3FAE] =	sst s7  }
0x10: {  	[smem:$0x3FAF] =	sst s8  }
0x11: {  	[smem:$0x3FB0] =	sst s9;
	s0 =	simm.s32 @!p0 $0x0  }
0x12: {  	s1 =	sld [smem:$0x3F96];
	s0 =	simm.s32 @p0 $0x1  }
0x13: {  	[smem:$0x3FB1] =	sst s0;
	s0 =	simm.s32 @!p1 $0x0  }
0x14: {  	s2 =	sld [smem:$0x3F95];
	s0 =	simm.s32 @p1 $0x1  }
0x15: {  	[smem:$0x3FB2] =	sst s0;
	s0 =	simm.s32 @!p2 $0x0  }
0x16: {  	s3 =	sld [smem:$0x3FDB];
	s0 =	simm.s32 @p2 $0x1  }
0x17: {  	s4 =	simm.s32 $0x1BF5;
	[smem:$0x3FB4] =	sst s0  }
0x18: {  	s0 =	sld [smem:$0x3F97];
	_ =	swait.ge [sflag:s4], $0x0  }
0x19: {  	s7 =	sld [smem:$0x3F98]  }
0x1a: {  	s8 =	sadd.s32 $0xFFFFE003, lr  }
0x1b: {  	s9 =	sadd.s32 $0xFFFFFEF7, lr;
	s5 =	simm.s32 $0xFFFFFFFF;
	p2 =	slt.u32 s8, $0xFFFFF086  }
0x1c: {  	p1 =	slt.u32 s9, $0xF7A;
	s5 =	simm.s32 @!p2 $0x0  }
0x1d: {  	s5 =	simm.s32 @p1 $0x1;
	p0 =	seq.s32 s7, s2  }
0x1e: {  	s7 =	smul.u32 @!p0 $0xF7A, s2;
	p2 =	seq.s32 @!p0 s5, $0x0  }
0x1f: {  	s9 =	smul.u32 $0xF7A, s1;
	s8 =	simm.s32 @!p0 $0x1BF5;
	p2 =	por !p2, p0  }
0x20: {  	[sflag:s8] =	ssyncset.s32 @!p0 $0xFFFFF086;
	s6 =	sadd.s32 @!p0 s3, s7;
	s7 =	simm.s32 @!p0 $0x108  }
0x21: {  	s3 =	sadd.s32 s3, s9;
	s6 =	sadd.s32 @!p0 $0x88, s6;
	s7 =	simm.s32 @p2 $0x1082  }
0x22: {  	[simem:s7], [sflag:s8] =	dma.local @!p0 [hbm:s6], $0xF7A  }
0x23: {  	s9 =	sor.u32 $0xD0000000, s2;
	s6 =	simm.s32 $0x108;
	_ =	swait.ge @!p0 [sflag:s8], $0x0  }
0x24: {  	s3 =	sadd.s32 $0x88, s3;
	s6 =	simm.s32 @!p1 $0x1082;
	[sflag:s4] =	ssyncset.s32 $0xFFFFF086  }
0x25: {  	[simem:s6], [sflag:s4] =	dma.local [hbm:s3], $0xF7A  }
0x26: {  	[smem:$0x3F98] =	sst s1;
	(tag) =	ssettag s2;
	_ =	strace s9  }
0x27: {  	s1 =	sld [smem:$0x3FA8]  }
0x28: {  	s2 =	sld [smem:$0x3FA9]  }
0x29: {  	s4 =	sld [smem:$0x3FAB]  }
0x2a: {  	p0 =	seq.s32 s5, $0x0;
	s5 =	sld [smem:$0x3FAC]  }
0x2b: {  	s6 =	sld [smem:$0x3FAD]  }
0x2c: {  	s7 =	sld [smem:$0x3FAE]  }
0x2d: {  	s3 =	simm.s32 $0x108;
	s8 =	sld [smem:$0x3FAF]  }
0x2e: {  	s3 =	simm.s32 @!p0 $0x1082;
	s9 =	sld [smem:$0x3FB0]  }
0x2f: {  	lr =	sadd.s32 s0, s3;
	s0 =	sld [smem:$0x3FA7]  }
0x30: {  	s3 =	sld [smem:$0x3FAA]  }
0x31: {  	[smem:$0x3FB3] =	sst s10  }
0x32: {  	s10 =	sld [smem:$0x3FB1];
	_ =	sdelay $0x3  }
0x33: {  	p0 =	seq.s32 s10, $0x1;
	s10 =	sld [smem:$0x3FB3];
	_ =	sdelay $0x3  }
0x34: {  	[smem:$0x3FB3] =	sst s10  }
0x35: {  	s10 =	sld [smem:$0x3FB2];
	_ =	sdelay $0x3  }
0x36: {  	p1 =	seq.s32 s10, $0x1;
	s10 =	sld [smem:$0x3FB3];
	_ =	sdelay $0x3  }
0x37: {  	[smem:$0x3FB3] =	sst s10  }
0x38: {  	s10 =	sld [smem:$0x3FB4]  }
0x39: {  	_ = 	snop;
	(pc) =	sbr.ind lr, $3  }
0x3a: {  	_ = 	snop  }
0x3b: {  	_ = 	snop  }
0x3c: {  	p2 =	seq.s32 s10, $0x1;
	s10 =	sld [smem:$0x3FB3]  }
0x3d: {  	_ =	shalt  }
0x3e: {  	_ =	shalt  }
0x3f: {  	_ =	shalt  }
0x40: {  	_ =	shalt  }
0x41: {  	_ =	shalt  }
0x42: {  	_ =	shalt  }
0x43: {  	_ =	shalt  }
0x44: {  	_ =	shalt  }
0x45: {  	_ =	shalt  }
0x46: {  	_ =	shalt  }
0x47: {  	_ =	shalt  }
0x48: {  	_ =	shalt  }
0x49: {  	_ =	shalt  }
0x4a: {  	_ =	shalt  }
0x4b: {  	_ =	shalt  }
0x4c: {  	_ =	shalt  }
0x4d: {  	_ =	shalt  }
0x4e: {  	_ =	shalt  }
0x4f: {  	_ =	shalt  }
0x50: {  	_ =	shalt  }
0x51: {  	_ =	shalt  }
0x52: {  	_ =	shalt  }
0x53: {  	_ =	shalt  }
0x54: {  	_ =	shalt  }
0x55: {  	_ =	shalt  }
0x56: {  	_ =	shalt  }
0x57: {  	_ =	shalt  }
0x58: {  	_ =	shalt  }
0x59: {  	_ =	shalt  }
0x5a: {  	_ =	shalt  }
0x5b: {  	_ =	shalt  }
0x5c: {  	_ =	shalt  }
0x5d: {  	_ =	shalt  }
0x5e: {  	_ =	shalt  }
0x5f: {  	_ =	shalt  }
0x60: {  	_ =	shalt  }
0x61: {  	_ =	shalt  }
0x62: {  	_ =	shalt  }
0x63: {  	_ =	shalt  }
0x64: {  	_ =	shalt  }
0x65: {  	_ =	shalt  }
0x66: {  	_ =	shalt  }
0x67: {  	_ =	shalt  }
0x68: {  	_ =	shalt  }
0x69: {  	_ =	shalt  }
0x6a: {  	_ =	shalt  }
0x6b: {  	_ =	shalt  }
0x6c: {  	_ =	shalt  }
0x6d: {  	_ =	shalt  }
0x6e: {  	_ =	shalt  }
0x6f: {  	_ =	shalt  }
0x70: {  	_ =	shalt  }
0x71: {  	_ =	shalt  }
0x72: {  	_ =	shalt  }
0x73: {  	_ =	shalt  }
0x74: {  	_ =	shalt  }
0x75: {  	_ =	shalt  }
0x76: {  	_ =	shalt  }
0x77: {  	_ =	shalt  }
0x78: {  	_ =	shalt  }
0x79: {  	_ =	shalt  }
0x7a: {  	_ =	shalt  }
0x7b: {  	_ =	shalt  }
0x7c: {  	_ =	shalt  }
0x7d: {  	_ =	shalt  }
0x7e: {  	_ =	shalt  }
0x7f: {  	_ =	shalt  }
0x80: {  	_ =	shalt  }
0x81: {  	_ =	shalt  }
0x82: {  	_ =	shalt  }
0x83: {  	_ =	shalt  }
0x84: {  	_ =	shalt  }
0x85: {  	_ =	shalt  }
0x86: {  	_ =	shalt  }
0x87: {  	_ =	shalt  }
.Lfunc_end0:
.L_simem_size_0:
called_computation.1_lowered:
.L_overlay_start_0:
0x88: {  	s2 =	sld [smem:$0x3FD9]  }
0x89: {  	s3 =	sld [smem:$0x3FFE];
	_ =	sdelay $0x1  }
0x8a: {  	s1 =	srdreg.scid  }
0x8b: {  	s0 =	sand.u32 $0x1, s1  }
0x8c: {  	s16 =	sshll.u32 s0, $0xA;
	s2 =	sadd.s32 s3, s2  }
0x8d: {  	s2 =	sadd.s32 s2, s16  }
0x8e: {  	[smem:$0x3FBF] =	sst s2  }
0x8f: {  	_ = 	snop  }
0x90: {  	(tm) =	ssettm $0x1  }
0x91: {  	s17 =	sld [smem:$0x3FFB];
	_ =	sdelay $0x3  }
0x92: {  	_ =	strace s17  }
0x93: {  	s2 =	sld [smem:$0x3FFC];
	_ =	sdelay $0x3  }
0x94: {  	_ =	strace s2  }
0x95: {  	s2 =	sld [smem:$0x3FFD];
	_ =	sdelay $0x3  }
0x96: {  	_ =	strace s2  }
0x97: {  	_ =	strace $0x8FFFFFFF  }
0x98: {  	s18 =	sld [smem:$0x3FDB];
	_ =	sdelay $0x1  }
0x99: {  	s19 =	simm.s32 $_scs_section_size  }
0x9a: {  	s4 =	simm.s32 $_size__tile_overlayer_lowered;
	s5 =	simm.s32 $_tile_overlayer_lowered  }
0x9b: {  	s22 =	simm.s32 $0x1BFF;
	s21 =	sshll.u32 s5, $0x1;
	s2 =	sadd.s32 s19, s18  }
0x9c: {  	s6 =	simm.s32 $0x0;
	s20 =	sshll.u32 s4, $0x1;
	s4 =	sadd.s32 s21, s2  }
0x9d: {  	[timem:s6], [sflag:s22] =	dma.local [hbm:s4], s20  }
0x9e: {  	_ =	swait.ge [sflag:s22], s20  }
0x9f: {  	s3 =	ssub.s32 $0x0, s20;
	[sflag:s22] =	ssyncset.done $0x0  }
0xa0: {  	[sflag:s22] =	ssyncadd.s32 s3;
	_ =	sdelay $0x1  }
0xa1: {  	s23 =	simm.s32 $0x1B8B  }
0xa2: {  	_ =	swait.ge [sflag:s23], $0x1  }
0xa3: {  	[sflag:s23] =	ssyncset.done $0x0  }
0xa4: {  	s25 =	simm.s32 $0x1B8E;
	s24 =	sld [smem:$0x3FFE];
	[sflag:s23] =	ssyncadd.s32 $0xFFFFFFFF  }
0xa5: {  	s26 =	simm.s32 $execute0_lowered;
	[smem:$0x3FD2] =	sst s25  }
0xa6: {  	s4 =	sshll.u32 s26, $0x1;
	_ =	strace $0x80000049;
	[dreg:$0x1] =	wrdreg $0xFFFFFFFF  }
0xa7: {  	s28 =	simm.s32 $_size_execute0_lowered;
	s2 =	sadd.s32 s2, s4;
	[dreg:$0x0] =	wrdreg $0x0  }
0xa8: {  	s4 =	sshll.u32 s28, $0x1;
	[dreg:$0x2] =	wrdreg s2  }
0xa9: {  	[dreg:$0x3] =	wrdreg s4  }
0xaa: {  	[dreg:$0x4] =	wrdreg $0xC0  }
0xab: {  	_ =	task [dreg:s6], $0x5FFFF  }
0xac: {  	[dreg:$0x1] =	wrdreg $0xFFFFFFFF  }
0xad: {  	[dreg:$0x0] =	wrdreg $0x60  }
0xae: {  	[dreg:$0x2] =	wrdreg s24  }
0xaf: {  	[dreg:$0x3] =	wrdreg $0x98000  }
0xb0: {  	[dreg:$0x4] =	wrdreg $0x9  }
0xb1: {  	_ =	task.clear_ibuf [dreg:s6], $0x5FFFF;
	_ =	strace $0x90000049  }
0xb2: {  	s29 =	simm.s32 $0x9;
	_ =	strace $0x8000004B  }
0xb3: {  	_ =	swait.ge [sflag:s29], $0x1  }
0xb4: {  	[sflag:s29] =	ssyncadd.s32 $0xFFFFFFFF  }
0xb5: {  	_ =	strace $0x9000004B  }
0xb6: {  	_ =	sfence  }
0xb7: {  	s30 =	sld [smem:$0x0];
	_ =	sdelay $0x2  }
0xb8: {  	s31 =	sshll.u32 s1, $0xD;
	s1 =	sshrl.u32 s1, $0x2  }
0xb9: {  	s3 =	sand.u32 $0x4000, s31;
	s1 =	sadd.s32 s1, s30  }
0xba: {  	s0 =	sor.u32 s3, s0;
	s1 =	sshll.u32 s1, $0x11  }
0xbb: {  	s0 =	sor.u32 s1, s0  }
0xbc: {  	s0 =	sadd.s32 $0x8F2B, s0  }
0xbd: {  	[sflag:s0] =	ssyncadd.remote.s32 $0x1  }
0xbe: {  	_ =	sfence.sel $0xFFFF  }
0xbf: {  	[dreg:$0x0] =	wrdreg $0xFFFFFFFF;
	(pc) =	sbr.abs _section_cstart, $3  }
0xc0: {  	[dreg:$0x1] =	wrdreg $0xFFFFFFFF  }
0xc1: {  	_ =	task.clear_ibuf [dreg:s6], $0x2FFFF;
	_ =	strace $0x9FFFFFFF  }
0xc2: {  	(tm) =	ssettm $0x7FFFFFFF  }
0xc3: {  	_ =	shalt  }
tec
execute0_lowered:
.L_overlay_start_1:
0x0: {  	(tag) =	ssettag $0x1  }
0x1: {  	s0 =	rddreg [dreg:$0x0]  }
0x2: {  	s1 =	rddreg [dreg:$0x1];
	s3 =	simm.s32 $0x0;
	s2 =	stileid.u32  }
0x3: {  	s5 =	srdreg.scid;
	s31 =	simm.s32 $0x3C80;
	[smem:$0x7FF] =	sst s3  }
0x4: {  	s4 =	sadd.s32 $0xA1AA00, s0;
	s5 =	sand.u32 $0x1, s5;
	s6 =	smul.u32 $0x4E000, s2  }
0x5: {  	s7 =	sshll.u32 s2, $0xC;
	s11 =	smul.u32 $0x271000, s2;
	s12 =	sadd.s32 $0x124800, s1  }
0x6: {  	s22 =	smul.u32 $0x13800, s2;
	p0 =	seq.s32 s2, $0xF;
	_ =	strace $0x8000004A  }
0x7: {  	s8 =	ssub.s32 $0x2, s5;
	s9 =	smul.u32 $0x2710000, s5;
	s10 =	sadd.s32 s7, s0  }
0x8: {  	s0 =	sadd.s32 $0x538A00, s0;
	s20 =	smul.u32 $0x138800, s5;
	s19 =	sshrl.u32 s8, $0x1  }
0x9: {  	s21 =	sshrl.u32 s6, $0x2;
	s6 =	sadd.s32 $0x528A00, s10;
	s13 =	ssub.s32 s8, s19  }
0xa: {  	s17 =	sadd.s32 s11, s9;
	s5 =	sadd.s32 s21, s1;
	s9 =	sadd.s32 s22, s20  }
0xb: {  	s24 =	sshrl.u32 s20, $0x3;
	s8 =	sadd.s32 $0x529200, s10;
	s20 =	simm.s32 $0x9000  }
0xc: {  	s21 =	simm.s32 $0x3;
	s22 =	simm.s32 $0x4000;
	s23 =	sshrl.u32 s17, $0x3  }
0xd: {  	s25 =	sshrl.u32 s9, $0x3;
	s11 =	sadd.s32 s0, s24;
	s13 =	smax.u32 s13, $0x1  }
0xe: {  	s26 =	sadd.s32 $0x2800, s17;
	s28 =	sadd.s32 $0x145000, s17;
	s18 =	sadd.s32 $0x142800, s17  }
0xf: {  	s30 =	sadd.s32 $0x5000, s17;
	s24 =	simm.s32 $0x6800;
	s7 =	sadd.s32 s4, s23  }
0x10: {  	s10 =	sadd.s32 s0, s25;
	s11 =	sadd.s32 $0x24900, s11;
	s0 =	sshrl.u32 s26, $0x3  }
0x11: {  	s29 =	sshrl.u32 s18, $0x3;
	s23 =	simm.s32 $0x1;
	s25 =	simm.s32 $0x50  }
0x12: {  	s26 =	simm.s32 $0x2;
	s9 =	sadd.s32 $0x28000, s7;
	s14 =	sadd.s32 $0x27B00, s7  }
0x13: {  	s15 =	sadd.s32 $0x4DD00, s7;
	s16 =	sadd.s32 s0, s4;
	s0 =	sshrl.u32 s28, $0x3  }
0x14: {  	v0 =	vimm.f32 $0.0e+00;
	s19 =	sadd.s32 s29, s4;
	s18 =	sadd.s32 s0, s4;
	s0 =	simm.s32 $0x0  }
.LBB2_1:
0x15: {  	s17 =	simm.s32 $0x0;
	s28 =	simm.s32 $0x200  }
.LBB2_2:
0x16: {  	p1 =	sne.s32 s28, $0x1E00;
	[tilespmem:s17+$0x9070] =	vst v0  }
0x17: {  	[tilespmem:s17+$0x9000] =	vst v0  }
0x18: {  	[tilespmem:s17+$0x9010] =	vst v0  }
.Ltmp0:
0x19: {  	[tilespmem:s17+$0x9020] =	vst v0;
	(pc) =	sbr.rel @p1 .LBB2_2-.Ltmp0, $4  }
0x1a: {  	[tilespmem:s17+$0x9030] =	vst v0  }
0x1b: {  	[tilespmem:s17+$0x9040] =	vst v0  }
0x1c: {  	[tilespmem:s17+$0x9050] =	vst v0  }
0x1d: {  	[tilespmem:s17+$0x9060] =	vst v0;
	s17 =	sshra.s32 s28, $0x2;
	s28 =	sadd.s32 $0x200, s28  }
0x1e: {  	[tilespmem:s17+$0x9070] =	vst v0  }
0x1f: {  	[tilespmem:s17+$0x9000] =	vst v0  }
0x20: {  	[tilespmem:s17+$0x9010] =	vst v0  }
0x21: {  	[tilespmem:s17+$0x9020] =	vst v0  }
.Ltmp1:
0x22: {  	[tilespmem:s17+$0x9030] =	vst v0;
	(pc) =	sbr.rel @!p0 .LBB2_4-.Ltmp1, $4  }
0x23: {  	[tilespmem:s17+$0x9040] =	vst v0  }
0x24: {  	[tilespmem:s17+$0x9050] =	vst v0  }
0x25: {  	[tilespmem:s17+$0x9060] =	vst v0;
	s17 =	simm.s32 $0x0  }
0x26: {  	s28 =	sshra.s32 s17, $0x2  }
0x27: {  	s28 =	sadd.s32 s28, s12  }
0x28: {  	[spmem:s28] =	stream.linear.scatter [tilespmem:s20], [sflag:$0x3], $0x800, $0x38;
	[tilespmem:$0x1D080] =	vst v63  }
0x29: {  	s17 =	sadd.s32 $0x2000, s17;
	_ =	swait.ge [sflag:s21], $0x800  }
.LBB2_8:
0x2a: {  	s28 =	sshra.s32 s17, $0x2;
	[sflag:s21] =	ssyncset.done $0x0;
	p1 =	sne.s32 s17, $0x4E000  }
.Ltmp2:
0x2b: {  	s28 =	sadd.s32 s28, s12;
	[sflag:s21] =	ssyncadd.s32 $0xFFFFF800;
	(pc) =	sbr.rel @p1 .LBB2_8-.Ltmp2, $3  }
0x2c: {  	[spmem:s28] =	stream.linear.scatter [tilespmem:s20], [sflag:$0x3], $0x800, $0x38;
	[tilespmem:$0x1D080] =	vst v63  }
0x2d: {  	s17 =	sadd.s32 $0x2000, s17;
	_ =	sdelay $0x1  }
0x2e: {  	_ =	swait.ge [sflag:s21], $0x800  }
.Ltmp3:
0x2f: {  	(pc) =	sbr.rel .LBB2_10-.Ltmp3, $3  }
0x30: {  	_ =	sdelay $0x1  }
0x31: {  	[sflag:s21] =	ssyncset.done $0x0  }
0x32: {  	[sflag:s21] =	ssyncadd.s32 $0xFFFFF800  }
.LBB2_4:
0x33: {  	s28 =	sadd.s32 s28, s5  }
0x34: {  	[spmem:s28] =	stream.linear.scatter [tilespmem:s20], [sflag:$0x3], $0x800, $0x38;
	[tilespmem:$0x1D080] =	vst v63  }
0x35: {  	s17 =	sadd.s32 $0x2000, s17;
	_ =	swait.ge [sflag:s21], $0x800  }
.LBB2_5:
0x36: {  	s28 =	sshra.s32 s17, $0x2;
	[sflag:s21] =	ssyncset.done $0x0;
	p1 =	seq.s32 s17, $0x4C000  }
.Ltmp4:
0x37: {  	s28 =	sadd.s32 s28, s5;
	[sflag:s21] =	ssyncadd.s32 $0xFFFFF800;
	(pc) =	sbr.rel @!p1 .LBB2_5-.Ltmp4, $3  }
0x38: {  	[spmem:s28] =	stream.linear.scatter [tilespmem:s20], [sflag:$0x3], $0x800, $0x38;
	[tilespmem:$0x1D080] =	vst v63  }
0x39: {  	s17 =	sadd.s32 $0x2000, s17;
	_ =	sdelay $0x1  }
0x3a: {  	_ =	swait.ge [sflag:s21], $0x800  }
0x3b: {  	[sflag:s21] =	ssyncset.done $0x0  }
0x3c: {  	[sflag:s21] =	ssyncadd.s32 $0xFFFFF800  }
.LBB2_10:
0x3d: {  	[bflag:$0x0] =	sbarrier.arrive $0xFFFF;
	s28 =	simm.s32 $0x0  }
0x3e: {  	[tilespmem:s28], [sflag:$0x3] =	stream.linear.gather [hbm4b:s6+s28], $0x4000, $0x38;
	[tilespmem:$0x1D080] =	vst v63  }
0x3f: {  	_ =	swait.ge [sflag:s21], $0x4000  }
0x40: {  	[sflag:s21] =	ssyncset.done $0x0  }
0x41: {  	[sflag:s21] =	ssyncadd.s32 $0xFFFFC000  }
0x42: {  	[tilespmem:s22], [sflag:$0x1] =	stream.linear.gather [hbm4b:s7+s28], $0x2800, $0x38;
	[tilespmem:$0x1D080] =	vst v63  }
0x43: {  	_ =	swait.ge [sflag:s23], $0x2800  }
0x44: {  	[sflag:s23] =	ssyncset.done $0x0  }
0x45: {  	s17 =	sadd.s32 $0x0, s16;
	[sflag:s23] =	ssyncadd.s32 $0xFFFFD800  }
0x46: {  	[tilespmem:s24], [sflag:$0x2] =	stream.linear.gather [hbm4b:s17+s3], $0x2800, $0x38;
	[tilespmem:$0x1D080] =	vst v63  }
0x47: {  	_ = 	snop  }
0x48: {  	[spmem:s1] =	stream.indirect.scatter.add.f32 [tilespmem:s22], [sflag:$0x3], $0x80, s28, s25, $0xb8;
	[tilespmem:$0x1D080] =	vst v63  }
0x49: {  	_ =	swait.ge [sflag:s21], $0x2800  }
0x4a: {  	[sflag:s21] =	ssyncset.done $0x0  }
0x4b: {  	[sflag:s21] =	ssyncadd.s32 $0xFFFFD800  }
0x4c: {  	_ =	swait.ge [sflag:s26], $0x2800  }
0x4d: {  	s2 =	sshrl.u32 s30, $0x3;
	[sflag:s26] =	ssyncset.done $0x0  }
0x4e: {  	s17 =	sadd.s32 s4, s2;
	[sflag:s26] =	ssyncadd.s32 $0xFFFFD800  }
0x4f: {  	[tilespmem:s22], [sflag:$0x1] =	stream.linear.gather [hbm4b:s17+s3], $0x2800, $0x38;
	[tilespmem:$0x1D080] =	vst v63  }
0x50: {  	s2 =	simm.s32 $0x80  }
0x51: {  	[spmem:s1] =	stream.indirect.scatter.add.f32 [tilespmem:s24], [sflag:$0x3], $0x80, s2, s25, $0xb8;
	[tilespmem:$0x1D080] =	vst v63  }
0x52: {  	_ =	swait.ge [sflag:s21], $0x2800  }
0x53: {  	s29 =	simm.s32 $0xA00;
	s17 =	smov.u32 s30;
	[sflag:s21] =	ssyncset.done $0x0  }
.LBB2_11:
0x54: {  	[sflag:s21] =	ssyncadd.s32 $0xFFFFD800;
	s28 =	sadd.s32 $0x100, s28;
	s17 =	sadd.s32 $0x5000, s17  }
0x55: {  	p1 =	sne.s32 s29, $0x26C00;
	s2 =	smov.u32 s29;
	s29 =	sadd.s32 $0xA00, s29  }
0x56: {  	_ =	swait.ge [sflag:s23], $0x2800  }
0x57: {  	[sflag:s23] =	ssyncset.done $0x0  }
0x58: {  	s2 =	sadd.s32 s2, s16;
	[sflag:s23] =	ssyncadd.s32 $0xFFFFD800  }
0x59: {  	[tilespmem:s24], [sflag:$0x2] =	stream.linear.gather [hbm4b:s2+s3], $0x2800, $0x38;
	[tilespmem:$0x1D080] =	vst v63  }
0x5a: {  	_ = 	snop  }
0x5b: {  	[spmem:s1] =	stream.indirect.scatter.add.f32 [tilespmem:s22], [sflag:$0x3], $0x80, s28, s25, $0xb8;
	[tilespmem:$0x1D080] =	vst v63  }
0x5c: {  	_ =	swait.ge [sflag:s21], $0x2800  }
0x5d: {  	[sflag:s21] =	ssyncset.done $0x0  }
0x5e: {  	[sflag:s21] =	ssyncadd.s32 $0xFFFFD800  }
0x5f: {  	_ =	swait.ge [sflag:s26], $0x2800  }
0x60: {  	s2 =	sshrl.u32 s17, $0x3;
	[sflag:s26] =	ssyncset.done $0x0  }
0x61: {  	s2 =	sadd.s32 s4, s2;
	[sflag:s26] =	ssyncadd.s32 $0xFFFFD800  }
0x62: {  	[tilespmem:s22], [sflag:$0x1] =	stream.linear.gather [hbm4b:s2+s3], $0x2800, $0x38;
	[tilespmem:$0x1D080] =	vst v63  }
.Ltmp5:
0x63: {  	_ = 	snop;
	(pc) =	sbr.rel @p1 .LBB2_11-.Ltmp5, $4  }
0x64: {  	s2 =	sadd.s32 $0x80, s28  }
0x65: {  	[spmem:s1] =	stream.indirect.scatter.add.f32 [tilespmem:s24], [sflag:$0x3], $0x80, s2, s25, $0xb8;
	[tilespmem:$0x1D080] =	vst v63  }
0x66: {  	_ =	swait.ge [sflag:s21], $0x2800  }
0x67: {  	[sflag:s21] =	ssyncset.done $0x0  }
0x68: {  	[sflag:s21] =	ssyncadd.s32 $0xFFFFD800  }
0x69: {  	_ =	swait.ge [sflag:s23], $0x2800  }
0x6a: {  	[sflag:s23] =	ssyncset.done $0x0  }
0x6b: {  	s2 =	simm.s32 $0x0;
	[sflag:s23] =	ssyncadd.s32 $0xFFFFD800  }
0x6c: {  	[tilespmem:s24], [sflag:$0x2] =	stream.linear.gather [hbm4b:s14+s2], $0x2800, $0x38;
	[tilespmem:$0x1D080] =	vst v63  }
0x6d: {  	s17 =	simm.s32 $0x3F00  }
0x6e: {  	[spmem:s1] =	stream.indirect.scatter.add.f32 [tilespmem:s22], [sflag:$0x3], $0x80, s17, s25, $0xb8;
	[tilespmem:$0x1D080] =	vst v63  }
0x6f: {  	_ =	swait.ge [sflag:s21], $0x2800  }
0x70: {  	[sflag:s21] =	ssyncset.done $0x0  }
0x71: {  	[sflag:s21] =	ssyncadd.s32 $0xFFFFD800  }
0x72: {  	_ =	swait.ge [sflag:s26], $0x2800  }
0x73: {  	[sflag:s26] =	ssyncset.done $0x0  }
0x74: {  	s29 =	simm.s32 $0x3F80;
	[sflag:s26] =	ssyncadd.s32 $0xFFFFD800  }
0x75: {  	[spmem:s1] =	stream.indirect.scatter.add.f32 [tilespmem:s24], [sflag:$0x3], $0x80, s29, s25, $0xb8;
	[tilespmem:$0x1D080] =	vst v63  }
0x76: {  	_ =	swait.ge [sflag:s21], $0x2800  }
0x77: {  	[sflag:s21] =	ssyncset.done $0x0  }
0x78: {  	[sflag:s21] =	ssyncadd.s32 $0xFFFFD800  }
0x79: {  	[tilespmem:s2], [sflag:$0x3] =	stream.linear.gather [hbm4b:s8+s2], $0x3D00, $0x38;
	[tilespmem:$0x1D080] =	vst v63  }
0x7a: {  	_ =	swait.ge [sflag:s21], $0x3D00  }
0x7b: {  	[sflag:s21] =	ssyncset.done $0x0  }
0x7c: {  	[sflag:s21] =	ssyncadd.s32 $0xFFFFC300  }
0x7d: {  	[tilespmem:s22], [sflag:$0x1] =	stream.linear.gather [hbm4b:s9+s2], $0x2800, $0x38;
	[tilespmem:$0x1D080] =	vst v63  }
0x7e: {  	_ =	swait.ge [sflag:s23], $0x2800  }
0x7f: {  	[sflag:s23] =	ssyncset.done $0x0  }
0x80: {  	s29 =	sadd.s32 $0x0, s19;
	[sflag:s23] =	ssyncadd.s32 $0xFFFFD800  }
0x81: {  	[tilespmem:s24], [sflag:$0x2] =	stream.linear.gather [hbm4b:s29+s3], $0x2800, $0x38;
	[tilespmem:$0x1D080] =	vst v63  }
0x82: {  	s17 =	simm.s32 $0x0  }
0x83: {  	[spmem:s1] =	stream.indirect.scatter.add.f32 [tilespmem:s22], [sflag:$0x3], $0x80, s17, s25, $0xb8;
	[tilespmem:$0x1D080] =	vst v63  }
0x84: {  	_ =	swait.ge [sflag:s21], $0x2800  }
0x85: {  	[sflag:s21] =	ssyncset.done $0x0  }
0x86: {  	[sflag:s21] =	ssyncadd.s32 $0xFFFFD800  }
0x87: {  	_ =	swait.ge [sflag:s26], $0x2800  }
0x88: {  	[sflag:s26] =	ssyncset.done $0x0  }
0x89: {  	s29 =	sadd.s32 $0x0, s18;
	[sflag:s26] =	ssyncadd.s32 $0xFFFFD800  }
0x8a: {  	[tilespmem:s22], [sflag:$0x1] =	stream.linear.gather [hbm4b:s29+s3], $0x2800, $0x38;
	[tilespmem:$0x1D080] =	vst v63  }
0x8b: {  	s28 =	simm.s32 $0x80  }
0x8c: {  	[spmem:s1] =	stream.indirect.scatter.add.f32 [tilespmem:s24], [sflag:$0x3], $0x80, s28, s25, $0xb8;
	[tilespmem:$0x1D080] =	vst v63  }
0x8d: {  	_ =	swait.ge [sflag:s21], $0x2800  }
0x8e: {  	s17 =	simm.s32 $0xA00;
	[sflag:s21] =	ssyncset.done $0x0  }
.LBB2_13:
0x8f: {  	p1 =	sne.s32 s17, $0x24E00;
	[sflag:s21] =	ssyncadd.s32 $0xFFFFD800;
	s28 =	sadd.s32 $0x100, s28  }
0x90: {  	s2 =	smov.u32 s17;
	s17 =	sadd.s32 $0xA00, s17  }
0x91: {  	_ =	swait.ge [sflag:s23], $0x2800  }
0x92: {  	[sflag:s23] =	ssyncset.done $0x0  }
0x93: {  	s29 =	sadd.s32 s2, s19;
	[sflag:s23] =	ssyncadd.s32 $0xFFFFD800  }
0x94: {  	[tilespmem:s24], [sflag:$0x2] =	stream.linear.gather [hbm4b:s29+s3], $0x2800, $0x38;
	[tilespmem:$0x1D080] =	vst v63  }
0x95: {  	s29 =	sadd.s32 $0xFFFFFF80, s28  }
0x96: {  	[spmem:s1] =	stream.indirect.scatter.add.f32 [tilespmem:s22], [sflag:$0x3], $0x80, s29, s25, $0xb8;
	[tilespmem:$0x1D080] =	vst v63  }
0x97: {  	_ =	swait.ge [sflag:s21], $0x2800  }
0x98: {  	[sflag:s21] =	ssyncset.done $0x0  }
0x99: {  	[sflag:s21] =	ssyncadd.s32 $0xFFFFD800  }
0x9a: {  	_ =	swait.ge [sflag:s26], $0x2800  }
0x9b: {  	[sflag:s26] =	ssyncset.done $0x0  }
0x9c: {  	s2 =	sadd.s32 s2, s18;
	[sflag:s26] =	ssyncadd.s32 $0xFFFFD800  }
0x9d: {  	[tilespmem:s22], [sflag:$0x1] =	stream.linear.gather [hbm4b:s2+s3], $0x2800, $0x38;
	[tilespmem:$0x1D080] =	vst v63  }
.Ltmp6:
0x9e: {  	_ = 	snop;
	(pc) =	sbr.rel @p1 .LBB2_13-.Ltmp6, $4  }
0x9f: {  	_ = 	snop  }
0xa0: {  	[spmem:s1] =	stream.indirect.scatter.add.f32 [tilespmem:s24], [sflag:$0x3], $0x80, s28, s25, $0xb8;
	[tilespmem:$0x1D080] =	vst v63  }
0xa1: {  	_ =	swait.ge [sflag:s21], $0x2800  }
0xa2: {  	[sflag:s21] =	ssyncset.done $0x0  }
0xa3: {  	[sflag:s21] =	ssyncadd.s32 $0xFFFFD800  }
0xa4: {  	_ =	swait.ge [sflag:s23], $0x2800  }
0xa5: {  	[sflag:s23] =	ssyncset.done $0x0  }
0xa6: {  	[sflag:s23] =	ssyncadd.s32 $0xFFFFD800  }
0xa7: {  	[tilespmem:s24], [sflag:$0x2] =	stream.linear.gather [hbm4b:s15+s3], $0x2800, $0x38;
	[tilespmem:$0x1D080] =	vst v63  }
0xa8: {  	s2 =	simm.s32 $0x3C00  }
0xa9: {  	[spmem:s1] =	stream.indirect.scatter.add.f32 [tilespmem:s22], [sflag:$0x3], $0x80, s2, s25, $0xb8;
	[tilespmem:$0x1D080] =	vst v63  }
0xaa: {  	_ =	swait.ge [sflag:s21], $0x2800  }
0xab: {  	[sflag:s21] =	ssyncset.done $0x0  }
0xac: {  	[sflag:s21] =	ssyncadd.s32 $0xFFFFD800  }
0xad: {  	_ =	swait.ge [sflag:s26], $0x2800  }
0xae: {  	[sflag:s26] =	ssyncset.done $0x0  }
0xaf: {  	[sflag:s26] =	ssyncadd.s32 $0xFFFFD800  }
0xb0: {  	[spmem:s1] =	stream.indirect.scatter.add.f32 [tilespmem:s24], [sflag:$0x3], $0x80, s31, s25, $0xb8;
	[tilespmem:$0x1D080] =	vst v63  }
0xb1: {  	_ =	swait.ge [sflag:s21], $0x2800  }
0xb2: {  	[sflag:s21] =	ssyncset.done $0x0  }
0xb3: {  	[sflag:s21] =	ssyncadd.s32 $0xFFFFD800  }
0xb4: {  	s17 =	simm.s32 @p0 $0x1FC3;
	s2 =	sshrl.u32 @p0 s12, $0x3;
	[bflag:$0x0] =	sbarrier.arrive $0xFFFF  }
0xb5: {  	[hbm:s11], [sflag:s17] =	dma.local @p0 [spmem:s2], $0x2800  }
0xb6: {  	s2 =	simm.s32 @p0 $0x3  }
0xb7: {  	s0 =	sadd.s32 $0x1, s0;
	s17 =	stileid.u32;
	_ =	swait.ge @p0 [sflag:s2], $0x2800  }
0xb8: {  	p1 =	sne.s32 s0, s13;
	s17 =	sshll.u32 @!p0 s17, $0x6;
	[sflag:s2] =	ssyncset.done @p0 $0x0  }
0xb9: {  	[sflag:s2] =	ssyncadd.s32 @p0 $0xFFFFD800;
	s2 =	sor.u32 @!p0 $0x1C03, s17;
	s17 =	sshrl.u32 @!p0 s5, $0x3  }
0xba: {  	[hbm:s10], [sflag:s2] =	dma.local @!p0 [spmem:s17], $0x2700  }
.Ltmp7:
0xbb: {  	_ = 	snop;
	(pc) =	sbr.rel @p1 .LBB2_1-.Ltmp7, $4  }
0xbc: {  	s2 =	simm.s32 @!p0 $0x3  }
0xbd: {  	_ =	swait.ge @!p0 [sflag:s2], $0x2700  }
0xbe: {  	[sflag:s2] =	ssyncset.done @!p0 $0x0  }
0xbf: {  	[sflag:s2] =	ssyncadd.s32 @!p0 $0xFFFFD900  }
0xc0: {  	_ =	sfence.sel $0x180000  }
0xc1: {  	[bflag:$0x0] =	sbarrier.arrive $0xFFFF  }
0xc2: {  	_ =	strace $0x9000004A  }
0xc3: {  	s0 =	stileid.u32;
	[bflag:$0x2] =	sbarrier.arrive $0xFFFF  }
0xc4: {  	p0 =	sne.s32 s0, $0x0;
	s0 =	rddreg [dreg:$0x2]  }
0xc5: {  	s0 =	sadd.s32 @!p0 $0x100000, s0  }
0xc6: {  	[sflag:s0] =	ssyncadd.tile.s32 @!p0 $0x1;
	_ =	shalt  }
.Lfunc_end2:
_tile_overlayer_lowered:
.L_overlay_start_2:
0xc7: {  	(tag) =	ssettag $0x2  }
0xc8: {  	s0 =	rddreg [dreg:$0x0];
	s2 =	stileid.u32  }
0xc9: {  	s1 =	rddreg [dreg:$0x1];
	p0 =	sne.s32 s2, $0x0  }
0xca: {  	s3 =	rddreg [dreg:$0x2];
	[bflag:$0x3] =	sbarrier.arrive $0xFFFF;
	s2 =	simm.s32 @!p0 $0x1C03  }
0xcb: {  	[timem:s3], [sflag:s2] =	dma.local @!p0 [hbm:s0], s1  }
0xcc: {  	s0 =	simm.s32 @!p0 $0x3  }
0xcd: {  	_ =	swait.ge @!p0 [sflag:s0], s1  }
0xce: {  	s1 =	ssub.s32 @!p0 $0x0, s1;
	[sflag:s0] =	ssyncset.done @!p0 $0x0  }
0xcf: {  	[sflag:s0] =	ssyncadd.s32 @!p0 s1  }
0xd0: {  	[bflag:$0x3] =	sbarrier.arrive $0xFFFF  }
0xd1: {  	_ =	shalt  }

// kernel: kernel.7.cloned.1.call-start
scs
__scs_entry_jumppad:
0x0: {  	(pc) =	sbr.rel $0x88, $3  }
0x1: {  	(tag) =	ssettag $0x0;
	lr =	simm.s32 $0x1  }
0x2: {  	[smem:$0x3F98] =	sst lr;
	_ =	strace $0xD0000000  }
0x3: {  	_ = 	snop  }
0x4: {  	_ = 	snop  }
0x5: {  	_ = 	snop  }
0x6: {  	_ = 	snop  }
0x7: {  	_ = 	snop  }
__scs_overlays_trampoline_lowered:
0x8: {  	[smem:$0x3FA7] =	sst s0  }
0x9: {  	[smem:$0x3FA8] =	sst s1  }
0xa: {  	[smem:$0x3FA9] =	sst s2  }
0xb: {  	[smem:$0x3FAA] =	sst s3  }
0xc: {  	[smem:$0x3FAB] =	sst s4  }
0xd: {  	[smem:$0x3FAC] =	sst s5  }
0xe: {  	[smem:$0x3FAD] =	sst s6  }
0xf: {  	[smem:$0x3FAE] =	sst s7  }
0x10: {  	[smem:$0x3FAF] =	sst s8  }
0x11: {  	[smem:$0x3FB0] =	sst s9;
	s0 =	simm.s32 @!p0 $0x0  }
0x12: {  	s1 =	sld [smem:$0x3F96];
	s0 =	simm.s32 @p0 $0x1  }
0x13: {  	[smem:$0x3FB1] =	sst s0;
	s0 =	simm.s32 @!p1 $0x0  }
0x14: {  	s2 =	sld [smem:$0x3F95];
	s0 =	simm.s32 @p1 $0x1  }
0x15: {  	[smem:$0x3FB2] =	sst s0;
	s0 =	simm.s32 @!p2 $0x0  }
0x16: {  	s3 =	sld [smem:$0x3FDB];
	s0 =	simm.s32 @p2 $0x1  }
0x17: {  	s4 =	simm.s32 $0x1BF5;
	[smem:$0x3FB4] =	sst s0  }
0x18: {  	s0 =	sld [smem:$0x3F97];
	_ =	swait.ge [sflag:s4], $0x0  }
0x19: {  	s7 =	sld [smem:$0x3F98]  }
0x1a: {  	s8 =	sadd.s32 $0xFFFFE003, lr  }
0x1b: {  	s9 =	sadd.s32 $0xFFFFFEF7, lr;
	s5 =	simm.s32 $0xFFFFFFFF;
	p2 =	slt.u32 s8, $0xFFFFF086  }
0x1c: {  	p1 =	slt.u32 s9, $0xF7A;
	s5 =	simm.s32 @!p2 $0x0  }
0x1d: {  	s5 =	simm.s32 @p1 $0x1;
	p0 =	seq.s32 s7, s2  }
0x1e: {  	s7 =	smul.u32 @!p0 $0xF7A, s2;
	p2 =	seq.s32 @!p0 s5, $0x0  }
0x1f: {  	s9 =	smul.u32 $0xF7A, s1;
	s8 =	simm.s32 @!p0 $0x1BF5;
	p2 =	por !p2, p0  }
0x20: {  	[sflag:s8] =	ssyncset.s32 @!p0 $0xFFFFF086;
	s6 =	sadd.s32 @!p0 s3, s7;
	s7 =	simm.s32 @!p0 $0x108  }
0x21: {  	s3 =	sadd.s32 s3, s9;
	s6 =	sadd.s32 @!p0 $0x88, s6;
	s7 =	simm.s32 @p2 $0x1082  }
0x22: {  	[simem:s7], [sflag:s8] =	dma.local @!p0 [hbm:s6], $0xF7A  }
0x23: {  	s9 =	sor.u32 $0xD0000000, s2;
	s6 =	simm.s32 $0x108;
	_ =	swait.ge @!p0 [sflag:s8], $0x0  }
0x24: {  	s3 =	sadd.s32 $0x88, s3;
	s6 =	simm.s32 @!p1 $0x1082;
	[sflag:s4] =	ssyncset.s32 $0xFFFFF086  }
0x25: {  	[simem:s6], [sflag:s4] =	dma.local [hbm:s3], $0xF7A  }
0x26: {  	[smem:$0x3F98] =	sst s1;
	(tag) =	ssettag s2;
	_ =	strace s9  }
0x27: {  	s1 =	sld [smem:$0x3FA8]  }
0x28: {  	s2 =	sld [smem:$0x3FA9]  }
0x29: {  	s4 =	sld [smem:$0x3FAB]  }
0x2a: {  	p0 =	seq.s32 s5, $0x0;
	s5 =	sld [smem:$0x3FAC]  }
0x2b: {  	s6 =	sld [smem:$0x3FAD]  }
0x2c: {  	s7 =	sld [smem:$0x3FAE]  }
0x2d: {  	s3 =	simm.s32 $0x108;
	s8 =	sld [smem:$0x3FAF]  }
0x2e: {  	s3 =	simm.s32 @!p0 $0x1082;
	s9 =	sld [smem:$0x3FB0]  }
0x2f: {  	lr =	sadd.s32 s0, s3;
	s0 =	sld [smem:$0x3FA7]  }
0x30: {  	s3 =	sld [smem:$0x3FAA]  }
0x31: {  	[smem:$0x3FB3] =	sst s10  }
0x32: {  	s10 =	sld [smem:$0x3FB1];
	_ =	sdelay $0x3  }
0x33: {  	p0 =	seq.s32 s10, $0x1;
	s10 =	sld [smem:$0x3FB3];
	_ =	sdelay $0x3  }
0x34: {  	[smem:$0x3FB3] =	sst s10  }
0x35: {  	s10 =	sld [smem:$0x3FB2];
	_ =	sdelay $0x3  }
0x36: {  	p1 =	seq.s32 s10, $0x1;
	s10 =	sld [smem:$0x3FB3];
	_ =	sdelay $0x3  }
0x37: {  	[smem:$0x3FB3] =	sst s10  }
0x38: {  	s10 =	sld [smem:$0x3FB4]  }
0x39: {  	_ = 	snop;
	(pc) =	sbr.ind lr, $3  }
0x3a: {  	_ = 	snop  }
0x3b: {  	_ = 	snop  }
0x3c: {  	p2 =	seq.s32 s10, $0x1;
	s10 =	sld [smem:$0x3FB3]  }
0x3d: {  	_ =	shalt  }
0x3e: {  	_ =	shalt  }
0x3f: {  	_ =	shalt  }
0x40: {  	_ =	shalt  }
0x41: {  	_ =	shalt  }
0x42: {  	_ =	shalt  }
0x43: {  	_ =	shalt  }
0x44: {  	_ =	shalt  }
0x45: {  	_ =	shalt  }
0x46: {  	_ =	shalt  }
0x47: {  	_ =	shalt  }
0x48: {  	_ =	shalt  }
0x49: {  	_ =	shalt  }
0x4a: {  	_ =	shalt  }
0x4b: {  	_ =	shalt  }
0x4c: {  	_ =	shalt  }
0x4d: {  	_ =	shalt  }
0x4e: {  	_ =	shalt  }
0x4f: {  	_ =	shalt  }
0x50: {  	_ =	shalt  }
0x51: {  	_ =	shalt  }
0x52: {  	_ =	shalt  }
0x53: {  	_ =	shalt  }
0x54: {  	_ =	shalt  }
0x55: {  	_ =	shalt  }
0x56: {  	_ =	shalt  }
0x57: {  	_ =	shalt  }
0x58: {  	_ =	shalt  }
0x59: {  	_ =	shalt  }
0x5a: {  	_ =	shalt  }
0x5b: {  	_ =	shalt  }
0x5c: {  	_ =	shalt  }
0x5d: {  	_ =	shalt  }
0x5e: {  	_ =	shalt  }
0x5f: {  	_ =	shalt  }
0x60: {  	_ =	shalt  }
0x61: {  	_ =	shalt  }
0x62: {  	_ =	shalt  }
0x63: {  	_ =	shalt  }
0x64: {  	_ =	shalt  }
0x65: {  	_ =	shalt  }
0x66: {  	_ =	shalt  }
0x67: {  	_ =	shalt  }
0x68: {  	_ =	shalt  }
0x69: {  	_ =	shalt  }
0x6a: {  	_ =	shalt  }
0x6b: {  	_ =	shalt  }
0x6c: {  	_ =	shalt  }
0x6d: {  	_ =	shalt  }
0x6e: {  	_ =	shalt  }
0x6f: {  	_ =	shalt  }
0x70: {  	_ =	shalt  }
0x71: {  	_ =	shalt  }
0x72: {  	_ =	shalt  }
0x73: {  	_ =	shalt  }
0x74: {  	_ =	shalt  }
0x75: {  	_ =	shalt  }
0x76: {  	_ =	shalt  }
0x77: {  	_ =	shalt  }
0x78: {  	_ =	shalt  }
0x79: {  	_ =	shalt  }
0x7a: {  	_ =	shalt  }
0x7b: {  	_ =	shalt  }
0x7c: {  	_ =	shalt  }
0x7d: {  	_ =	shalt  }
0x7e: {  	_ =	shalt  }
0x7f: {  	_ =	shalt  }
0x80: {  	_ =	shalt  }
0x81: {  	_ =	shalt  }
0x82: {  	_ =	shalt  }
0x83: {  	_ =	shalt  }
0x84: {  	_ =	shalt  }
0x85: {  	_ =	shalt  }
0x86: {  	_ =	shalt  }
0x87: {  	_ =	shalt  }
.Lfunc_end0:
.L_simem_size_0:
called_computation_lowered:
.L_overlay_start_0:
0x88: {  	s2 =	sld [smem:$0x3FD9]  }
0x89: {  	s3 =	sld [smem:$0x3FFE];
	_ =	sdelay $0x1  }
0x8a: {  	s1 =	srdreg.scid  }
0x8b: {  	s0 =	sand.u32 $0x1, s1  }
0x8c: {  	s14 =	sshll.u32 s0, $0xA;
	s2 =	sadd.s32 s3, s2  }
0x8d: {  	s2 =	sadd.s32 s2, s14  }
0x8e: {  	[smem:$0x3FBF] =	sst s2  }
0x8f: {  	_ = 	snop  }
0x90: {  	s2 =	sld [smem:$0x3FD0];
	_ =	sdelay $0x2  }
0x91: {  	s15 =	simm.s32 $0xA;
	s4 =	simm.s32 $0x10  }
0x92: {  	[smem:s4], [sflag:s15] =	dma.local [hbm:s2], $0x1  }
0x93: {  	_ =	swait.eq [sflag:s15], $0x1  }
0x94: {  	[sflag:s15] =	ssyncset.done $0x0  }
0x95: {  	s16 =	sld [smem:$0x10];
	[sflag:s15] =	ssyncadd.s32 $0xFFFFFFFF  }
0x96: {  	s17 =	sld [smem:$0x11];
	(tm) =	ssettm $0x1  }
0x97: {  	s18 =	sld [smem:$0x3FFB];
	_ =	sdelay $0x3  }
0x98: {  	_ =	strace s18  }
0x99: {  	s4 =	sld [smem:$0x3FFC];
	_ =	sdelay $0x3  }
0x9a: {  	_ =	strace s4  }
0x9b: {  	s4 =	sld [smem:$0x3FFD];
	_ =	sdelay $0x3  }
0x9c: {  	_ =	strace s4  }
0x9d: {  	_ =	strace $0x8FFFFFFF  }
0x9e: {  	s19 =	sld [smem:$0x3FDB];
	_ =	sdelay $0x1  }
0x9f: {  	s5 =	simm.s32 $_scs_section_size  }
0xa0: {  	s6 =	simm.s32 $_size__tile_overlayer_lowered;
	s7 =	simm.s32 $_tile_overlayer_lowered  }
0xa1: {  	s22 =	simm.s32 $0x1BFF;
	s21 =	sshll.u32 s7, $0x1;
	s4 =	sadd.s32 s5, s19  }
0xa2: {  	s8 =	simm.s32 $0x0;
	s20 =	sshll.u32 s6, $0x1;
	s6 =	sadd.s32 s21, s4  }
0xa3: {  	[timem:s8], [sflag:s22] =	dma.local [hbm:s6], s20  }
0xa4: {  	_ =	swait.ge [sflag:s22], s20  }
0xa5: {  	s5 =	ssub.s32 $0x0, s20;
	[sflag:s22] =	ssyncset.done $0x0  }
0xa6: {  	[sflag:s22] =	ssyncadd.s32 s5;
	_ =	sdelay $0x1  }
0xa7: {  	s23 =	simm.s32 $0x1B8B  }
0xa8: {  	_ =	swait.ge [sflag:s23], $0x1  }
0xa9: {  	[sflag:s23] =	ssyncset.done $0x0  }
0xaa: {  	s25 =	simm.s32 $0x1B8E;
	s24 =	sld [smem:$0x3FFE];
	[sflag:s23] =	ssyncadd.s32 $0xFFFFFFFF  }
0xab: {  	s26 =	simm.s32 $execute0_lowered;
	[smem:$0x3FD2] =	sst s25  }
0xac: {  	s6 =	sshll.u32 s26, $0x1;
	_ =	strace $0x80000046;
	[dreg:$0x1] =	wrdreg $0xFFFFFFFF  }
0xad: {  	s28 =	simm.s32 $_size_execute0_lowered;
	s4 =	sadd.s32 s4, s6;
	[dreg:$0x0] =	wrdreg $0x0  }
0xae: {  	s6 =	sshll.u32 s28, $0x1;
	[dreg:$0x2] =	wrdreg s4  }
0xaf: {  	[dreg:$0x3] =	wrdreg s6  }
0xb0: {  	[dreg:$0x4] =	wrdreg $0xC0  }
0xb1: {  	_ =	task [dreg:s8], $0x5FFFF  }
0xb2: {  	[dreg:$0x1] =	wrdreg $0xFFFFFFFF  }
0xb3: {  	[dreg:$0x0] =	wrdreg $0x60  }
0xb4: {  	[dreg:$0x2] =	wrdreg s16  }
0xb5: {  	[dreg:$0x3] =	wrdreg s24  }
0xb6: {  	[dreg:$0x4] =	wrdreg s17  }
0xb7: {  	[dreg:$0x5] =	wrdreg $0x9  }
0xb8: {  	_ =	task.clear_ibuf [dreg:s8], $0x6FFFF;
	_ =	strace $0x90000046  }
0xb9: {  	s29 =	simm.s32 $0x9;
	_ =	strace $0x80000048  }
0xba: {  	_ =	swait.ge [sflag:s29], $0x1  }
0xbb: {  	[sflag:s29] =	ssyncadd.s32 $0xFFFFFFFF  }
0xbc: {  	_ =	strace $0x90000048  }
0xbd: {  	_ =	sfence  }
0xbe: {  	s30 =	sld [smem:$0x0];
	_ =	sdelay $0x2  }
0xbf: {  	s31 =	sshll.u32 s1, $0xD;
	s1 =	sshrl.u32 s1, $0x2  }
0xc0: {  	s3 =	sand.u32 $0x4000, s31;
	s1 =	sadd.s32 s1, s30  }
0xc1: {  	s0 =	sor.u32 s3, s0;
	s1 =	sshll.u32 s1, $0x11  }
0xc2: {  	s0 =	sor.u32 s1, s0  }
0xc3: {  	s0 =	sadd.s32 $0x8F2B, s0  }
0xc4: {  	[sflag:s0] =	ssyncadd.remote.s32 $0x1  }
0xc5: {  	_ =	sfence.sel $0xFFFF  }
0xc6: {  	[dreg:$0x0] =	wrdreg $0xFFFFFFFF;
	(pc) =	sbr.abs _section_cstart, $3  }
0xc7: {  	[dreg:$0x1] =	wrdreg $0xFFFFFFFF  }
0xc8: {  	_ =	task.clear_ibuf [dreg:s8], $0x2FFFF;
	_ =	strace $0x9FFFFFFF  }
0xc9: {  	(tm) =	ssettm $0x7FFFFFFF  }
tec
execute0_lowered:
.L_overlay_start_1:
0x0: {  	(tag) =	ssettag $0x1  }
0x1: {  	s1 =	rddreg [dreg:$0x0];
	s0 =	srdreg.scid  }
0x2: {  	s3 =	stileid.u32;
	s2 =	rddreg [dreg:$0x1];
	s4 =	simm.s32 $0x0  }
0x3: {  	s16 =	simm.s32 $0x7;
	s18 =	simm.s32 $0x4F00;
	s19 =	simm.s32 $0x7680  }
0x4: {  	s20 =	simm.s32 $0x9E00;
	s28 =	simm.s32 $0x13D80;
	s29 =	simm.s32 $0x16580  }
0x5: {  	s30 =	simm.s32 $0x2;
	s31 =	simm.s32 $0x4;
	s0 =	sand.u32 $0x1, s0  }
0x6: {  	s3 =	sshll.u32 s3, $0x1;
	[smem:$0x7FF] =	sst s4;
	s6 =	sadd.s32 $0x15A00, s2  }
0x7: {  	s7 =	sadd.s32 $0x15400, s2;
	s21 =	sadd.s32 $0x14E00, s2;
	s9 =	sadd.s32 $0x46A00, s2  }
0x8: {  	s10 =	sadd.s32 $0x3CC00, s2;
	s3 =	sor.u32 s0, s3;
	_ =	strace $0x80000047  }
0x9: {  	[dreg:$0x4] =	wrdreg s7;
	s0 =	ssub.s32 $0x2, s0;
	s5 =	smul.u32 $0x2710, s3  }
0xa: {  	[dreg:$0x5] =	wrdreg s21;
	s21 =	simm.s32 $0x50;
	s22 =	sshrl.u32 s0, $0x1  }
0xb: {  	s7 =	simm.s32 $0x0;
	s0 =	ssub.s32 s0, s22;
	s3 =	sshrl.u32 s5, $0x3  }
0xc: {  	s22 =	simm.s32 $0xC580;
	s23 =	sadd.s32 $0x26C0, s5;
	s3 =	sadd.s32 s3, s2  }
0xd: {  	s15 =	smax.u32 s0, $0x1;
	s0 =	simm.s32 $0x16600;
	s24 =	sadd.s32 $0xB000, s3  }
0xe: {  	s25 =	sshll.u32 s23, $0x4;
	s3 =	sadd.s32 $0x1200, s3;
	[dreg:$0x6] =	wrdreg s24  }
0xf: {  	s26 =	sshrl.u32 s23, $0x3;
	s2 =	sadd.s32 s9, s25;
	[dreg:$0x7] =	wrdreg s3  }
0x10: {  	s23 =	simm.s32 $0x11580;
	s25 =	simm.s32 $0x3;
	[dreg:$0x8] =	wrdreg s2  }
0x11: {  	s2 =	sadd.s32 s10, s26;
	s24 =	simm.s32 $0x1;
	s26 =	simm.s32 $0xED80  }
0x12: {  	s3 =	simm.s32 $0x6;
	[dreg:$0x9] =	wrdreg s2;
	s2 =	simm.s32 $0x5  }
.LBB2_1:
0x13: {  	s8 =	rddreg [dreg:$0x6]  }
0x14: {  	[tilespmem:s4], [sflag:$0x7] =	stream.linear.gather [hbm4b:s8+s4], $0x2710, $0x38;
	[tilespmem:$0x16680] =	vst v63  }
0x15: {  	_ =	swait.ge [sflag:s16], $0x2710  }
0x16: {  	[sflag:s16] =	ssyncset.done $0x0  }
0x17: {  	s11 =	simm.s32 $0x2780;
	s12 =	rddreg [dreg:$0x7];
	[sflag:s16] =	ssyncadd.s32 $0xFFFFD8F0  }
0x18: {  	[tilespmem:s11], [sflag:$0x7] =	stream.linear.gather [hbm4b:s12+s4], $0x2710, $0x38;
	[tilespmem:$0x16680] =	vst v63  }
0x19: {  	_ =	swait.ge [sflag:s16], $0x2710  }
0x1a: {  	[sflag:s16] =	ssyncset.done $0x0  }
0x1b: {  	s13 =	rddreg [dreg:$0x4];
	[sflag:s16] =	ssyncadd.s32 $0xFFFFD8F0  }
0x1c: {  	[tilespmem:s18], [sflag:$0x7] =	stream.linear.gather [hbm4b:s13+s4], $0x2780, $0x38;
	[tilespmem:$0x16680] =	vst v63  }
0x1d: {  	_ =	swait.ge [sflag:s16], $0x2780  }
0x1e: {  	[sflag:s16] =	ssyncset.done $0x0  }
0x1f: {  	s14 =	rddreg [dreg:$0x5];
	[sflag:s16] =	ssyncadd.s32 $0xFFFFD880  }
0x20: {  	[tilespmem:s19], [sflag:$0x7] =	stream.linear.gather [hbm4b:s14+s4], $0x2780, $0x38;
	[tilespmem:$0x16680] =	vst v63  }
0x21: {  	_ =	swait.ge [sflag:s16], $0x2780  }
0x22: {  	[sflag:s16] =	ssyncset.done $0x0  }
0x23: {  	[sflag:s16] =	ssyncadd.s32 $0xFFFFD880  }
0x24: {  	s17 =	rddreg [dreg:$0x2]  }
0x25: {  	[tilespmem:s20], [sflag:$0x7] =	stream.linear.gather [hbm4b:s17+s4], $0x2780, $0x38;
	[tilespmem:$0x16680] =	vst v63  }
0x26: {  	_ =	swait.ge [sflag:s16], $0x2780  }
0x27: {  	[sflag:s16] =	ssyncset.done $0x0  }
0x28: {  	[sflag:s16] =	ssyncadd.s32 $0xFFFFD880  }
0x29: {  	[tilespmem:s22], [sflag:$0x1] =	stream.indirect.gather [hbm4b:s1+s21], $0x80, s4, s21, $0xb8;
	[tilespmem:$0x16680] =	vst v63  }
0x2a: {  	s8 =	simm.s32 $0x0  }
0x2b: {  	[tilespmem:s23], [sflag:$0x3] =	stream.indirect.gather [hbm4b:s6+s21], $0x80, s11, s21, $0xb8;
	[tilespmem:$0x16680] =	vst v63  }
.LBB2_2:
0x2c: {  	_ =	swait.ge [sflag:s24], $0x2800  }
0x2d: {  	[sflag:s24] =	ssyncset.done $0x0  }
0x2e: {  	[sflag:s24] =	ssyncadd.s32 $0xFFFFD800  }
0x2f: {  	_ =	swait.ge [sflag:s25], $0x2800  }
0x30: {  	p0 =	seq.s32 s8, $0x0;
	[sflag:s25] =	ssyncset.done $0x0  }
0x31: {  	s12 =	simm.s32 @!p0 $0x6;
	[sflag:s25] =	ssyncadd.s32 $0xFFFFD800  }
0x32: {  	_ =	swait.ge @!p0 [sflag:s12], $0x2800  }
0x33: {  	[sflag:s12] =	ssyncset.done @!p0 $0x0  }
0x34: {  	[sflag:s12] =	ssyncadd.s32 @!p0 $0xFFFFD800  }
0x35: {  	s11 =	smul.u32 $0xA0, s8;
	_ =	swait.ge @!p0 [sflag:s12], $0x50  }
0x36: {  	[sflag:s12] =	ssyncset.done @!p0 $0x0  }
0x37: {  	s17 =	sadd.s32 $0x50, s11;
	[sflag:s12] =	ssyncadd.s32 @!p0 $0xFFFFFFB0  }
0x38: {  	[tilespmem:s26], [sflag:$0x2] =	stream.indirect.gather [hbm4b:s1+s21], $0x80, s17, s21, $0xb8;
	[tilespmem:$0x16680] =	vst v63  }
0x39: {  	s14 =	sadd.s32 $0x27D0, s11  }
0x3a: {  	[tilespmem:s28], [sflag:$0x4] =	stream.indirect.gather [hbm4b:s6+s21], $0x80, s14, s21, $0xb8;
	[tilespmem:$0x16680] =	vst v63  }
0x3b: {  	v0 =	vld [tilespmem:s11+$0x0]  }
0x3c: {  	v1 =	vld [tilespmem:s11+$0x2780];
	_ =	sdelay $0x6  }
0x3d: {  	v2 =	vld.idx.msk [tilespmem:v0+s18+$0x0], $0xffff  }
0x3e: {  	v3 =	vld.idx.msk [tilespmem:v1+s18+$0x0], $0xffff  }
0x3f: {  	v4 =	vld.idx.msk [tilespmem:v0+s19+$0x0], $0xffff  }
0x40: {  	v5 =	vld.idx.msk [tilespmem:v1+s19+$0x0], $0xffff  }
0x41: {  	v0 =	vld.idx.msk [tilespmem:v0+s20+$0x0], $0xffff  }
0x42: {  	v1 =	vld.idx.msk [tilespmem:v1+s20+$0x0], $0xffff;
	_ =	sdelay $0x2  }
0x43: {  	v2 =	vsub.f32 v2, v3;
	v3 =	vsub.f32 v4, v5;
	_ =	sdelay $0x1  }
0x44: {  	v0 =	vsub.f32 v0, v1;
	v1 =	vmul.f32 v2, v2;
	v2 =	vmul.f32 v3, v3;
	_ =	sdelay $0x1  }
0x45: {  	v0 =	vmul.f32 v0, v0;
	v1 =	vadd.f32 v2, v1;
	_ =	sdelay $0x1  }
0x46: {  	v0 =	vadd.f32 v0, v1;
	_ =	sdelay $0x1  }
0x47: {  	[tilespmem:$0x16580] =	vst v0  }
0x48: {  	v0 =	vld [tilespmem:s11+$0x10]  }
0x49: {  	v1 =	vld [tilespmem:s11+$0x2790];
	_ =	sdelay $0x6  }
0x4a: {  	v2 =	vld.idx.msk [tilespmem:v0+s18+$0x0], $0xffff  }
0x4b: {  	v3 =	vld.idx.msk [tilespmem:v1+s18+$0x0], $0xffff  }
0x4c: {  	v4 =	vld.idx.msk [tilespmem:v0+s19+$0x0], $0xffff  }
0x4d: {  	v5 =	vld.idx.msk [tilespmem:v1+s19+$0x0], $0xffff  }
0x4e: {  	v0 =	vld.idx.msk [tilespmem:v0+s20+$0x0], $0xffff  }
0x4f: {  	v1 =	vld.idx.msk [tilespmem:v1+s20+$0x0], $0xffff;
	_ =	sdelay $0x2  }
0x50: {  	v2 =	vsub.f32 v2, v3;
	v3 =	vsub.f32 v4, v5;
	_ =	sdelay $0x1  }
0x51: {  	v0 =	vsub.f32 v0, v1;
	v1 =	vmul.f32 v2, v2;
	v2 =	vmul.f32 v3, v3;
	_ =	sdelay $0x1  }
0x52: {  	v0 =	vmul.f32 v0, v0;
	v1 =	vadd.f32 v2, v1;
	_ =	sdelay $0x1  }
0x53: {  	v0 =	vadd.f32 v0, v1;
	_ =	sdelay $0x1  }
0x54: {  	[tilespmem:$0x16590] =	vst v0  }
0x55: {  	v0 =	vld [tilespmem:s11+$0x20]  }
0x56: {  	v1 =	vld [tilespmem:s11+$0x27A0];
	_ =	sdelay $0x6  }
0x57: {  	v2 =	vld.idx.msk [tilespmem:v0+s18+$0x0], $0xffff  }
0x58: {  	v3 =	vld.idx.msk [tilespmem:v1+s18+$0x0], $0xffff  }
0x59: {  	v4 =	vld.idx.msk [tilespmem:v0+s19+$0x0], $0xffff  }
0x5a: {  	v5 =	vld.idx.msk [tilespmem:v1+s19+$0x0], $0xffff  }
0x5b: {  	v0 =	vld.idx.msk [tilespmem:v0+s20+$0x0], $0xffff  }
0x5c: {  	v1 =	vld.idx.msk [tilespmem:v1+s20+$0x0], $0xffff;
	_ =	sdelay $0x2  }
0x5d: {  	v2 =	vsub.f32 v2, v3;
	v3 =	vsub.f32 v4, v5;
	_ =	sdelay $0x1  }
0x5e: {  	v0 =	vsub.f32 v0, v1;
	v1 =	vmul.f32 v2, v2;
	v2 =	vmul.f32 v3, v3;
	_ =	sdelay $0x1  }
0x5f: {  	v0 =	vmul.f32 v0, v0;
	v1 =	vadd.f32 v2, v1;
	_ =	sdelay $0x1  }
0x60: {  	v0 =	vadd.f32 v0, v1;
	_ =	sdelay $0x1  }
0x61: {  	[tilespmem:$0x165A0] =	vst v0  }
0x62: {  	v0 =	vld [tilespmem:s11+$0x30]  }
0x63: {  	v1 =	vld [tilespmem:s11+$0x27B0];
	_ =	sdelay $0x6  }
0x64: {  	v2 =	vld.idx.msk [tilespmem:v0+s18+$0x0], $0xffff  }
0x65: {  	v3 =	vld.idx.msk [tilespmem:v1+s18+$0x0], $0xffff  }
0x66: {  	v4 =	vld.idx.msk [tilespmem:v0+s19+$0x0], $0xffff  }
0x67: {  	v5 =	vld.idx.msk [tilespmem:v1+s19+$0x0], $0xffff  }
0x68: {  	v0 =	vld.idx.msk [tilespmem:v0+s20+$0x0], $0xffff  }
0x69: {  	v1 =	vld.idx.msk [tilespmem:v1+s20+$0x0], $0xffff;
	_ =	sdelay $0x2  }
0x6a: {  	v2 =	vsub.f32 v2, v3;
	v3 =	vsub.f32 v4, v5;
	_ =	sdelay $0x1  }
0x6b: {  	v0 =	vsub.f32 v0, v1;
	v1 =	vmul.f32 v2, v2;
	v2 =	vmul.f32 v3, v3;
	_ =	sdelay $0x1  }
0x6c: {  	v0 =	vmul.f32 v0, v0;
	v1 =	vadd.f32 v2, v1;
	_ =	sdelay $0x1  }
0x6d: {  	v0 =	vadd.f32 v0, v1;
	_ =	sdelay $0x1  }
0x6e: {  	[tilespmem:$0x165B0] =	vst v0  }
0x6f: {  	v0 =	vld [tilespmem:s11+$0x40]  }
0x70: {  	v1 =	vld [tilespmem:s11+$0x27C0];
	_ =	sdelay $0x6  }
0x71: {  	v2 =	vld.idx.msk [tilespmem:v0+s18+$0x0], $0xffff  }
0x72: {  	v3 =	vld.idx.msk [tilespmem:v1+s18+$0x0], $0xffff  }
0x73: {  	v4 =	vld.idx.msk [tilespmem:v0+s19+$0x0], $0xffff  }
0x74: {  	v5 =	vld.idx.msk [tilespmem:v1+s19+$0x0], $0xffff  }
0x75: {  	v0 =	vld.idx.msk [tilespmem:v0+s20+$0x0], $0xffff  }
0x76: {  	v1 =	vld.idx.msk [tilespmem:v1+s20+$0x0], $0xffff;
	_ =	sdelay $0x2  }
0x77: {  	v2 =	vsub.f32 v2, v3;
	v3 =	vsub.f32 v4, v5;
	_ =	sdelay $0x1  }
0x78: {  	v0 =	vsub.f32 v0, v1;
	v1 =	vmul.f32 v2, v2;
	v2 =	vmul.f32 v3, v3;
	_ =	sdelay $0x1  }
0x79: {  	v0 =	vmul.f32 v0, v0;
	v1 =	vadd.f32 v2, v1;
	_ =	sdelay $0x1  }
0x7a: {  	v0 =	vadd.f32 v0, v1;
	_ =	sdelay $0x1  }
0x7b: {  	s12 =	simm.s32 $0x0;
	[tilespmem:$0x165C0] =	vst v0  }
0x7c: {  	v7 =	vld [tilespmem:s12+$0x11580]  }
0x7d: {  	v11 =	vld [tilespmem:s12+$0x11590]  }
0x7e: {  	v5 =	vld [tilespmem:s12+$0x115A0]  }
0x7f: {  	v4 =	vld [tilespmem:s12+$0x115B0]  }
0x80: {  	v3 =	vld [tilespmem:s12+$0x115C0]  }
0x81: {  	v2 =	vld [tilespmem:s12+$0x115D0]  }
0x82: {  	v1 =	vld [tilespmem:s12+$0x115E0]  }
0x83: {  	v0 =	vld [tilespmem:s12+$0x115F0]  }
0x84: {  	v12 =	vld [tilespmem:s12+$0xC580]  }
0x85: {  	v13 =	vld [tilespmem:s12+$0xC590]  }
0x86: {  	v10 =	vld [tilespmem:s12+$0xC5A0]  }
0x87: {  	v9 =	vld [tilespmem:s12+$0xC5B0]  }
0x88: {  	v8 =	vld [tilespmem:s12+$0xC5C0]  }
0x89: {  	v6 =	vld [tilespmem:s12+$0xC5D0];
	v12 =	vadd.bf16 v7, v12  }
0x8a: {  	s13 =	simm.s32 $0x200;
	v11 =	vadd.bf16 v11, v13;
	v7 =	vld [tilespmem:s12+$0xC5E0]  }
.LBB2_3:
0x8b: {  	s14 =	sshra.s32 s13, $0x2;
	p0 =	sne.s32 s13, $0x9E00;
	[tilespmem:s12+$0xC580] =	vst v12;
	v5 =	vadd.bf16 v5, v10;
	v10 =	vld [tilespmem:s12+$0xC5F0]  }
0x8c: {  	v12 =	vld [tilespmem:s14+$0x11580];
	[tilespmem:s12+$0xC590] =	vst v11;
	v4 =	vadd.bf16 v4, v9  }
0x8d: {  	v11 =	vld [tilespmem:s14+$0x11590];
	[tilespmem:s12+$0xC5A0] =	vst v5;
	v3 =	vadd.bf16 v3, v8  }
0x8e: {  	v5 =	vld [tilespmem:s14+$0x115A0];
	[tilespmem:s12+$0xC5B0] =	vst v4;
	v2 =	vadd.bf16 v2, v6  }
0x8f: {  	v4 =	vld [tilespmem:s14+$0x115B0];
	[tilespmem:s12+$0xC5C0] =	vst v3;
	v1 =	vadd.bf16 v1, v7  }
0x90: {  	v3 =	vld [tilespmem:s14+$0x115C0];
	[tilespmem:s12+$0xC5D0] =	vst v2;
	v0 =	vadd.bf16 v0, v10  }
0x91: {  	v2 =	vld [tilespmem:s14+$0x115D0];
	[tilespmem:s12+$0xC5E0] =	vst v1  }
0x92: {  	v1 =	vld [tilespmem:s14+$0x115E0];
	[tilespmem:s12+$0xC5F0] =	vst v0;
	s12 =	smov.u32 s14  }
0x93: {  	v0 =	vld [tilespmem:s12+$0x115F0]  }
0x94: {  	v6 =	vld [tilespmem:s12+$0xC580]  }
0x95: {  	v7 =	vld [tilespmem:s12+$0xC590]  }
.Ltmp0:
0x96: {  	v10 =	vld [tilespmem:s12+$0xC5A0];
	(pc) =	sbr.rel @p0 .LBB2_3-.Ltmp0, $4  }
0x97: {  	v9 =	vld [tilespmem:s12+$0xC5B0]  }
0x98: {  	v8 =	vld [tilespmem:s12+$0xC5C0]  }
0x99: {  	v12 =	vadd.bf16 v12, v6;
	v6 =	vld [tilespmem:s12+$0xC5D0]  }
0x9a: {  	s13 =	sadd.s32 $0x200, s13;
	v11 =	vadd.bf16 v11, v7;
	v7 =	vld [tilespmem:s12+$0xC5E0]  }
0x9b: {  	[tilespmem:s12+$0xC580] =	vst v12;
	v5 =	vadd.bf16 v5, v10;
	v10 =	vld [tilespmem:s12+$0xC5F0]  }
0x9c: {  	[tilespmem:s12+$0xC590] =	vst v11;
	v4 =	vadd.bf16 v4, v9  }
0x9d: {  	[tilespmem:s12+$0xC5A0] =	vst v5;
	v3 =	vadd.bf16 v3, v8  }
0x9e: {  	[tilespmem:s12+$0xC5B0] =	vst v4;
	v2 =	vadd.bf16 v2, v6  }
0x9f: {  	[tilespmem:s12+$0xC5C0] =	vst v3;
	v1 =	vadd.bf16 v1, v7  }
0xa0: {  	s13 =	sadd.s32 s5, s11;
	[tilespmem:s12+$0xC5D0] =	vst v2;
	v0 =	vadd.bf16 v0, v10  }
0xa1: {  	s14 =	sshll.u32 s13, $0x4;
	[tilespmem:s12+$0xC5E0] =	vst v1  }
0xa2: {  	s13 =	sshrl.u32 s13, $0x3;
	[tilespmem:s12+$0xC5F0] =	vst v0;
	s12 =	sadd.s32 s9, s14;
	s14 =	simm.s32 $0x0  }
0xa3: {  	[hbm4b:s12+s14] =	stream.linear.scatter [tilespmem:s22], [sflag:$0x5], $0x2800, $0x38;
	[tilespmem:$0x16680] =	vst v63  }
0xa4: {  	s12 =	sadd.s32 s10, s13  }
0xa5: {  	[hbm4b:s12+s14] =	stream.linear.scatter [tilespmem:s29], [sflag:$0x5], $0x50, $0x38;
	[tilespmem:$0x16680] =	vst v63  }
0xa6: {  	_ =	swait.ge [sflag:s30], $0x2800  }
0xa7: {  	[sflag:s30] =	ssyncset.done $0x0  }
0xa8: {  	[sflag:s30] =	ssyncadd.s32 $0xFFFFD800  }
0xa9: {  	_ =	swait.ge [sflag:s31], $0x2800  }
0xaa: {  	[sflag:s31] =	ssyncset.done $0x0  }
0xab: {  	[sflag:s31] =	ssyncadd.s32 $0xFFFFD800  }
0xac: {  	_ =	swait.ge [sflag:s2], $0x2800  }
0xad: {  	[sflag:s2] =	ssyncset.done $0x0  }
0xae: {  	[sflag:s2] =	ssyncadd.s32 $0xFFFFD800  }
0xaf: {  	_ =	swait.ge [sflag:s2], $0x50  }
0xb0: {  	[sflag:s2] =	ssyncset.done $0x0  }
0xb1: {  	s14 =	sadd.s32 $0xA0, s11;
	[sflag:s2] =	ssyncadd.s32 $0xFFFFFFB0  }
0xb2: {  	[tilespmem:s22], [sflag:$0x1] =	stream.indirect.gather [hbm4b:s1+s21], $0x80, s14, s21, $0xb8;
	[tilespmem:$0x16680] =	vst v63  }
0xb3: {  	s13 =	sadd.s32 $0x2820, s11  }
0xb4: {  	[tilespmem:s23], [sflag:$0x3] =	stream.indirect.gather [hbm4b:s6+s21], $0x80, s13, s21, $0xb8;
	[tilespmem:$0x16680] =	vst v63  }
0xb5: {  	v0 =	vld [tilespmem:s11+$0x50]  }
0xb6: {  	v1 =	vld [tilespmem:s17+$0x2780];
	_ =	sdelay $0x6  }
0xb7: {  	v2 =	vld.idx.msk [tilespmem:v0+s18+$0x0], $0xffff  }
0xb8: {  	v3 =	vld.idx.msk [tilespmem:v1+s18+$0x0], $0xffff  }
0xb9: {  	v4 =	vld.idx.msk [tilespmem:v0+s19+$0x0], $0xffff  }
0xba: {  	v5 =	vld.idx.msk [tilespmem:v1+s19+$0x0], $0xffff  }
0xbb: {  	v0 =	vld.idx.msk [tilespmem:v0+s20+$0x0], $0xffff  }
0xbc: {  	v1 =	vld.idx.msk [tilespmem:v1+s20+$0x0], $0xffff;
	_ =	sdelay $0x2  }
0xbd: {  	v2 =	vsub.f32 v2, v3;
	v3 =	vsub.f32 v4, v5;
	_ =	sdelay $0x1  }
0xbe: {  	v0 =	vsub.f32 v0, v1;
	v1 =	vmul.f32 v2, v2;
	v2 =	vmul.f32 v3, v3;
	_ =	sdelay $0x1  }
0xbf: {  	v0 =	vmul.f32 v0, v0;
	v1 =	vadd.f32 v2, v1;
	_ =	sdelay $0x1  }
0xc0: {  	v0 =	vadd.f32 v0, v1;
	_ =	sdelay $0x1  }
0xc1: {  	[tilespmem:$0x16600] =	vst v0  }
0xc2: {  	v0 =	vld [tilespmem:s11+$0x60]  }
0xc3: {  	v1 =	vld [tilespmem:s11+$0x27E0];
	_ =	sdelay $0x6  }
0xc4: {  	v2 =	vld.idx.msk [tilespmem:v0+s18+$0x0], $0xffff  }
0xc5: {  	v3 =	vld.idx.msk [tilespmem:v1+s18+$0x0], $0xffff  }
0xc6: {  	v4 =	vld.idx.msk [tilespmem:v0+s19+$0x0], $0xffff  }
0xc7: {  	v5 =	vld.idx.msk [tilespmem:v1+s19+$0x0], $0xffff  }
0xc8: {  	v0 =	vld.idx.msk [tilespmem:v0+s20+$0x0], $0xffff  }
0xc9: {  	v1 =	vld.idx.msk [tilespmem:v1+s20+$0x0], $0xffff;
	_ =	sdelay $0x2  }
0xca: {  	v2 =	vsub.f32 v2, v3;
	v3 =	vsub.f32 v4, v5;
	_ =	sdelay $0x1  }
0xcb: {  	v0 =	vsub.f32 v0, v1;
	v1 =	vmul.f32 v2, v2;
	v2 =	vmul.f32 v3, v3;
	_ =	sdelay $0x1  }
0xcc: {  	v0 =	vmul.f32 v0, v0;
	v1 =	vadd.f32 v2, v1;
	_ =	sdelay $0x1  }
0xcd: {  	v0 =	vadd.f32 v0, v1;
	_ =	sdelay $0x1  }
0xce: {  	[tilespmem:$0x16610] =	vst v0  }
0xcf: {  	v0 =	vld [tilespmem:s11+$0x70]  }
0xd0: {  	v1 =	vld [tilespmem:s11+$0x27F0];
	_ =	sdelay $0x6  }
0xd1: {  	v2 =	vld.idx.msk [tilespmem:v0+s18+$0x0], $0xffff  }
0xd2: {  	v3 =	vld.idx.msk [tilespmem:v1+s18+$0x0], $0xffff  }
0xd3: {  	v4 =	vld.idx.msk [tilespmem:v0+s19+$0x0], $0xffff  }
0xd4: {  	v5 =	vld.idx.msk [tilespmem:v1+s19+$0x0], $0xffff  }
0xd5: {  	v0 =	vld.idx.msk [tilespmem:v0+s20+$0x0], $0xffff  }
0xd6: {  	v1 =	vld.idx.msk [tilespmem:v1+s20+$0x0], $0xffff;
	_ =	sdelay $0x2  }
0xd7: {  	v2 =	vsub.f32 v2, v3;
	v3 =	vsub.f32 v4, v5;
	_ =	sdelay $0x1  }
0xd8: {  	v0 =	vsub.f32 v0, v1;
	v1 =	vmul.f32 v2, v2;
	v2 =	vmul.f32 v3, v3;
	_ =	sdelay $0x1  }
0xd9: {  	v0 =	vmul.f32 v0, v0;
	v1 =	vadd.f32 v2, v1;
	_ =	sdelay $0x1  }
0xda: {  	v0 =	vadd.f32 v0, v1;
	_ =	sdelay $0x1  }
0xdb: {  	s14 =	sand.u32 $0x3FE0, s11;
	[tilespmem:$0x16620] =	vst v0  }
0xdc: {  	v0 =	vld [tilespmem:s14+$0x80]  }
0xdd: {  	v1 =	vld [tilespmem:s14+$0x2800];
	_ =	sdelay $0x6  }
0xde: {  	v2 =	vld.idx.msk [tilespmem:v0+s18+$0x0], $0xffff  }
0xdf: {  	v3 =	vld.idx.msk [tilespmem:v1+s18+$0x0], $0xffff  }
0xe0: {  	v4 =	vld.idx.msk [tilespmem:v0+s19+$0x0], $0xffff  }
0xe1: {  	v5 =	vld.idx.msk [tilespmem:v1+s19+$0x0], $0xffff  }
0xe2: {  	v0 =	vld.idx.msk [tilespmem:v0+s20+$0x0], $0xffff  }
0xe3: {  	v1 =	vld.idx.msk [tilespmem:v1+s20+$0x0], $0xffff;
	_ =	sdelay $0x2  }
0xe4: {  	v2 =	vsub.f32 v2, v3;
	v3 =	vsub.f32 v4, v5;
	_ =	sdelay $0x1  }
0xe5: {  	v0 =	vsub.f32 v0, v1;
	v1 =	vmul.f32 v2, v2;
	v2 =	vmul.f32 v3, v3;
	_ =	sdelay $0x1  }
0xe6: {  	v0 =	vmul.f32 v0, v0;
	v1 =	vadd.f32 v2, v1;
	_ =	sdelay $0x1  }
0xe7: {  	v0 =	vadd.f32 v0, v1;
	_ =	sdelay $0x1  }
0xe8: {  	[tilespmem:$0x16630] =	vst v0  }
0xe9: {  	v0 =	vld [tilespmem:s11+$0x90]  }
0xea: {  	v1 =	vld [tilespmem:s11+$0x2810];
	_ =	sdelay $0x6  }
0xeb: {  	v2 =	vld.idx.msk [tilespmem:v0+s18+$0x0], $0xffff  }
0xec: {  	v3 =	vld.idx.msk [tilespmem:v1+s18+$0x0], $0xffff  }
0xed: {  	v4 =	vld.idx.msk [tilespmem:v0+s19+$0x0], $0xffff  }
0xee: {  	v5 =	vld.idx.msk [tilespmem:v1+s19+$0x0], $0xffff  }
0xef: {  	v0 =	vld.idx.msk [tilespmem:v0+s20+$0x0], $0xffff  }
0xf0: {  	v1 =	vld.idx.msk [tilespmem:v1+s20+$0x0], $0xffff;
	_ =	sdelay $0x2  }
0xf1: {  	v2 =	vsub.f32 v2, v3;
	v3 =	vsub.f32 v4, v5;
	_ =	sdelay $0x1  }
0xf2: {  	v0 =	vsub.f32 v0, v1;
	v1 =	vmul.f32 v2, v2;
	v2 =	vmul.f32 v3, v3;
	_ =	sdelay $0x1  }
0xf3: {  	v0 =	vmul.f32 v0, v0;
	v1 =	vadd.f32 v2, v1;
	_ =	sdelay $0x1  }
0xf4: {  	v0 =	vadd.f32 v0, v1;
	_ =	sdelay $0x1  }
0xf5: {  	s11 =	simm.s32 $0x0;
	[tilespmem:$0x16640] =	vst v0  }
0xf6: {  	v7 =	vld [tilespmem:s11+$0x13D80]  }
0xf7: {  	v11 =	vld [tilespmem:s11+$0x13D90]  }
0xf8: {  	v5 =	vld [tilespmem:s11+$0x13DA0]  }
0xf9: {  	v4 =	vld [tilespmem:s11+$0x13DB0]  }
0xfa: {  	v3 =	vld [tilespmem:s11+$0x13DC0]  }
0xfb: {  	v2 =	vld [tilespmem:s11+$0x13DD0]  }
0xfc: {  	v1 =	vld [tilespmem:s11+$0x13DE0]  }
0xfd: {  	v0 =	vld [tilespmem:s11+$0x13DF0]  }
0xfe: {  	v12 =	vld [tilespmem:s11+$0xED80]  }
0xff: {  	v13 =	vld [tilespmem:s11+$0xED90]  }
0x100: {  	v10 =	vld [tilespmem:s11+$0xEDA0]  }
0x101: {  	v9 =	vld [tilespmem:s11+$0xEDB0]  }
0x102: {  	v8 =	vld [tilespmem:s11+$0xEDC0]  }
0x103: {  	v6 =	vld [tilespmem:s11+$0xEDD0];
	v12 =	vadd.bf16 v7, v12  }
0x104: {  	s12 =	simm.s32 $0x200;
	v11 =	vadd.bf16 v11, v13;
	v7 =	vld [tilespmem:s11+$0xEDE0]  }
.LBB2_5:
0x105: {  	s13 =	sshra.s32 s12, $0x2;
	p0 =	sne.s32 s12, $0x9E00;
	[tilespmem:s11+$0xED80] =	vst v12;
	v5 =	vadd.bf16 v5, v10;
	v10 =	vld [tilespmem:s11+$0xEDF0]  }
0x106: {  	v12 =	vld [tilespmem:s13+$0x13D80];
	[tilespmem:s11+$0xED90] =	vst v11;
	v4 =	vadd.bf16 v4, v9  }
0x107: {  	v11 =	vld [tilespmem:s13+$0x13D90];
	[tilespmem:s11+$0xEDA0] =	vst v5;
	v3 =	vadd.bf16 v3, v8  }
0x108: {  	v5 =	vld [tilespmem:s13+$0x13DA0];
	[tilespmem:s11+$0xEDB0] =	vst v4;
	v2 =	vadd.bf16 v2, v6  }
0x109: {  	v4 =	vld [tilespmem:s13+$0x13DB0];
	[tilespmem:s11+$0xEDC0] =	vst v3;
	v1 =	vadd.bf16 v1, v7  }
0x10a: {  	v3 =	vld [tilespmem:s13+$0x13DC0];
	[tilespmem:s11+$0xEDD0] =	vst v2;
	v0 =	vadd.bf16 v0, v10  }
0x10b: {  	v2 =	vld [tilespmem:s13+$0x13DD0];
	[tilespmem:s11+$0xEDE0] =	vst v1  }
0x10c: {  	v1 =	vld [tilespmem:s13+$0x13DE0];
	[tilespmem:s11+$0xEDF0] =	vst v0;
	s11 =	smov.u32 s13  }
0x10d: {  	v0 =	vld [tilespmem:s11+$0x13DF0]  }
0x10e: {  	v6 =	vld [tilespmem:s11+$0xED80]  }
0x10f: {  	v7 =	vld [tilespmem:s11+$0xED90]  }
.Ltmp1:
0x110: {  	v10 =	vld [tilespmem:s11+$0xEDA0];
	(pc) =	sbr.rel @p0 .LBB2_5-.Ltmp1, $4  }
0x111: {  	v9 =	vld [tilespmem:s11+$0xEDB0]  }
0x112: {  	v8 =	vld [tilespmem:s11+$0xEDC0]  }
0x113: {  	v12 =	vadd.bf16 v12, v6;
	v6 =	vld [tilespmem:s11+$0xEDD0]  }
0x114: {  	s12 =	sadd.s32 $0x200, s12;
	v11 =	vadd.bf16 v11, v7;
	v7 =	vld [tilespmem:s11+$0xEDE0]  }
0x115: {  	[tilespmem:s11+$0xED80] =	vst v12;
	v5 =	vadd.bf16 v5, v10;
	v63 =	vld [tilespmem:s11+$0xEDF0]  }
0x116: {  	[tilespmem:s11+$0xED90] =	vst v11;
	v4 =	vadd.bf16 v4, v9  }
0x117: {  	[tilespmem:s11+$0xEDA0] =	vst v5;
	v3 =	vadd.bf16 v3, v8  }
0x118: {  	[tilespmem:s11+$0xEDB0] =	vst v4;
	v2 =	vadd.bf16 v2, v6  }
0x119: {  	s8 =	sadd.s32 $0x1, s8;
	[tilespmem:s11+$0xEDC0] =	vst v3;
	v1 =	vadd.bf16 v1, v7  }
0x11a: {  	s12 =	sadd.s32 s5, s17;
	p0 =	sne.s32 s8, $0x3E;
	[tilespmem:s11+$0xEDD0] =	vst v2;
	v0 =	vadd.bf16 v0, v63  }
.Ltmp2:
0x11b: {  	s13 =	sshll.u32 s12, $0x4;
	[tilespmem:s11+$0xEDE0] =	vst v1;
	(pc) =	sbr.rel @p0 .LBB2_2-.Ltmp2, $4  }
0x11c: {  	s17 =	sshrl.u32 s12, $0x3;
	s14 =	sadd.s32 s9, s13;
	[tilespmem:s11+$0xEDF0] =	vst v0  }
0x11d: {  	[hbm4b:s14+s4] =	stream.linear.scatter [tilespmem:s26], [sflag:$0x6], $0x2800, $0x38;
	[tilespmem:$0x16680] =	vst v63  }
0x11e: {  	s11 =	sadd.s32 s10, s17  }
0x11f: {  	[hbm4b:s11+s4] =	stream.linear.scatter [tilespmem:s0], [sflag:$0x6], $0x50, $0x38;
	[tilespmem:$0x16680] =	vst v63  }
0x120: {  	_ =	swait.ge [sflag:s24], $0x2800  }
0x121: {  	[sflag:s24] =	ssyncset.done $0x0  }
0x122: {  	[sflag:s24] =	ssyncadd.s32 $0xFFFFD800  }
0x123: {  	_ =	swait.ge [sflag:s25], $0x2800  }
0x124: {  	[sflag:s25] =	ssyncset.done $0x0  }
0x125: {  	[sflag:s25] =	ssyncadd.s32 $0xFFFFD800  }
0x126: {  	_ =	swait.ge [sflag:s3], $0x2800  }
0x127: {  	[sflag:s3] =	ssyncset.done $0x0  }
0x128: {  	[sflag:s3] =	ssyncadd.s32 $0xFFFFD800  }
0x129: {  	_ =	swait.ge [sflag:s3], $0x50  }
0x12a: {  	[sflag:s3] =	ssyncset.done $0x0  }
0x12b: {  	[sflag:s3] =	ssyncadd.s32 $0xFFFFFFB0  }
0x12c: {  	v0 =	vld [tilespmem:$0x26C0]  }
0x12d: {  	v1 =	vld [tilespmem:$0x4E40];
	_ =	sdelay $0x6  }
0x12e: {  	v2 =	vld.idx.msk [tilespmem:v0+s18+$0x0], $0xffff  }
0x12f: {  	v3 =	vld.idx.msk [tilespmem:v1+s18+$0x0], $0xffff  }
0x130: {  	v4 =	vld.idx.msk [tilespmem:v0+s19+$0x0], $0xffff  }
0x131: {  	v5 =	vld.idx.msk [tilespmem:v1+s19+$0x0], $0xffff  }
0x132: {  	v0 =	vld.idx.msk [tilespmem:v0+s20+$0x0], $0xffff  }
0x133: {  	v1 =	vld.idx.msk [tilespmem:v1+s20+$0x0], $0xffff;
	_ =	sdelay $0x2  }
0x134: {  	v2 =	vsub.f32 v2, v3;
	v3 =	vsub.f32 v4, v5  }
0x135: {  	v4 =	vld [tilespmem:$0x26D0]  }
0x136: {  	v0 =	vsub.f32 v0, v1;
	v1 =	vmul.f32 v2, v2;
	v2 =	vmul.f32 v3, v3  }
0x137: {  	v3 =	vld [tilespmem:$0x4E50]  }
0x138: {  	v0 =	vmul.f32 v0, v0;
	v1 =	vadd.f32 v2, v1;
	_ =	sdelay $0x1  }
0x139: {  	v0 =	vadd.f32 v0, v1;
	_ =	sdelay $0x1  }
0x13a: {  	[tilespmem:$0x16580] =	vst v0  }
0x13b: {  	v0 =	vld.idx.msk [tilespmem:v4+s18+$0x0], $0xffff  }
0x13c: {  	v2 =	vld.idx.msk [tilespmem:v4+s19+$0x0], $0xffff  }
0x13d: {  	v1 =	vld.idx.msk [tilespmem:v3+s18+$0x0], $0xffff  }
0x13e: {  	v5 =	vld.idx.msk [tilespmem:v3+s19+$0x0], $0xffff  }
0x13f: {  	v4 =	vld.idx.msk [tilespmem:v4+s20+$0x0], $0xffff  }
0x140: {  	v3 =	vld.idx.msk [tilespmem:v3+s20+$0x0], $0xffff;
	_ =	sdelay $0x2  }
0x141: {  	v0 =	vsub.f32 v0, v1;
	v1 =	vsub.f32 v2, v5  }
0x142: {  	v2 =	vld [tilespmem:$0x26E0]  }
0x143: {  	v3 =	vsub.f32 v4, v3;
	v4 =	vld [tilespmem:$0x4E60];
	v0 =	vmul.f32 v0, v0;
	v1 =	vmul.f32 v1, v1;
	_ =	sdelay $0x1  }
0x144: {  	v0 =	vadd.f32 v1, v0;
	v1 =	vmul.f32 v3, v3;
	_ =	sdelay $0x1  }
0x145: {  	v0 =	vadd.f32 v1, v0;
	_ =	sdelay $0x1  }
0x146: {  	[tilespmem:$0x16590] =	vst v0  }
0x147: {  	v0 =	vld.idx.msk [tilespmem:v2+s18+$0x0], $0xffff  }
0x148: {  	v1 =	vld.idx.msk [tilespmem:v4+s18+$0x0], $0xffff  }
0x149: {  	v3 =	vld.idx.msk [tilespmem:v2+s19+$0x0], $0xffff  }
0x14a: {  	v5 =	vld.idx.msk [tilespmem:v4+s19+$0x0], $0xffff  }
0x14b: {  	v2 =	vld.idx.msk [tilespmem:v2+s20+$0x0], $0xffff  }
0x14c: {  	v4 =	vld.idx.msk [tilespmem:v4+s20+$0x0], $0xffff;
	_ =	sdelay $0x2  }
0x14d: {  	v0 =	vsub.f32 v0, v1;
	v1 =	vsub.f32 v3, v5  }
0x14e: {  	v3 =	vld [tilespmem:$0x26F0]  }
0x14f: {  	v2 =	vsub.f32 v2, v4;
	v4 =	vld [tilespmem:$0x4E70];
	v0 =	vmul.f32 v0, v0;
	v1 =	vmul.f32 v1, v1;
	_ =	sdelay $0x1  }
0x150: {  	v0 =	vadd.f32 v1, v0;
	v1 =	vmul.f32 v2, v2;
	_ =	sdelay $0x1  }
0x151: {  	v0 =	vadd.f32 v1, v0;
	_ =	sdelay $0x1  }
0x152: {  	[tilespmem:$0x165A0] =	vst v0  }
0x153: {  	v0 =	vld.idx.msk [tilespmem:v3+s18+$0x0], $0xffff  }
0x154: {  	v1 =	vld.idx.msk [tilespmem:v4+s18+$0x0], $0xffff  }
0x155: {  	v2 =	vld.idx.msk [tilespmem:v3+s19+$0x0], $0xffff  }
0x156: {  	v5 =	vld.idx.msk [tilespmem:v4+s19+$0x0], $0xffff  }
0x157: {  	v3 =	vld.idx.msk [tilespmem:v3+s20+$0x0], $0xffff  }
0x158: {  	v4 =	vld.idx.msk [tilespmem:v4+s20+$0x0], $0xffff;
	_ =	sdelay $0x2  }
0x159: {  	v0 =	vsub.f32 v0, v1;
	v1 =	vsub.f32 v2, v5  }
0x15a: {  	v2 =	vld [tilespmem:$0x2700]  }
0x15b: {  	v3 =	vsub.f32 v3, v4;
	v4 =	vld [tilespmem:$0x4E80];
	v0 =	vmul.f32 v0, v0;
	v1 =	vmul.f32 v1, v1;
	_ =	sdelay $0x1  }
0x15c: {  	v0 =	vadd.f32 v1, v0;
	v1 =	vmul.f32 v3, v3;
	_ =	sdelay $0x1  }
0x15d: {  	v0 =	vadd.f32 v1, v0;
	_ =	sdelay $0x1  }
0x15e: {  	[tilespmem:$0x165B0] =	vst v0  }
0x15f: {  	v0 =	vld.idx.msk [tilespmem:v2+s18+$0x0], $0xffff  }
0x160: {  	v1 =	vld.idx.msk [tilespmem:v4+s18+$0x0], $0xffff  }
0x161: {  	v3 =	vld.idx.msk [tilespmem:v2+s19+$0x0], $0xffff  }
0x162: {  	v5 =	vld.idx.msk [tilespmem:v4+s19+$0x0], $0xffff  }
0x163: {  	v2 =	vld.idx.msk [tilespmem:v2+s20+$0x0], $0xffff  }
0x164: {  	v4 =	vld.idx.msk [tilespmem:v4+s20+$0x0], $0xffff;
	_ =	sdelay $0x2  }
0x165: {  	v0 =	vsub.f32 v0, v1;
	v1 =	vsub.f32 v3, v5;
	_ =	sdelay $0x1  }
0x166: {  	v2 =	vsub.f32 v2, v4;
	v0 =	vmul.f32 v0, v0;
	v1 =	vmul.f32 v1, v1;
	_ =	sdelay $0x1  }
0x167: {  	v0 =	vadd.f32 v1, v0;
	v1 =	vmul.f32 v2, v2;
	_ =	sdelay $0x1  }
0x168: {  	v0 =	vadd.f32 v1, v0;
	_ =	sdelay $0x1  }
0x169: {  	s8 =	simm.s32 $0x0;
	[tilespmem:$0x165C0] =	vst v0  }
0x16a: {  	v7 =	vld [tilespmem:s8+$0x11580]  }
0x16b: {  	v11 =	vld [tilespmem:s8+$0x11590]  }
0x16c: {  	v5 =	vld [tilespmem:s8+$0x115A0]  }
0x16d: {  	v4 =	vld [tilespmem:s8+$0x115B0]  }
0x16e: {  	v3 =	vld [tilespmem:s8+$0x115C0]  }
0x16f: {  	v2 =	vld [tilespmem:s8+$0x115D0]  }
0x170: {  	v1 =	vld [tilespmem:s8+$0x115E0]  }
0x171: {  	v0 =	vld [tilespmem:s8+$0x115F0]  }
0x172: {  	v12 =	vld [tilespmem:s8+$0xC580]  }
0x173: {  	v13 =	vld [tilespmem:s8+$0xC590]  }
0x174: {  	v10 =	vld [tilespmem:s8+$0xC5A0]  }
0x175: {  	v9 =	vld [tilespmem:s8+$0xC5B0]  }
0x176: {  	v8 =	vld [tilespmem:s8+$0xC5C0]  }
0x177: {  	v6 =	vld [tilespmem:s8+$0xC5D0];
	v12 =	vadd.bf16 v7, v12  }
0x178: {  	s11 =	simm.s32 $0x200;
	v11 =	vadd.bf16 v11, v13;
	v7 =	vld [tilespmem:s8+$0xC5E0]  }
.LBB2_8:
0x179: {  	s12 =	sshra.s32 s11, $0x2;
	p0 =	sne.s32 s11, $0x9E00;
	[tilespmem:s8+$0xC580] =	vst v12;
	v5 =	vadd.bf16 v5, v10;
	v10 =	vld [tilespmem:s8+$0xC5F0]  }
0x17a: {  	v12 =	vld [tilespmem:s12+$0x11580];
	[tilespmem:s8+$0xC590] =	vst v11;
	v4 =	vadd.bf16 v4, v9  }
0x17b: {  	v11 =	vld [tilespmem:s12+$0x11590];
	[tilespmem:s8+$0xC5A0] =	vst v5;
	v3 =	vadd.bf16 v3, v8  }
0x17c: {  	v5 =	vld [tilespmem:s12+$0x115A0];
	[tilespmem:s8+$0xC5B0] =	vst v4;
	v2 =	vadd.bf16 v2, v6  }
0x17d: {  	v4 =	vld [tilespmem:s12+$0x115B0];
	[tilespmem:s8+$0xC5C0] =	vst v3;
	v1 =	vadd.bf16 v1, v7  }
0x17e: {  	v3 =	vld [tilespmem:s12+$0x115C0];
	[tilespmem:s8+$0xC5D0] =	vst v2;
	v0 =	vadd.bf16 v0, v10  }
0x17f: {  	v2 =	vld [tilespmem:s12+$0x115D0];
	[tilespmem:s8+$0xC5E0] =	vst v1  }
0x180: {  	v1 =	vld [tilespmem:s12+$0x115E0];
	[tilespmem:s8+$0xC5F0] =	vst v0;
	s8 =	smov.u32 s12  }
0x181: {  	v0 =	vld [tilespmem:s8+$0x115F0]  }
0x182: {  	v6 =	vld [tilespmem:s8+$0xC580]  }
0x183: {  	v7 =	vld [tilespmem:s8+$0xC590]  }
.Ltmp3:
0x184: {  	v10 =	vld [tilespmem:s8+$0xC5A0];
	(pc) =	sbr.rel @p0 .LBB2_8-.Ltmp3, $4  }
0x185: {  	v9 =	vld [tilespmem:s8+$0xC5B0]  }
0x186: {  	v8 =	vld [tilespmem:s8+$0xC5C0]  }
0x187: {  	v12 =	vadd.bf16 v12, v6;
	v6 =	vld [tilespmem:s8+$0xC5D0]  }
0x188: {  	s11 =	sadd.s32 $0x200, s11;
	v11 =	vadd.bf16 v11, v7;
	v7 =	vld [tilespmem:s8+$0xC5E0]  }
0x189: {  	[tilespmem:s8+$0xC580] =	vst v12;
	v5 =	vadd.bf16 v5, v10;
	v63 =	vld [tilespmem:s8+$0xC5F0]  }
0x18a: {  	[tilespmem:s8+$0xC590] =	vst v11;
	v4 =	vadd.bf16 v4, v9  }
0x18b: {  	[tilespmem:s8+$0xC5A0] =	vst v5;
	v3 =	vadd.bf16 v3, v8  }
0x18c: {  	[tilespmem:s8+$0xC5B0] =	vst v4;
	v2 =	vadd.bf16 v2, v6  }
0x18d: {  	[tilespmem:s8+$0xC5C0] =	vst v3;
	v1 =	vadd.bf16 v1, v7  }
0x18e: {  	[tilespmem:s8+$0xC5D0] =	vst v2;
	v0 =	vadd.bf16 v0, v63  }
0x18f: {  	[tilespmem:s8+$0xC5E0] =	vst v1  }
0x190: {  	s14 =	rddreg [dreg:$0x8];
	[tilespmem:s8+$0xC5F0] =	vst v0  }
0x191: {  	[hbm4b:s14+s4] =	stream.linear.scatter [tilespmem:s22], [sflag:$0x5], $0x2800, $0x38;
	[tilespmem:$0x16680] =	vst v63  }
0x192: {  	s17 =	rddreg [dreg:$0x9];
	s7 =	sadd.s32 $0x1, s7  }
0x193: {  	[hbm4b:s17+s4] =	stream.linear.scatter [tilespmem:s29], [sflag:$0x5], $0x50, $0x38;
	[tilespmem:$0x16680] =	vst v63  }
0x194: {  	p0 =	sne.s32 s7, s15;
	_ =	swait.ge [sflag:s2], $0x2800  }
.Ltmp4:
0x195: {  	[sflag:s2] =	ssyncset.done $0x0;
	(pc) =	sbr.rel @p0 .LBB2_1-.Ltmp4, $4  }
0x196: {  	[sflag:s2] =	ssyncadd.s32 $0xFFFFD800  }
0x197: {  	_ =	swait.ge [sflag:s2], $0x50  }
0x198: {  	[sflag:s2] =	ssyncset.done $0x0  }
0x199: {  	[sflag:s2] =	ssyncadd.s32 $0xFFFFFFB0  }
0x19a: {  	_ =	sfence.sel $0x180000  }
0x19b: {  	[bflag:$0x0] =	sbarrier.arrive $0xFFFF  }
0x19c: {  	_ =	strace $0x90000047  }
0x19d: {  	s0 =	stileid.u32;
	[bflag:$0x2] =	sbarrier.arrive $0xFFFF  }
0x19e: {  	p0 =	sne.s32 s0, $0x0;
	s0 =	rddreg [dreg:$0x3]  }
0x19f: {  	s0 =	sadd.s32 @!p0 $0x100000, s0  }
0x1a0: {  	[sflag:s0] =	ssyncadd.tile.s32 @!p0 $0x1;
	_ =	shalt  }
.Lfunc_end2:
_tile_overlayer_lowered:
.L_overlay_start_2:
0x1a1: {  	(tag) =	ssettag $0x2  }
0x1a2: {  	s0 =	rddreg [dreg:$0x0];
	s2 =	stileid.u32  }
0x1a3: {  	s1 =	rddreg [dreg:$0x1];
	p0 =	sne.s32 s2, $0x0  }
0x1a4: {  	s3 =	rddreg [dreg:$0x2];
	[bflag:$0x3] =	sbarrier.arrive $0xFFFF;
	s2 =	simm.s32 @!p0 $0x1C07  }
0x1a5: {  	[timem:s3], [sflag:s2] =	dma.local @!p0 [hbm:s0], s1  }
0x1a6: {  	s0 =	simm.s32 @!p0 $0x7  }
0x1a7: {  	_ =	swait.ge @!p0 [sflag:s0], s1  }
0x1a8: {  	s1 =	ssub.s32 @!p0 $0x0, s1;
	[sflag:s0] =	ssyncset.done @!p0 $0x0  }
0x1a9: {  	[sflag:s0] =	ssyncadd.s32 @!p0 s1  }
0x1aa: {  	[bflag:$0x3] =	sbarrier.arrive $0xFFFF  }
0x1ab: {  	_ =	shalt  }

</sc_bundles>
